<compile_context>
chip_gen: v7x
topology: tpu7x:2x2x1
jax: 0.10.2.dev20260603
libtpu: 0.0.44.dev20260713+nightly
codegen_flags: <defaults>
</compile_context>

<pallas_src>
import functools

import jax
import jax.numpy as jnp
from jax import lax
from jax.experimental import pallas as pl
from jax.experimental.pallas import tpu as pltpu
from jax.experimental.pallas import tpu_sc as plsc

_B = 5000
_EPS = 1e-6

_N = 50000
_C = 512
_NW = 32
_CH = 40
_R_TC = 32080
_B2 = 3208
_WROWS = 560
_NPAIRS = 7


def _mlp_t(hT, W1T, b1, W2T, b2, W3T, b3, W4T, b4):
    a1 = jnp.maximum(jnp.dot(W1T, hT, preferred_element_type=jnp.float32) + b1, 0.0)
    a2 = jnp.maximum(jnp.dot(W2T, a1, preferred_element_type=jnp.float32) + b2, 0.0)
    a3 = jnp.maximum(jnp.dot(W3T, a2, preferred_element_type=jnp.float32) + b3, 0.0)
    return jnp.dot(W4T, a3, preferred_element_type=jnp.float32) + b4


def _dist_body(x_ref, keys_ref,
               W1_ref, b1c_ref, b1r_ref, W2_ref, b2c_ref, b2r_ref,
               W3_ref, b3c_ref, b3r_ref, W4_ref, b4c_ref, b4r_ref,
               d_ref, m_ref, s_ref, qc_ref, cc_ref, ms_ref, ss_ref):
    i = pl.program_id(0)
    params = (W1_ref[...], b1c_ref[...], W2_ref[...], b2c_ref[...],
              W3_ref[...], b3c_ref[...], W4_ref[...], b4c_ref[...])

    @pl.when(i == 0)
    def _init():
        dn = (((1,), (1,)), ((), ()))
        a1 = jnp.maximum(jax.lax.dot_general(x_ref[...], W1_ref[...], dn,
                                             preferred_element_type=jnp.float32)
                         + b1r_ref[...], 0.0)
        a2 = jnp.maximum(jax.lax.dot_general(a1, W2_ref[...], dn,
                                             preferred_element_type=jnp.float32)
                         + b2r_ref[...], 0.0)
        a3 = jnp.maximum(jax.lax.dot_general(a2, W3_ref[...], dn,
                                             preferred_element_type=jnp.float32)
                         + b3r_ref[...], 0.0)
        qx = (jax.lax.dot_general(a3, W4_ref[...], dn,
                                  preferred_element_type=jnp.float32)
              + b4r_ref[...])
        qc = qx - _EPS
        qc_ref[0:1, 0:3] = qc
        cc_ref[0] = jnp.sum(qc * qc)
        ms_ref[0] = jnp.float32(3.0e38)
        ss_ref[0] = jnp.float32(0.0)

    kxT = _mlp_t(keys_ref[...].T, *params)
    ssq = jnp.sum(kxT * kxT, axis=0, keepdims=True)
    cdot = jnp.dot(qc_ref[0:1, 0:3], kxT,
                   preferred_element_type=jnp.float32)
    d2 = jnp.maximum(ssq - 2.0 * cdot + cc_ref[0], 0.0)
    d = jnp.sqrt(d2)
    d_ref[...] = d.reshape(1, 1, _B)

    m_old = ms_ref[0]
    m_new = jnp.minimum(m_old, jnp.min(d))
    scale = jnp.exp(m_new - m_old)
    ss_ref[0] = ss_ref[0] * scale + jnp.sum(jnp.exp(m_new - d))
    ms_ref[0] = m_new

    m_ref[...] = jnp.full((1, 128), ms_ref[0], jnp.float32)
    s_ref[...] = jnp.full((1, 128), ss_ref[0], jnp.float32)


def _sc_body(d_hbm, m_hbm, classes_hbm, out_hbm,
             e_v, erep_v, cls_v, acc_v, m_v, sem0, sem1):
    wid = lax.axis_index("c") * 16 + lax.axis_index("s")
    start = _R_TC + _WROWS * wid

    pltpu.sync_copy(m_hbm.at[pl.ds(0, 16)], m_v)
    pltpu.sync_copy(d_hbm.at[pl.ds(start, _WROWS)], e_v)

    def _copy(chunk, buf):
        return pltpu.make_async_copy(
            classes_hbm.at[pl.ds(start + chunk * _CH, _CH)],
            cls_v.at[buf], sem0 if buf == 0 else sem1)

    _copy(0, 0).start()
    _copy(1, 1).start()

    mvec = m_v[...]
    bidx = [jnp.full((16,), r, jnp.int32) for r in range(16)]

    def conv_body(j, carry):
        e16 = jnp.exp(mvec - e_v[pl.ds(j * 16, 16)])
        for r in range(16):
            erep_v[pl.ds(j * 256 + r * 16, 16)] = e16.at[bidx[r]].get(
                mode="promise_in_bounds")
        return carry

    lax.fori_loop(0, _WROWS // 16, conv_body, 0)

    def _rows(buf_ref, rowbase, acc):
        def row_body(r, acc):
            eb = erep_v[pl.ds((rowbase + r) * 16, 16)]
            return tuple(acc[j] + eb * buf_ref[r, pl.ds(j * 16, 16)]
                         for j in range(_C // 16))
        return lax.fori_loop(0, _CH, row_body, acc)

    def pair_body(g, acc):
        c0 = 2 * g
        _copy(c0, 0).wait()
        acc = _rows(cls_v.at[0], c0 * _CH, acc)

        @pl.when(g + 1 < _NPAIRS)
        def _():
            _copy(c0 + 2, 0).start()

        _copy(c0 + 1, 1).wait()
        acc = _rows(cls_v.at[1], (c0 + 1) * _CH, acc)

        @pl.when(g + 1 < _NPAIRS)
        def _():
            _copy(c0 + 3, 1).start()

        return acc

    acc0 = tuple(jnp.zeros((16,), jnp.float32) for _ in range(_C // 16))
    acc = lax.fori_loop(0, _NPAIRS, pair_body, acc0)

    for j in range(_C // 16):
        acc_v[pl.ds(j * 16, 16)] = acc[j]
    pltpu.sync_copy(acc_v, out_hbm.at[wid])


def _reduce_body(d_ref, m_ref, c_ref, out_ref):
    i = pl.program_id(0)
    e = jnp.exp(m_ref[0, 0] - d_ref[...].reshape(1, _B2))
    p = jnp.dot(e, c_ref[...], preferred_element_type=jnp.float32)

    @pl.when(i == 0)
    def _():
        out_ref[...] = p

    @pl.when(i > 0)
    def _():
        out_ref[...] = out_ref[...] + p


def _combine_body(psc_ref, ptc_ref, s_ref, out_ref):
    s = s_ref[0, 0]
    total = jnp.sum(psc_ref[...], axis=0, keepdims=True) + ptc_ref[...]
    out_ref[...] = jnp.log(total / s + 1e-4)


def kernel(x, keys, classes, W1, b1, W2, b2, W3, b3, W4, b4):
    n, _ = keys.shape
    c = classes.shape[1]
    grid = n // _B
    W1T, W2T, W3T, W4T = W1.T, W2.T, W3.T, W4.T
    b1c, b2c, b3c, b4c = (b.reshape(-1, 1) for b in (b1, b2, b3, b4))
    b1r, b2r, b3r, b4r = (b.reshape(1, -1) for b in (b1, b2, b3, b4))
    full = lambda s: pl.BlockSpec(s, lambda i: (0, 0))
    d3, m_arr, s_arr = pl.pallas_call(
        _dist_body,
        grid=(grid,),
        in_specs=[
            full((1, x.shape[1])),
            pl.BlockSpec((_B, keys.shape[1]), lambda i: (i, 0)),
            full(W1T.shape), full(b1c.shape), full(b1r.shape),
            full(W2T.shape), full(b2c.shape), full(b2r.shape),
            full(W3T.shape), full(b3c.shape), full(b3r.shape),
            full(W4T.shape), full(b4c.shape), full(b4r.shape),
        ],
        out_specs=[
            pl.BlockSpec((1, 1, _B), lambda i: (i, 0, 0)),
            pl.BlockSpec((1, 128), lambda i: (0, 0)),
            pl.BlockSpec((1, 128), lambda i: (0, 0)),
        ],
        out_shape=[
            jax.ShapeDtypeStruct((grid, 1, _B), jnp.float32),
            jax.ShapeDtypeStruct((1, 128), jnp.float32),
            jax.ShapeDtypeStruct((1, 128), jnp.float32),
        ],
        scratch_shapes=[
            pltpu.VMEM((8, 128), jnp.float32),
            pltpu.SMEM((1,), jnp.float32),
            pltpu.SMEM((1,), jnp.float32),
            pltpu.SMEM((1,), jnp.float32),
        ],
    )(x, keys,
      W1T, b1c, b1r, W2T, b2c, b2r, W3T, b3c, b3r, W4T, b4c, b4r)

    dflat = d3.reshape(n)

    d_tc = dflat[:_R_TC].reshape(_R_TC // _B2, 1, _B2)
    partial_tc = pl.pallas_call(
        _reduce_body,
        grid=(_R_TC // _B2,),
        in_specs=[
            pl.BlockSpec((1, 1, _B2), lambda i: (i, 0, 0)),
            pl.BlockSpec((1, 128), lambda i: (0, 0)),
            pl.BlockSpec((_B2, c), lambda i: (i, 0)),
        ],
        out_specs=pl.BlockSpec((1, c), lambda i: (0, 0)),
        out_shape=jax.ShapeDtypeStruct((1, c), jnp.float32),
    )(d_tc, m_arr, classes)

    sc_kernel = functools.partial(
        pl.kernel,
        out_type=jax.ShapeDtypeStruct((_NW, c), jnp.float32),
        mesh=plsc.VectorSubcoreMesh(core_axis_name="c", subcore_axis_name="s",
                                    num_cores=2, num_subcores=16),
        scratch_types=[
            pltpu.VMEM((_WROWS,), jnp.float32),
            pltpu.VMEM((_WROWS * 16,), jnp.float32),
            pltpu.VMEM((2, _CH, c), jnp.float32),
            pltpu.VMEM((c,), jnp.float32),
            pltpu.VMEM((16,), jnp.float32),
            pltpu.SemaphoreType.DMA,
            pltpu.SemaphoreType.DMA,
        ],
    )(_sc_body)
    partials_sc = sc_kernel(dflat, m_arr.reshape(128), classes)

    out = pl.pallas_call(
        _combine_body,
        in_specs=[pl.BlockSpec((_NW, c), lambda: (0, 0)),
                  pl.BlockSpec((1, c), lambda: (0, 0)),
                  pl.BlockSpec((1, 128), lambda: (0, 0))],
        out_specs=pl.BlockSpec((1, c), lambda: (0, 0)),
        out_shape=jax.ShapeDtypeStruct((1, c), jnp.float32),
    )(partials_sc, partial_tc, s_arr)
    return out.reshape((c,))

# --- scband reference (transcript-rebuilt; emitter-appended) ---
"""Pipeline reference for scband-deep-boundary-tree-90228672954603 (READ-ONLY COPY).

The authoritative reference and input builder live on the scoring server;
editing this copy changes nothing except your own understanding.
"""

import jax, jax.numpy as jnp
import numpy as np


def _mlp(x, W1, b1, W2, b2, W3, b3, W4, b4):
    # TransformNetwork: 64 -> 100 -> 59 -> 60 -> 3 with ReLU between layers
    a1 = jax.nn.relu(x @ W1 + b1)
    a2 = jax.nn.relu(a1 @ W2 + b2)
    a3 = jax.nn.relu(a2 @ W3 + b3)
    return a3 @ W4 + b4


def _linear_params(k, fan_in, fan_out):
    kw, kb = jax.random.split(k)
    bound = 1.0 / np.sqrt(fan_in)
    W = jax.random.uniform(kw, (fan_in, fan_out), jnp.float32, -bound, bound)
    b = jax.random.uniform(kb, (fan_out,), jnp.float32, -bound, bound)
    return W, b


def setup_inputs(seed: int = 0):
    key = jax.random.key(seed)
    ks = jax.random.split(key, 8)
    N, D, C = 50000, 64, 512
    x = jax.random.normal(ks[0], (1, D), jnp.float32)
    keys = jax.random.normal(ks[1], (N, D), jnp.float32)
    classes = jax.random.uniform(ks[2], (N, C), jnp.float32)
    W1, b1 = _linear_params(ks[3], 64, 100)
    W2, b2 = _linear_params(ks[4], 100, 59)
    W3, b3 = _linear_params(ks[5], 59, 60)
    W4, b4 = _linear_params(ks[6], 60, 3)
    return {"x": x, "keys": keys, "classes": classes,
            "W1": W1, "b1": b1, "W2": W2, "b2": b2,
            "W3": W3, "b3": b3, "W4": W4, "b4": b4}


def reference(x, keys, classes, W1, b1, W2, b2, W3, b3, W4, b4):
    # query_tree with the tree flattened to root + all nodes as the neighborhood
    # (k = -1 single-hop case); forward's 'Final' path element computation.
    qx = _mlp(x, W1, b1, W2, b2, W3, b3, W4, b4)          # [1, 3]
    kx = _mlp(keys, W1, b1, W2, b2, W3, b3, W4, b4)       # [N, 3]
    eps = 1e-6
    # F.pairwise_distance(x1, x2, p=2): ||x1 - x2 + eps||_2 per row
    diff = kx - qx + eps
    dist = jnp.sqrt(jnp.sum(diff * diff, axis=1))          # [N]
    distances = dist[None, :]                              # [1, N] (transpose(1,0))
    sm_dist = jax.nn.softmax(-distances, axis=1)           # [1, N]
    probs = sm_dist @ classes                              # [1, C] == torch.mm(sm, classes)
    out = jnp.log(jnp.sum(probs, axis=0) + 0.0001)         # [C]
    return out

if __name__ == "__main__":
    import jax
    _d = setup_inputs()
    print(jax.jit(kernel)(*tuple(_d.values())))

</pallas_src>

<mosaic_0001>
#map = affine_map<(d0, d1) -> (0)>
#map1 = affine_map<(d0, d1) -> (0, 0)>
module attributes {stable_mosaic.version = 14 : i64} {
  func.func @_sc_body(%arg0: i32, %arg1: i32, %arg2: memref<50000xf32, #tpu.memory_space<hbm>>, %arg3: memref<128xf32, #tpu.memory_space<hbm>>, %arg4: memref<50000x512xf32, #tpu.memory_space<hbm>>, %arg5: memref<32x512xf32, #tpu.memory_space<hbm>>, %arg6: memref<560xf32, #tpu.memory_space<vmem>>, %arg7: memref<8960xf32, #tpu.memory_space<vmem>>, %arg8: memref<2x40x512xf32, #tpu.memory_space<vmem>>, %arg9: memref<512xf32, #tpu.memory_space<vmem>>, %arg10: memref<16xf32, #tpu.memory_space<vmem>>, %arg11: memref<!tpu.dma_semaphore, #tpu.memory_space<semaphore_mem>>, %arg12: memref<!tpu.dma_semaphore, #tpu.memory_space<semaphore_mem>>) attributes {dimension_semantics = [#tpu.dimension_semantics<core_parallel>, #tpu.dimension_semantics<subcore_parallel>], iteration_bounds = array<i64: 2, 16>, scalar_prefetch = 0 : i64, scratch_operands = 7 : i64, tpu.core_type = #tpu.core_type<sc_vector_subcore>, window_params = [{transform_indices = #map}, {transform_indices = #map}, {transform_indices = #map1}, {transform_indices = #map1}]} {
    %mul3A = arith.constant 16 : i32
    %mul3A_0 = arith.muli %arg0, %mul3A : i32
    %add3A = arith.addi %mul3A_0, %arg1 : i32
    %mul3A_1 = arith.constant 560 : i32
    %mul3A_2 = arith.muli %mul3A_1, %add3A : i32
    %add3A_3 = arith.constant 32080 : i32
    %add3A_4 = arith.addi %add3A_3, %mul3A_2 : i32
    "tpu.region"() ({
      %run_scoped3A = tpu.sem_alloc : memref<!tpu.dma_semaphore, #tpu.memory_space<semaphore_mem>>
      %dma_start3A_269 = arith.constant 0 : i32
      %dma_start3A_270 = tpu.memref_slice %arg3[%dma_start3A_269] : memref<128xf32, #tpu.memory_space<hbm>> -> memref<16xf32, #tpu.memory_space<hbm>>
      %dma_start3A_271 = arith.constant 0 : i32
      %dma_start3A_272 = tpu.memref_slice %arg3[%dma_start3A_271] : memref<128xf32, #tpu.memory_space<hbm>> -> memref<16xf32, #tpu.memory_space<hbm>>
      tpu.enqueue_dma source(%dma_start3A_272 : memref<16xf32, #tpu.memory_space<hbm>>) target(%arg10 : memref<16xf32, #tpu.memory_space<vmem>>) target_semaphore(%run_scoped3A : memref<!tpu.dma_semaphore, #tpu.memory_space<semaphore_mem>>)
      %dma_wait3A = arith.constant 0 : i32
      %dma_wait3A_273 = tpu.memref_slice %arg3[%dma_wait3A] : memref<128xf32, #tpu.memory_space<hbm>> -> memref<16xf32, #tpu.memory_space<hbm>>
      %dma_wait3A_274 = arith.constant 0 : i32
      %dma_wait3A_275 = tpu.memref_slice %arg3[%dma_wait3A_274] : memref<128xf32, #tpu.memory_space<hbm>> -> memref<16xf32, #tpu.memory_space<hbm>>
      tpu.wait_dma2 semaphore(%run_scoped3A : memref<!tpu.dma_semaphore, #tpu.memory_space<semaphore_mem>>) src(%dma_wait3A_275 : memref<16xf32, #tpu.memory_space<hbm>>) dst(%arg10 : memref<16xf32, #tpu.memory_space<vmem>>)
      tpu.yield
    }) : () -> ()
    "tpu.region"() ({
      %run_scoped3A = tpu.sem_alloc : memref<!tpu.dma_semaphore, #tpu.memory_space<semaphore_mem>>
      %dma_start3A_269 = tpu.memref_slice %arg2[%add3A_4] : memref<50000xf32, #tpu.memory_space<hbm>> -> memref<560xf32, #tpu.memory_space<hbm>>
      %dma_start3A_270 = tpu.memref_slice %arg2[%add3A_4] : memref<50000xf32, #tpu.memory_space<hbm>> -> memref<560xf32, #tpu.memory_space<hbm>>
      tpu.enqueue_dma source(%dma_start3A_270 : memref<560xf32, #tpu.memory_space<hbm>>) target(%arg6 : memref<560xf32, #tpu.memory_space<vmem>>) target_semaphore(%run_scoped3A : memref<!tpu.dma_semaphore, #tpu.memory_space<semaphore_mem>>)
      %dma_wait3A = tpu.memref_slice %arg2[%add3A_4] : memref<50000xf32, #tpu.memory_space<hbm>> -> memref<560xf32, #tpu.memory_space<hbm>>
      %dma_wait3A_271 = tpu.memref_slice %arg2[%add3A_4] : memref<50000xf32, #tpu.memory_space<hbm>> -> memref<560xf32, #tpu.memory_space<hbm>>
      tpu.wait_dma2 semaphore(%run_scoped3A : memref<!tpu.dma_semaphore, #tpu.memory_space<semaphore_mem>>) src(%dma_wait3A_271 : memref<560xf32, #tpu.memory_space<hbm>>) dst(%arg6 : memref<560xf32, #tpu.memory_space<vmem>>)
      tpu.yield
    }) : () -> ()
    %add3A_5 = arith.constant 0 : i32
    %add3A_6 = arith.addi %add3A_4, %add3A_5 : i32
    %dma_start3A = arith.constant 0 : i32
    %dma_start3A_7 = arith.constant 0 : i32
    %dma_start3A_8 = arith.constant 0 : i32
    %dma_start3A_9 = tpu.memref_slice %arg8[%dma_start3A, %dma_start3A_7, %dma_start3A_8] : memref<2x40x512xf32, #tpu.memory_space<vmem>> -> memref<1x40x512xf32, #tpu.memory_space<vmem>>
    %dma_start3A_10 = tpu.memref_squeeze %dma_start3A_9 : memref<1x40x512xf32, #tpu.memory_space<vmem>> -> memref<40x512xf32, #tpu.memory_space<vmem>>
    %dma_start3A_11 = arith.constant 0 : i32
    %dma_start3A_12 = tpu.memref_slice %arg4[%add3A_6, %dma_start3A_11] : memref<50000x512xf32, #tpu.memory_space<hbm>> -> memref<40x512xf32, #tpu.memory_space<hbm>>
    %dma_start3A_13 = arith.constant 0 : i32
    %dma_start3A_14 = arith.constant 0 : i32
    %dma_start3A_15 = tpu.memref_slice %arg8[%dma_start3A, %dma_start3A_13, %dma_start3A_14] : memref<2x40x512xf32, #tpu.memory_space<vmem>> -> memref<1x40x512xf32, #tpu.memory_space<vmem>>
    %dma_start3A_16 = tpu.memref_squeeze %dma_start3A_15 : memref<1x40x512xf32, #tpu.memory_space<vmem>> -> memref<40x512xf32, #tpu.memory_space<vmem>>
    %dma_start3A_17 = arith.constant 0 : i32
    %dma_start3A_18 = tpu.memref_slice %arg4[%add3A_6, %dma_start3A_17] : memref<50000x512xf32, #tpu.memory_space<hbm>> -> memref<40x512xf32, #tpu.memory_space<hbm>>
    tpu.enqueue_dma source(%dma_start3A_18 : memref<40x512xf32, #tpu.memory_space<hbm>>) target(%dma_start3A_16 : memref<40x512xf32, #tpu.memory_space<vmem>>) target_semaphore(%arg11 : memref<!tpu.dma_semaphore, #tpu.memory_space<semaphore_mem>>)
    %add3A_19 = arith.constant 40 : i32
    %add3A_20 = arith.addi %add3A_4, %add3A_19 : i32
    %dma_start3A_21 = arith.constant 1 : i32
    %dma_start3A_22 = arith.constant 0 : i32
    %dma_start3A_23 = arith.constant 0 : i32
    %dma_start3A_24 = tpu.memref_slice %arg8[%dma_start3A_21, %dma_start3A_22, %dma_start3A_23] : memref<2x40x512xf32, #tpu.memory_space<vmem>> -> memref<1x40x512xf32, #tpu.memory_space<vmem>>
    %dma_start3A_25 = tpu.memref_squeeze %dma_start3A_24 : memref<1x40x512xf32, #tpu.memory_space<vmem>> -> memref<40x512xf32, #tpu.memory_space<vmem>>
    %dma_start3A_26 = arith.constant 0 : i32
    %dma_start3A_27 = tpu.memref_slice %arg4[%add3A_20, %dma_start3A_26] : memref<50000x512xf32, #tpu.memory_space<hbm>> -> memref<40x512xf32, #tpu.memory_space<hbm>>
    %dma_start3A_28 = arith.constant 0 : i32
    %dma_start3A_29 = arith.constant 0 : i32
    %dma_start3A_30 = tpu.memref_slice %arg8[%dma_start3A_21, %dma_start3A_28, %dma_start3A_29] : memref<2x40x512xf32, #tpu.memory_space<vmem>> -> memref<1x40x512xf32, #tpu.memory_space<vmem>>
    %dma_start3A_31 = tpu.memref_squeeze %dma_start3A_30 : memref<1x40x512xf32, #tpu.memory_space<vmem>> -> memref<40x512xf32, #tpu.memory_space<vmem>>
    %dma_start3A_32 = arith.constant 0 : i32
    %dma_start3A_33 = tpu.memref_slice %arg4[%add3A_20, %dma_start3A_32] : memref<50000x512xf32, #tpu.memory_space<hbm>> -> memref<40x512xf32, #tpu.memory_space<hbm>>
    tpu.enqueue_dma source(%dma_start3A_33 : memref<40x512xf32, #tpu.memory_space<hbm>>) target(%dma_start3A_31 : memref<40x512xf32, #tpu.memory_space<vmem>>) target_semaphore(%arg12 : memref<!tpu.dma_semaphore, #tpu.memory_space<semaphore_mem>>)
    %get3A = arith.constant 0 : index
    %get3A_34 = tpu.vector_load %arg10[%get3A] {strides = array<i32>} : memref<16xf32, #tpu.memory_space<vmem>>, vector<16xf32>,
    %get3A_35 = vector.shape_cast %get3A_34 : vector<16xf32> to vector<16xf32>
    %broadcast_in_dim3A = arith.constant 0 : i32
    %broadcast_in_dim3A_36 = vector.broadcast %broadcast_in_dim3A : i32 to vector<16xi32>
    %broadcast_in_dim3A_37 = arith.constant 1 : i32
    %broadcast_in_dim3A_38 = vector.broadcast %broadcast_in_dim3A_37 : i32 to vector<16xi32>
    %broadcast_in_dim3A_39 = arith.constant 2 : i32
    %broadcast_in_dim3A_40 = vector.broadcast %broadcast_in_dim3A_39 : i32 to vector<16xi32>
    %broadcast_in_dim3A_41 = arith.constant 3 : i32
    %broadcast_in_dim3A_42 = vector.broadcast %broadcast_in_dim3A_41 : i32 to vector<16xi32>
    %broadcast_in_dim3A_43 = arith.constant 4 : i32
    %broadcast_in_dim3A_44 = vector.broadcast %broadcast_in_dim3A_43 : i32 to vector<16xi32>
    %broadcast_in_dim3A_45 = arith.constant 5 : i32
    %broadcast_in_dim3A_46 = vector.broadcast %broadcast_in_dim3A_45 : i32 to vector<16xi32>
    %broadcast_in_dim3A_47 = arith.constant 6 : i32
    %broadcast_in_dim3A_48 = vector.broadcast %broadcast_in_dim3A_47 : i32 to vector<16xi32>
    %broadcast_in_dim3A_49 = arith.constant 7 : i32
    %broadcast_in_dim3A_50 = vector.broadcast %broadcast_in_dim3A_49 : i32 to vector<16xi32>
    %broadcast_in_dim3A_51 = arith.constant 8 : i32
    %broadcast_in_dim3A_52 = vector.broadcast %broadcast_in_dim3A_51 : i32 to vector<16xi32>
    %broadcast_in_dim3A_53 = arith.constant 9 : i32
    %broadcast_in_dim3A_54 = vector.broadcast %broadcast_in_dim3A_53 : i32 to vector<16xi32>
    %broadcast_in_dim3A_55 = arith.constant 10 : i32
    %broadcast_in_dim3A_56 = vector.broadcast %broadcast_in_dim3A_55 : i32 to vector<16xi32>
    %broadcast_in_dim3A_57 = arith.constant 11 : i32
    %broadcast_in_dim3A_58 = vector.broadcast %broadcast_in_dim3A_57 : i32 to vector<16xi32>
    %broadcast_in_dim3A_59 = arith.constant 12 : i32
    %broadcast_in_dim3A_60 = vector.broadcast %broadcast_in_dim3A_59 : i32 to vector<16xi32>
    %broadcast_in_dim3A_61 = arith.constant 13 : i32
    %broadcast_in_dim3A_62 = vector.broadcast %broadcast_in_dim3A_61 : i32 to vector<16xi32>
    %broadcast_in_dim3A_63 = arith.constant 14 : i32
    %broadcast_in_dim3A_64 = vector.broadcast %broadcast_in_dim3A_63 : i32 to vector<16xi32>
    %broadcast_in_dim3A_65 = arith.constant 15 : i32
    %broadcast_in_dim3A_66 = vector.broadcast %broadcast_in_dim3A_65 : i32 to vector<16xi32>
    %scan3A = arith.constant 0 : i32
    %scan3A_67 = arith.constant 0 : i32
    %scan3A_68 = arith.constant 35 : i32
    %scan3A_69 = arith.addi %scan3A_67, %scan3A_68 : i32
    %scan3A_70 = arith.constant 1 : i32
    scf.for %scan3A_269 = %scan3A_67 to %scan3A_69 step %scan3A_70  : i32 {
      %mul3A_270 = arith.constant 16 : i32
      %mul3A_271 = arith.muli %scan3A_269, %mul3A_270 : i32
      %get3A_272 = arith.index_cast %mul3A_271 : i32 to index
      %get3A_273 = tpu.vector_load %arg6[%get3A_272] {strides = array<i32>} : memref<560xf32, #tpu.memory_space<vmem>>, vector<16xf32>,
      %get3A_274 = vector.shape_cast %get3A_273 : vector<16xf32> to vector<16xf32>
      %sub3A = arith.subf %get3A_35, %get3A_274 : vector<16xf32>
      %exp3A = math.exp %sub3A : vector<16xf32>
      %lt3A = arith.constant 0 : i32
      %lt3A_275 = vector.broadcast %lt3A : i32 to vector<16xi32>
      %lt3A_276 = arith.cmpi slt, %broadcast_in_dim3A_36, %lt3A_275 : vector<16xi32>
      %add3A_277 = arith.constant 16 : i32
      %add3A_278 = vector.broadcast %add3A_277 : i32 to vector<16xi32>
      %add3A_279 = arith.addi %broadcast_in_dim3A_36, %add3A_278 : vector<16xi32>
      %select_n3A = arith.select %lt3A_276, %add3A_279, %broadcast_in_dim3A_36 : vector<16xi1>, vector<16xi32>
      %broadcast_in_dim3A_280 = vector.shape_cast %select_n3A : vector<16xi32> to vector<16x1xi32>
      %gather3A = vector.shape_cast %broadcast_in_dim3A_280 : vector<16x1xi32> to vector<16xi32>
      %gather3A_281 = tpu.dynamic_gather %exp3A[%gather3A] in [0] : vector<16xf32>, vector<16xi32> -> vector<16xf32>
      %mul3A_282 = arith.constant 256 : i32
      %mul3A_283 = arith.muli %scan3A_269, %mul3A_282 : i32
      %add3A_284 = arith.constant 0 : i32
      %add3A_285 = arith.addi %mul3A_283, %add3A_284 : i32
      %swap3A_286 = arith.index_cast %add3A_285 : i32 to index
      %swap3A_287 = tpu.vector_load %arg7[%swap3A_286] {strides = array<i32>} : memref<8960xf32, #tpu.memory_space<vmem>>, vector<16xf32>,
      %swap3A_288 = vector.shape_cast %swap3A_287 : vector<16xf32> to vector<16xf32>
      %swap3A_289 = vector.shape_cast %gather3A_281 : vector<16xf32> to vector<16xf32>
      tpu.vector_store %arg7[%swap3A_286], %swap3A_289 {strides = array<i32>} : memref<8960xf32, #tpu.memory_space<vmem>>, vector<16xf32>,
      %lt3A_290 = arith.constant 0 : i32
      %lt3A_291 = vector.broadcast %lt3A_290 : i32 to vector<16xi32>
      %lt3A_292 = arith.cmpi slt, %broadcast_in_dim3A_38, %lt3A_291 : vector<16xi32>
      %add3A_293 = arith.constant 16 : i32
      %add3A_294 = vector.broadcast %add3A_293 : i32 to vector<16xi32>
      %add3A_295 = arith.addi %broadcast_in_dim3A_38, %add3A_294 : vector<16xi32>
      %select_n3A_296 = arith.select %lt3A_292, %add3A_295, %broadcast_in_dim3A_38 : vector<16xi1>, vector<16xi32>
      %broadcast_in_dim3A_297 = vector.shape_cast %select_n3A_296 : vector<16xi32> to vector<16x1xi32>
      %gather3A_298 = vector.shape_cast %broadcast_in_dim3A_297 : vector<16x1xi32> to vector<16xi32>
      %gather3A_299 = tpu.dynamic_gather %exp3A[%gather3A_298] in [0] : vector<16xf32>, vector<16xi32> -> vector<16xf32>
      %mul3A_300 = arith.constant 256 : i32
      %mul3A_301 = arith.muli %scan3A_269, %mul3A_300 : i32
      %add3A_302 = arith.constant 16 : i32
      %add3A_303 = arith.addi %mul3A_301, %add3A_302 : i32
      %swap3A_304 = arith.index_cast %add3A_303 : i32 to index
      %swap3A_305 = tpu.vector_load %arg7[%swap3A_304] {strides = array<i32>} : memref<8960xf32, #tpu.memory_space<vmem>>, vector<16xf32>,
      %swap3A_306 = vector.shape_cast %swap3A_305 : vector<16xf32> to vector<16xf32>
      %swap3A_307 = vector.shape_cast %gather3A_299 : vector<16xf32> to vector<16xf32>
      tpu.vector_store %arg7[%swap3A_304], %swap3A_307 {strides = array<i32>} : memref<8960xf32, #tpu.memory_space<vmem>>, vector<16xf32>,
      %lt3A_308 = arith.constant 0 : i32
      %lt3A_309 = vector.broadcast %lt3A_308 : i32 to vector<16xi32>
      %lt3A_310 = arith.cmpi slt, %broadcast_in_dim3A_40, %lt3A_309 : vector<16xi32>
      %add3A_311 = arith.constant 16 : i32
      %add3A_312 = vector.broadcast %add3A_311 : i32 to vector<16xi32>
      %add3A_313 = arith.addi %broadcast_in_dim3A_40, %add3A_312 : vector<16xi32>
      %select_n3A_314 = arith.select %lt3A_310, %add3A_313, %broadcast_in_dim3A_40 : vector<16xi1>, vector<16xi32>
      %broadcast_in_dim3A_315 = vector.shape_cast %select_n3A_314 : vector<16xi32> to vector<16x1xi32>
      %gather3A_316 = vector.shape_cast %broadcast_in_dim3A_315 : vector<16x1xi32> to vector<16xi32>
      %gather3A_317 = tpu.dynamic_gather %exp3A[%gather3A_316] in [0] : vector<16xf32>, vector<16xi32> -> vector<16xf32>
      %mul3A_318 = arith.constant 256 : i32
      %mul3A_319 = arith.muli %scan3A_269, %mul3A_318 : i32
      %add3A_320 = arith.constant 32 : i32
      %add3A_321 = arith.addi %mul3A_319, %add3A_320 : i32
      %swap3A_322 = arith.index_cast %add3A_321 : i32 to index
      %swap3A_323 = tpu.vector_load %arg7[%swap3A_322] {strides = array<i32>} : memref<8960xf32, #tpu.memory_space<vmem>>, vector<16xf32>,
      %swap3A_324 = vector.shape_cast %swap3A_323 : vector<16xf32> to vector<16xf32>
      %swap3A_325 = vector.shape_cast %gather3A_317 : vector<16xf32> to vector<16xf32>
      tpu.vector_store %arg7[%swap3A_322], %swap3A_325 {strides = array<i32>} : memref<8960xf32, #tpu.memory_space<vmem>>, vector<16xf32>,
      %lt3A_326 = arith.constant 0 : i32
      %lt3A_327 = vector.broadcast %lt3A_326 : i32 to vector<16xi32>
      %lt3A_328 = arith.cmpi slt, %broadcast_in_dim3A_42, %lt3A_327 : vector<16xi32>
      %add3A_329 = arith.constant 16 : i32
      %add3A_330 = vector.broadcast %add3A_329 : i32 to vector<16xi32>
      %add3A_331 = arith.addi %broadcast_in_dim3A_42, %add3A_330 : vector<16xi32>
      %select_n3A_332 = arith.select %lt3A_328, %add3A_331, %broadcast_in_dim3A_42 : vector<16xi1>, vector<16xi32>
      %broadcast_in_dim3A_333 = vector.shape_cast %select_n3A_332 : vector<16xi32> to vector<16x1xi32>
      %gather3A_334 = vector.shape_cast %broadcast_in_dim3A_333 : vector<16x1xi32> to vector<16xi32>
      %gather3A_335 = tpu.dynamic_gather %exp3A[%gather3A_334] in [0] : vector<16xf32>, vector<16xi32> -> vector<16xf32>
      %mul3A_336 = arith.constant 256 : i32
      %mul3A_337 = arith.muli %scan3A_269, %mul3A_336 : i32
      %add3A_338 = arith.constant 48 : i32
      %add3A_339 = arith.addi %mul3A_337, %add3A_338 : i32
      %swap3A_340 = arith.index_cast %add3A_339 : i32 to index
      %swap3A_341 = tpu.vector_load %arg7[%swap3A_340] {strides = array<i32>} : memref<8960xf32, #tpu.memory_space<vmem>>, vector<16xf32>,
      %swap3A_342 = vector.shape_cast %swap3A_341 : vector<16xf32> to vector<16xf32>
      %swap3A_343 = vector.shape_cast %gather3A_335 : vector<16xf32> to vector<16xf32>
      tpu.vector_store %arg7[%swap3A_340], %swap3A_343 {strides = array<i32>} : memref<8960xf32, #tpu.memory_space<vmem>>, vector<16xf32>,
      %lt3A_344 = arith.constant 0 : i32
      %lt3A_345 = vector.broadcast %lt3A_344 : i32 to vector<16xi32>
      %lt3A_346 = arith.cmpi slt, %broadcast_in_dim3A_44, %lt3A_345 : vector<16xi32>
      %add3A_347 = arith.constant 16 : i32
      %add3A_348 = vector.broadcast %add3A_347 : i32 to vector<16xi32>
      %add3A_349 = arith.addi %broadcast_in_dim3A_44, %add3A_348 : vector<16xi32>
      %select_n3A_350 = arith.select %lt3A_346, %add3A_349, %broadcast_in_dim3A_44 : vector<16xi1>, vector<16xi32>
      %broadcast_in_dim3A_351 = vector.shape_cast %select_n3A_350 : vector<16xi32> to vector<16x1xi32>
      %gather3A_352 = vector.shape_cast %broadcast_in_dim3A_351 : vector<16x1xi32> to vector<16xi32>
      %gather3A_353 = tpu.dynamic_gather %exp3A[%gather3A_352] in [0] : vector<16xf32>, vector<16xi32> -> vector<16xf32>
      %mul3A_354 = arith.constant 256 : i32
      %mul3A_355 = arith.muli %scan3A_269, %mul3A_354 : i32
      %add3A_356 = arith.constant 64 : i32
      %add3A_357 = arith.addi %mul3A_355, %add3A_356 : i32
      %swap3A_358 = arith.index_cast %add3A_357 : i32 to index
      %swap3A_359 = tpu.vector_load %arg7[%swap3A_358] {strides = array<i32>} : memref<8960xf32, #tpu.memory_space<vmem>>, vector<16xf32>,
      %swap3A_360 = vector.shape_cast %swap3A_359 : vector<16xf32> to vector<16xf32>
      %swap3A_361 = vector.shape_cast %gather3A_353 : vector<16xf32> to vector<16xf32>
      tpu.vector_store %arg7[%swap3A_358], %swap3A_361 {strides = array<i32>} : memref<8960xf32, #tpu.memory_space<vmem>>, vector<16xf32>,
      %lt3A_362 = arith.constant 0 : i32
      %lt3A_363 = vector.broadcast %lt3A_362 : i32 to vector<16xi32>
      %lt3A_364 = arith.cmpi slt, %broadcast_in_dim3A_46, %lt3A_363 : vector<16xi32>
      %add3A_365 = arith.constant 16 : i32
      %add3A_366 = vector.broadcast %add3A_365 : i32 to vector<16xi32>
      %add3A_367 = arith.addi %broadcast_in_dim3A_46, %add3A_366 : vector<16xi32>
      %select_n3A_368 = arith.select %lt3A_364, %add3A_367, %broadcast_in_dim3A_46 : vector<16xi1>, vector<16xi32>
      %broadcast_in_dim3A_369 = vector.shape_cast %select_n3A_368 : vector<16xi32> to vector<16x1xi32>
      %gather3A_370 = vector.shape_cast %broadcast_in_dim3A_369 : vector<16x1xi32> to vector<16xi32>
      %gather3A_371 = tpu.dynamic_gather %exp3A[%gather3A_370] in [0] : vector<16xf32>, vector<16xi32> -> vector<16xf32>
      %mul3A_372 = arith.constant 256 : i32
      %mul3A_373 = arith.muli %scan3A_269, %mul3A_372 : i32
      %add3A_374 = arith.constant 80 : i32
      %add3A_375 = arith.addi %mul3A_373, %add3A_374 : i32
      %swap3A_376 = arith.index_cast %add3A_375 : i32 to index
      %swap3A_377 = tpu.vector_load %arg7[%swap3A_376] {strides = array<i32>} : memref<8960xf32, #tpu.memory_space<vmem>>, vector<16xf32>,
      %swap3A_378 = vector.shape_cast %swap3A_377 : vector<16xf32> to vector<16xf32>
      %swap3A_379 = vector.shape_cast %gather3A_371 : vector<16xf32> to vector<16xf32>
      tpu.vector_store %arg7[%swap3A_376], %swap3A_379 {strides = array<i32>} : memref<8960xf32, #tpu.memory_space<vmem>>, vector<16xf32>,
      %lt3A_380 = arith.constant 0 : i32
      %lt3A_381 = vector.broadcast %lt3A_380 : i32 to vector<16xi32>
      %lt3A_382 = arith.cmpi slt, %broadcast_in_dim3A_48, %lt3A_381 : vector<16xi32>
      %add3A_383 = arith.constant 16 : i32
      %add3A_384 = vector.broadcast %add3A_383 : i32 to vector<16xi32>
      %add3A_385 = arith.addi %broadcast_in_dim3A_48, %add3A_384 : vector<16xi32>
      %select_n3A_386 = arith.select %lt3A_382, %add3A_385, %broadcast_in_dim3A_48 : vector<16xi1>, vector<16xi32>
      %broadcast_in_dim3A_387 = vector.shape_cast %select_n3A_386 : vector<16xi32> to vector<16x1xi32>
      %gather3A_388 = vector.shape_cast %broadcast_in_dim3A_387 : vector<16x1xi32> to vector<16xi32>
      %gather3A_389 = tpu.dynamic_gather %exp3A[%gather3A_388] in [0] : vector<16xf32>, vector<16xi32> -> vector<16xf32>
      %mul3A_390 = arith.constant 256 : i32
      %mul3A_391 = arith.muli %scan3A_269, %mul3A_390 : i32
      %add3A_392 = arith.constant 96 : i32
      %add3A_393 = arith.addi %mul3A_391, %add3A_392 : i32
      %swap3A_394 = arith.index_cast %add3A_393 : i32 to index
      %swap3A_395 = tpu.vector_load %arg7[%swap3A_394] {strides = array<i32>} : memref<8960xf32, #tpu.memory_space<vmem>>, vector<16xf32>,
      %swap3A_396 = vector.shape_cast %swap3A_395 : vector<16xf32> to vector<16xf32>
      %swap3A_397 = vector.shape_cast %gather3A_389 : vector<16xf32> to vector<16xf32>
      tpu.vector_store %arg7[%swap3A_394], %swap3A_397 {strides = array<i32>} : memref<8960xf32, #tpu.memory_space<vmem>>, vector<16xf32>,
      %lt3A_398 = arith.constant 0 : i32
      %lt3A_399 = vector.broadcast %lt3A_398 : i32 to vector<16xi32>
      %lt3A_400 = arith.cmpi slt, %broadcast_in_dim3A_50, %lt3A_399 : vector<16xi32>
      %add3A_401 = arith.constant 16 : i32
      %add3A_402 = vector.broadcast %add3A_401 : i32 to vector<16xi32>
      %add3A_403 = arith.addi %broadcast_in_dim3A_50, %add3A_402 : vector<16xi32>
      %select_n3A_404 = arith.select %lt3A_400, %add3A_403, %broadcast_in_dim3A_50 : vector<16xi1>, vector<16xi32>
      %broadcast_in_dim3A_405 = vector.shape_cast %select_n3A_404 : vector<16xi32> to vector<16x1xi32>
      %gather3A_406 = vector.shape_cast %broadcast_in_dim3A_405 : vector<16x1xi32> to vector<16xi32>
      %gather3A_407 = tpu.dynamic_gather %exp3A[%gather3A_406] in [0] : vector<16xf32>, vector<16xi32> -> vector<16xf32>
      %mul3A_408 = arith.constant 256 : i32
      %mul3A_409 = arith.muli %scan3A_269, %mul3A_408 : i32
      %add3A_410 = arith.constant 112 : i32
      %add3A_411 = arith.addi %mul3A_409, %add3A_410 : i32
      %swap3A_412 = arith.index_cast %add3A_411 : i32 to index
      %swap3A_413 = tpu.vector_load %arg7[%swap3A_412] {strides = array<i32>} : memref<8960xf32, #tpu.memory_space<vmem>>, vector<16xf32>,
      %swap3A_414 = vector.shape_cast %swap3A_413 : vector<16xf32> to vector<16xf32>
      %swap3A_415 = vector.shape_cast %gather3A_407 : vector<16xf32> to vector<16xf32>
      tpu.vector_store %arg7[%swap3A_412], %swap3A_415 {strides = array<i32>} : memref<8960xf32, #tpu.memory_space<vmem>>, vector<16xf32>,
      %lt3A_416 = arith.constant 0 : i32
      %lt3A_417 = vector.broadcast %lt3A_416 : i32 to vector<16xi32>
      %lt3A_418 = arith.cmpi slt, %broadcast_in_dim3A_52, %lt3A_417 : vector<16xi32>
      %add3A_419 = arith.constant 16 : i32
      %add3A_420 = vector.broadcast %add3A_419 : i32 to vector<16xi32>
      %add3A_421 = arith.addi %broadcast_in_dim3A_52, %add3A_420 : vector<16xi32>
      %select_n3A_422 = arith.select %lt3A_418, %add3A_421, %broadcast_in_dim3A_52 : vector<16xi1>, vector<16xi32>
      %broadcast_in_dim3A_423 = vector.shape_cast %select_n3A_422 : vector<16xi32> to vector<16x1xi32>
      %gather3A_424 = vector.shape_cast %broadcast_in_dim3A_423 : vector<16x1xi32> to vector<16xi32>
      %gather3A_425 = tpu.dynamic_gather %exp3A[%gather3A_424] in [0] : vector<16xf32>, vector<16xi32> -> vector<16xf32>
      %mul3A_426 = arith.constant 256 : i32
      %mul3A_427 = arith.muli %scan3A_269, %mul3A_426 : i32
      %add3A_428 = arith.constant 128 : i32
      %add3A_429 = arith.addi %mul3A_427, %add3A_428 : i32
      %swap3A_430 = arith.index_cast %add3A_429 : i32 to index
      %swap3A_431 = tpu.vector_load %arg7[%swap3A_430] {strides = array<i32>} : memref<8960xf32, #tpu.memory_space<vmem>>, vector<16xf32>,
      %swap3A_432 = vector.shape_cast %swap3A_431 : vector<16xf32> to vector<16xf32>
      %swap3A_433 = vector.shape_cast %gather3A_425 : vector<16xf32> to vector<16xf32>
      tpu.vector_store %arg7[%swap3A_430], %swap3A_433 {strides = array<i32>} : memref<8960xf32, #tpu.memory_space<vmem>>, vector<16xf32>,
      %lt3A_434 = arith.constant 0 : i32
      %lt3A_435 = vector.broadcast %lt3A_434 : i32 to vector<16xi32>
      %lt3A_436 = arith.cmpi slt, %broadcast_in_dim3A_54, %lt3A_435 : vector<16xi32>
      %add3A_437 = arith.constant 16 : i32
      %add3A_438 = vector.broadcast %add3A_437 : i32 to vector<16xi32>
      %add3A_439 = arith.addi %broadcast_in_dim3A_54, %add3A_438 : vector<16xi32>
      %select_n3A_440 = arith.select %lt3A_436, %add3A_439, %broadcast_in_dim3A_54 : vector<16xi1>, vector<16xi32>
      %broadcast_in_dim3A_441 = vector.shape_cast %select_n3A_440 : vector<16xi32> to vector<16x1xi32>
      %gather3A_442 = vector.shape_cast %broadcast_in_dim3A_441 : vector<16x1xi32> to vector<16xi32>
      %gather3A_443 = tpu.dynamic_gather %exp3A[%gather3A_442] in [0] : vector<16xf32>, vector<16xi32> -> vector<16xf32>
      %mul3A_444 = arith.constant 256 : i32
      %mul3A_445 = arith.muli %scan3A_269, %mul3A_444 : i32
      %add3A_446 = arith.constant 144 : i32
      %add3A_447 = arith.addi %mul3A_445, %add3A_446 : i32
      %swap3A_448 = arith.index_cast %add3A_447 : i32 to index
      %swap3A_449 = tpu.vector_load %arg7[%swap3A_448] {strides = array<i32>} : memref<8960xf32, #tpu.memory_space<vmem>>, vector<16xf32>,
      %swap3A_450 = vector.shape_cast %swap3A_449 : vector<16xf32> to vector<16xf32>
      %swap3A_451 = vector.shape_cast %gather3A_443 : vector<16xf32> to vector<16xf32>
      tpu.vector_store %arg7[%swap3A_448], %swap3A_451 {strides = array<i32>} : memref<8960xf32, #tpu.memory_space<vmem>>, vector<16xf32>,
      %lt3A_452 = arith.constant 0 : i32
      %lt3A_453 = vector.broadcast %lt3A_452 : i32 to vector<16xi32>
      %lt3A_454 = arith.cmpi slt, %broadcast_in_dim3A_56, %lt3A_453 : vector<16xi32>
      %add3A_455 = arith.constant 16 : i32
      %add3A_456 = vector.broadcast %add3A_455 : i32 to vector<16xi32>
      %add3A_457 = arith.addi %broadcast_in_dim3A_56, %add3A_456 : vector<16xi32>
      %select_n3A_458 = arith.select %lt3A_454, %add3A_457, %broadcast_in_dim3A_56 : vector<16xi1>, vector<16xi32>
      %broadcast_in_dim3A_459 = vector.shape_cast %select_n3A_458 : vector<16xi32> to vector<16x1xi32>
      %gather3A_460 = vector.shape_cast %broadcast_in_dim3A_459 : vector<16x1xi32> to vector<16xi32>
      %gather3A_461 = tpu.dynamic_gather %exp3A[%gather3A_460] in [0] : vector<16xf32>, vector<16xi32> -> vector<16xf32>
      %mul3A_462 = arith.constant 256 : i32
      %mul3A_463 = arith.muli %scan3A_269, %mul3A_462 : i32
      %add3A_464 = arith.constant 160 : i32
      %add3A_465 = arith.addi %mul3A_463, %add3A_464 : i32
      %swap3A_466 = arith.index_cast %add3A_465 : i32 to index
      %swap3A_467 = tpu.vector_load %arg7[%swap3A_466] {strides = array<i32>} : memref<8960xf32, #tpu.memory_space<vmem>>, vector<16xf32>,
      %swap3A_468 = vector.shape_cast %swap3A_467 : vector<16xf32> to vector<16xf32>
      %swap3A_469 = vector.shape_cast %gather3A_461 : vector<16xf32> to vector<16xf32>
      tpu.vector_store %arg7[%swap3A_466], %swap3A_469 {strides = array<i32>} : memref<8960xf32, #tpu.memory_space<vmem>>, vector<16xf32>,
      %lt3A_470 = arith.constant 0 : i32
      %lt3A_471 = vector.broadcast %lt3A_470 : i32 to vector<16xi32>
      %lt3A_472 = arith.cmpi slt, %broadcast_in_dim3A_58, %lt3A_471 : vector<16xi32>
      %add3A_473 = arith.constant 16 : i32
      %add3A_474 = vector.broadcast %add3A_473 : i32 to vector<16xi32>
      %add3A_475 = arith.addi %broadcast_in_dim3A_58, %add3A_474 : vector<16xi32>
      %select_n3A_476 = arith.select %lt3A_472, %add3A_475, %broadcast_in_dim3A_58 : vector<16xi1>, vector<16xi32>
      %broadcast_in_dim3A_477 = vector.shape_cast %select_n3A_476 : vector<16xi32> to vector<16x1xi32>
      %gather3A_478 = vector.shape_cast %broadcast_in_dim3A_477 : vector<16x1xi32> to vector<16xi32>
      %gather3A_479 = tpu.dynamic_gather %exp3A[%gather3A_478] in [0] : vector<16xf32>, vector<16xi32> -> vector<16xf32>
      %mul3A_480 = arith.constant 256 : i32
      %mul3A_481 = arith.muli %scan3A_269, %mul3A_480 : i32
      %add3A_482 = arith.constant 176 : i32
      %add3A_483 = arith.addi %mul3A_481, %add3A_482 : i32
      %swap3A_484 = arith.index_cast %add3A_483 : i32 to index
      %swap3A_485 = tpu.vector_load %arg7[%swap3A_484] {strides = array<i32>} : memref<8960xf32, #tpu.memory_space<vmem>>, vector<16xf32>,
      %swap3A_486 = vector.shape_cast %swap3A_485 : vector<16xf32> to vector<16xf32>
      %swap3A_487 = vector.shape_cast %gather3A_479 : vector<16xf32> to vector<16xf32>
      tpu.vector_store %arg7[%swap3A_484], %swap3A_487 {strides = array<i32>} : memref<8960xf32, #tpu.memory_space<vmem>>, vector<16xf32>,
      %lt3A_488 = arith.constant 0 : i32
      %lt3A_489 = vector.broadcast %lt3A_488 : i32 to vector<16xi32>
      %lt3A_490 = arith.cmpi slt, %broadcast_in_dim3A_60, %lt3A_489 : vector<16xi32>
      %add3A_491 = arith.constant 16 : i32
      %add3A_492 = vector.broadcast %add3A_491 : i32 to vector<16xi32>
      %add3A_493 = arith.addi %broadcast_in_dim3A_60, %add3A_492 : vector<16xi32>
      %select_n3A_494 = arith.select %lt3A_490, %add3A_493, %broadcast_in_dim3A_60 : vector<16xi1>, vector<16xi32>
      %broadcast_in_dim3A_495 = vector.shape_cast %select_n3A_494 : vector<16xi32> to vector<16x1xi32>
      %gather3A_496 = vector.shape_cast %broadcast_in_dim3A_495 : vector<16x1xi32> to vector<16xi32>
      %gather3A_497 = tpu.dynamic_gather %exp3A[%gather3A_496] in [0] : vector<16xf32>, vector<16xi32> -> vector<16xf32>
      %mul3A_498 = arith.constant 256 : i32
      %mul3A_499 = arith.muli %scan3A_269, %mul3A_498 : i32
      %add3A_500 = arith.constant 192 : i32
      %add3A_501 = arith.addi %mul3A_499, %add3A_500 : i32
      %swap3A_502 = arith.index_cast %add3A_501 : i32 to index
      %swap3A_503 = tpu.vector_load %arg7[%swap3A_502] {strides = array<i32>} : memref<8960xf32, #tpu.memory_space<vmem>>, vector<16xf32>,
      %swap3A_504 = vector.shape_cast %swap3A_503 : vector<16xf32> to vector<16xf32>
      %swap3A_505 = vector.shape_cast %gather3A_497 : vector<16xf32> to vector<16xf32>
      tpu.vector_store %arg7[%swap3A_502], %swap3A_505 {strides = array<i32>} : memref<8960xf32, #tpu.memory_space<vmem>>, vector<16xf32>,
      %lt3A_506 = arith.constant 0 : i32
      %lt3A_507 = vector.broadcast %lt3A_506 : i32 to vector<16xi32>
      %lt3A_508 = arith.cmpi slt, %broadcast_in_dim3A_62, %lt3A_507 : vector<16xi32>
      %add3A_509 = arith.constant 16 : i32
      %add3A_510 = vector.broadcast %add3A_509 : i32 to vector<16xi32>
      %add3A_511 = arith.addi %broadcast_in_dim3A_62, %add3A_510 : vector<16xi32>
      %select_n3A_512 = arith.select %lt3A_508, %add3A_511, %broadcast_in_dim3A_62 : vector<16xi1>, vector<16xi32>
      %broadcast_in_dim3A_513 = vector.shape_cast %select_n3A_512 : vector<16xi32> to vector<16x1xi32>
      %gather3A_514 = vector.shape_cast %broadcast_in_dim3A_513 : vector<16x1xi32> to vector<16xi32>
      %gather3A_515 = tpu.dynamic_gather %exp3A[%gather3A_514] in [0] : vector<16xf32>, vector<16xi32> -> vector<16xf32>
      %mul3A_516 = arith.constant 256 : i32
      %mul3A_517 = arith.muli %scan3A_269, %mul3A_516 : i32
      %add3A_518 = arith.constant 208 : i32
      %add3A_519 = arith.addi %mul3A_517, %add3A_518 : i32
      %swap3A_520 = arith.index_cast %add3A_519 : i32 to index
      %swap3A_521 = tpu.vector_load %arg7[%swap3A_520] {strides = array<i32>} : memref<8960xf32, #tpu.memory_space<vmem>>, vector<16xf32>,
      %swap3A_522 = vector.shape_cast %swap3A_521 : vector<16xf32> to vector<16xf32>
      %swap3A_523 = vector.shape_cast %gather3A_515 : vector<16xf32> to vector<16xf32>
      tpu.vector_store %arg7[%swap3A_520], %swap3A_523 {strides = array<i32>} : memref<8960xf32, #tpu.memory_space<vmem>>, vector<16xf32>,
      %lt3A_524 = arith.constant 0 : i32
      %lt3A_525 = vector.broadcast %lt3A_524 : i32 to vector<16xi32>
      %lt3A_526 = arith.cmpi slt, %broadcast_in_dim3A_64, %lt3A_525 : vector<16xi32>
      %add3A_527 = arith.constant 16 : i32
      %add3A_528 = vector.broadcast %add3A_527 : i32 to vector<16xi32>
      %add3A_529 = arith.addi %broadcast_in_dim3A_64, %add3A_528 : vector<16xi32>
      %select_n3A_530 = arith.select %lt3A_526, %add3A_529, %broadcast_in_dim3A_64 : vector<16xi1>, vector<16xi32>
      %broadcast_in_dim3A_531 = vector.shape_cast %select_n3A_530 : vector<16xi32> to vector<16x1xi32>
      %gather3A_532 = vector.shape_cast %broadcast_in_dim3A_531 : vector<16x1xi32> to vector<16xi32>
      %gather3A_533 = tpu.dynamic_gather %exp3A[%gather3A_532] in [0] : vector<16xf32>, vector<16xi32> -> vector<16xf32>
      %mul3A_534 = arith.constant 256 : i32
      %mul3A_535 = arith.muli %scan3A_269, %mul3A_534 : i32
      %add3A_536 = arith.constant 224 : i32
      %add3A_537 = arith.addi %mul3A_535, %add3A_536 : i32
      %swap3A_538 = arith.index_cast %add3A_537 : i32 to index
      %swap3A_539 = tpu.vector_load %arg7[%swap3A_538] {strides = array<i32>} : memref<8960xf32, #tpu.memory_space<vmem>>, vector<16xf32>,
      %swap3A_540 = vector.shape_cast %swap3A_539 : vector<16xf32> to vector<16xf32>
      %swap3A_541 = vector.shape_cast %gather3A_533 : vector<16xf32> to vector<16xf32>
      tpu.vector_store %arg7[%swap3A_538], %swap3A_541 {strides = array<i32>} : memref<8960xf32, #tpu.memory_space<vmem>>, vector<16xf32>,
      %lt3A_542 = arith.constant 0 : i32
      %lt3A_543 = vector.broadcast %lt3A_542 : i32 to vector<16xi32>
      %lt3A_544 = arith.cmpi slt, %broadcast_in_dim3A_66, %lt3A_543 : vector<16xi32>
      %add3A_545 = arith.constant 16 : i32
      %add3A_546 = vector.broadcast %add3A_545 : i32 to vector<16xi32>
      %add3A_547 = arith.addi %broadcast_in_dim3A_66, %add3A_546 : vector<16xi32>
      %select_n3A_548 = arith.select %lt3A_544, %add3A_547, %broadcast_in_dim3A_66 : vector<16xi1>, vector<16xi32>
      %broadcast_in_dim3A_549 = vector.shape_cast %select_n3A_548 : vector<16xi32> to vector<16x1xi32>
      %gather3A_550 = vector.shape_cast %broadcast_in_dim3A_549 : vector<16x1xi32> to vector<16xi32>
      %gather3A_551 = tpu.dynamic_gather %exp3A[%gather3A_550] in [0] : vector<16xf32>, vector<16xi32> -> vector<16xf32>
      %mul3A_552 = arith.constant 256 : i32
      %mul3A_553 = arith.muli %scan3A_269, %mul3A_552 : i32
      %add3A_554 = arith.constant 240 : i32
      %add3A_555 = arith.addi %mul3A_553, %add3A_554 : i32
      %swap3A_556 = arith.index_cast %add3A_555 : i32 to index
      %swap3A_557 = tpu.vector_load %arg7[%swap3A_556] {strides = array<i32>} : memref<8960xf32, #tpu.memory_space<vmem>>, vector<16xf32>,
      %swap3A_558 = vector.shape_cast %swap3A_557 : vector<16xf32> to vector<16xf32>
      %swap3A_559 = vector.shape_cast %gather3A_551 : vector<16xf32> to vector<16xf32>
      tpu.vector_store %arg7[%swap3A_556], %swap3A_559 {strides = array<i32>} : memref<8960xf32, #tpu.memory_space<vmem>>, vector<16xf32>,
    }
    %scan3A_71 = arith.constant 35 : i32
    %broadcast_in_dim3A_72 = arith.constant 0.000000e+00 : f32
    %broadcast_in_dim3A_73 = vector.broadcast %broadcast_in_dim3A_72 : f32 to vector<16xf32>
    %broadcast_in_dim3A_74 = arith.constant 0.000000e+00 : f32
    %broadcast_in_dim3A_75 = vector.broadcast %broadcast_in_dim3A_74 : f32 to vector<16xf32>
    %broadcast_in_dim3A_76 = arith.constant 0.000000e+00 : f32
    %broadcast_in_dim3A_77 = vector.broadcast %broadcast_in_dim3A_76 : f32 to vector<16xf32>
    %broadcast_in_dim3A_78 = arith.constant 0.000000e+00 : f32
    %broadcast_in_dim3A_79 = vector.broadcast %broadcast_in_dim3A_78 : f32 to vector<16xf32>
    %broadcast_in_dim3A_80 = arith.constant 0.000000e+00 : f32
    %broadcast_in_dim3A_81 = vector.broadcast %broadcast_in_dim3A_80 : f32 to vector<16xf32>
    %broadcast_in_dim3A_82 = arith.constant 0.000000e+00 : f32
    %broadcast_in_dim3A_83 = vector.broadcast %broadcast_in_dim3A_82 : f32 to vector<16xf32>
    %broadcast_in_dim3A_84 = arith.constant 0.000000e+00 : f32
    %broadcast_in_dim3A_85 = vector.broadcast %broadcast_in_dim3A_84 : f32 to vector<16xf32>
    %broadcast_in_dim3A_86 = arith.constant 0.000000e+00 : f32
    %broadcast_in_dim3A_87 = vector.broadcast %broadcast_in_dim3A_86 : f32 to vector<16xf32>
    %broadcast_in_dim3A_88 = arith.constant 0.000000e+00 : f32
    %broadcast_in_dim3A_89 = vector.broadcast %broadcast_in_dim3A_88 : f32 to vector<16xf32>
    %broadcast_in_dim3A_90 = arith.constant 0.000000e+00 : f32
    %broadcast_in_dim3A_91 = vector.broadcast %broadcast_in_dim3A_90 : f32 to vector<16xf32>
    %broadcast_in_dim3A_92 = arith.constant 0.000000e+00 : f32
    %broadcast_in_dim3A_93 = vector.broadcast %broadcast_in_dim3A_92 : f32 to vector<16xf32>
    %broadcast_in_dim3A_94 = arith.constant 0.000000e+00 : f32
    %broadcast_in_dim3A_95 = vector.broadcast %broadcast_in_dim3A_94 : f32 to vector<16xf32>
    %broadcast_in_dim3A_96 = arith.constant 0.000000e+00 : f32
    %broadcast_in_dim3A_97 = vector.broadcast %broadcast_in_dim3A_96 : f32 to vector<16xf32>
    %broadcast_in_dim3A_98 = arith.constant 0.000000e+00 : f32
    %broadcast_in_dim3A_99 = vector.broadcast %broadcast_in_dim3A_98 : f32 to vector<16xf32>
    %broadcast_in_dim3A_100 = arith.constant 0.000000e+00 : f32
    %broadcast_in_dim3A_101 = vector.broadcast %broadcast_in_dim3A_100 : f32 to vector<16xf32>
    %broadcast_in_dim3A_102 = arith.constant 0.000000e+00 : f32
    %broadcast_in_dim3A_103 = vector.broadcast %broadcast_in_dim3A_102 : f32 to vector<16xf32>
    %broadcast_in_dim3A_104 = arith.constant 0.000000e+00 : f32
    %broadcast_in_dim3A_105 = vector.broadcast %broadcast_in_dim3A_104 : f32 to vector<16xf32>
    %broadcast_in_dim3A_106 = arith.constant 0.000000e+00 : f32
    %broadcast_in_dim3A_107 = vector.broadcast %broadcast_in_dim3A_106 : f32 to vector<16xf32>
    %broadcast_in_dim3A_108 = arith.constant 0.000000e+00 : f32
    %broadcast_in_dim3A_109 = vector.broadcast %broadcast_in_dim3A_108 : f32 to vector<16xf32>
    %broadcast_in_dim3A_110 = arith.constant 0.000000e+00 : f32
    %broadcast_in_dim3A_111 = vector.broadcast %broadcast_in_dim3A_110 : f32 to vector<16xf32>
    %broadcast_in_dim3A_112 = arith.constant 0.000000e+00 : f32
    %broadcast_in_dim3A_113 = vector.broadcast %broadcast_in_dim3A_112 : f32 to vector<16xf32>
    %broadcast_in_dim3A_114 = arith.constant 0.000000e+00 : f32
    %broadcast_in_dim3A_115 = vector.broadcast %broadcast_in_dim3A_114 : f32 to vector<16xf32>
    %broadcast_in_dim3A_116 = arith.constant 0.000000e+00 : f32
    %broadcast_in_dim3A_117 = vector.broadcast %broadcast_in_dim3A_116 : f32 to vector<16xf32>
    %broadcast_in_dim3A_118 = arith.constant 0.000000e+00 : f32
    %broadcast_in_dim3A_119 = vector.broadcast %broadcast_in_dim3A_118 : f32 to vector<16xf32>
    %broadcast_in_dim3A_120 = arith.constant 0.000000e+00 : f32
    %broadcast_in_dim3A_121 = vector.broadcast %broadcast_in_dim3A_120 : f32 to vector<16xf32>
    %broadcast_in_dim3A_122 = arith.constant 0.000000e+00 : f32
    %broadcast_in_dim3A_123 = vector.broadcast %broadcast_in_dim3A_122 : f32 to vector<16xf32>
    %broadcast_in_dim3A_124 = arith.constant 0.000000e+00 : f32
    %broadcast_in_dim3A_125 = vector.broadcast %broadcast_in_dim3A_124 : f32 to vector<16xf32>
    %broadcast_in_dim3A_126 = arith.constant 0.000000e+00 : f32
    %broadcast_in_dim3A_127 = vector.broadcast %broadcast_in_dim3A_126 : f32 to vector<16xf32>
    %broadcast_in_dim3A_128 = arith.constant 0.000000e+00 : f32
    %broadcast_in_dim3A_129 = vector.broadcast %broadcast_in_dim3A_128 : f32 to vector<16xf32>
    %broadcast_in_dim3A_130 = arith.constant 0.000000e+00 : f32
    %broadcast_in_dim3A_131 = vector.broadcast %broadcast_in_dim3A_130 : f32 to vector<16xf32>
    %broadcast_in_dim3A_132 = arith.constant 0.000000e+00 : f32
    %broadcast_in_dim3A_133 = vector.broadcast %broadcast_in_dim3A_132 : f32 to vector<16xf32>
    %broadcast_in_dim3A_134 = arith.constant 0.000000e+00 : f32
    %broadcast_in_dim3A_135 = vector.broadcast %broadcast_in_dim3A_134 : f32 to vector<16xf32>
    %scan3A_136 = arith.constant 0 : i32
    %scan3A_137 = arith.constant 7 : i32
    %scan3A_138 = arith.addi %scan3A_136, %scan3A_137 : i32
    %scan3A_139 = arith.constant 1 : i32
    %scan3A_140:32 = scf.for %scan3A_269 = %scan3A_136 to %scan3A_138 step %scan3A_139 iter_args(%scan3A_270 = %broadcast_in_dim3A_73, %scan3A_271 = %broadcast_in_dim3A_75, %scan3A_272 = %broadcast_in_dim3A_77, %scan3A_273 = %broadcast_in_dim3A_79, %scan3A_274 = %broadcast_in_dim3A_81, %scan3A_275 = %broadcast_in_dim3A_83, %scan3A_276 = %broadcast_in_dim3A_85, %scan3A_277 = %broadcast_in_dim3A_87, %scan3A_278 = %broadcast_in_dim3A_89, %scan3A_279 = %broadcast_in_dim3A_91, %scan3A_280 = %broadcast_in_dim3A_93, %scan3A_281 = %broadcast_in_dim3A_95, %scan3A_282 = %broadcast_in_dim3A_97, %scan3A_283 = %broadcast_in_dim3A_99, %scan3A_284 = %broadcast_in_dim3A_101, %scan3A_285 = %broadcast_in_dim3A_103, %scan3A_286 = %broadcast_in_dim3A_105, %scan3A_287 = %broadcast_in_dim3A_107, %scan3A_288 = %broadcast_in_dim3A_109, %scan3A_289 = %broadcast_in_dim3A_111, %scan3A_290 = %broadcast_in_dim3A_113, %scan3A_291 = %broadcast_in_dim3A_115, %scan3A_292 = %broadcast_in_dim3A_117, %scan3A_293 = %broadcast_in_dim3A_119, %scan3A_294 = %broadcast_in_dim3A_121, %scan3A_295 = %broadcast_in_dim3A_123, %scan3A_296 = %broadcast_in_dim3A_125, %scan3A_297 = %broadcast_in_dim3A_127, %scan3A_298 = %broadcast_in_dim3A_129, %scan3A_299 = %broadcast_in_dim3A_131, %scan3A_300 = %broadcast_in_dim3A_133, %scan3A_301 = %broadcast_in_dim3A_135) -> (vector<16xf32>, vector<16xf32>, vector<16xf32>, vector<16xf32>, vector<16xf32>, vector<16xf32>, vector<16xf32>, vector<16xf32>, vector<16xf32>, vector<16xf32>, vector<16xf32>, vector<16xf32>, vector<16xf32>, vector<16xf32>, vector<16xf32>, vector<16xf32>, vector<16xf32>, vector<16xf32>, vector<16xf32>, vector<16xf32>, vector<16xf32>, vector<16xf32>, vector<16xf32>, vector<16xf32>, vector<16xf32>, vector<16xf32>, vector<16xf32>, vector<16xf32>, vector<16xf32>, vector<16xf32>, vector<16xf32>, vector<16xf32>)  : i32 {
      %mul3A_302 = arith.constant 2 : i32
      %mul3A_303 = arith.muli %mul3A_302, %scan3A_269 : i32
      %mul3A_304 = arith.constant 40 : i32
      %mul3A_305 = arith.muli %mul3A_303, %mul3A_304 : i32
      %add3A_306 = arith.addi %add3A_4, %mul3A_305 : i32
      %dma_wait3A = arith.constant 0 : i32
      %dma_wait3A_307 = arith.constant 0 : i32
      %dma_wait3A_308 = arith.constant 0 : i32
      %dma_wait3A_309 = tpu.memref_slice %arg8[%dma_wait3A, %dma_wait3A_307, %dma_wait3A_308] : memref<2x40x512xf32, #tpu.memory_space<vmem>> -> memref<1x40x512xf32, #tpu.memory_space<vmem>>
      %dma_wait3A_310 = tpu.memref_squeeze %dma_wait3A_309 : memref<1x40x512xf32, #tpu.memory_space<vmem>> -> memref<40x512xf32, #tpu.memory_space<vmem>>
      %dma_wait3A_311 = arith.constant 0 : i32
      %dma_wait3A_312 = tpu.memref_slice %arg4[%add3A_306, %dma_wait3A_311] : memref<50000x512xf32, #tpu.memory_space<hbm>> -> memref<40x512xf32, #tpu.memory_space<hbm>>
      %dma_wait3A_313 = arith.constant 0 : i32
      %dma_wait3A_314 = arith.constant 0 : i32
      %dma_wait3A_315 = tpu.memref_slice %arg8[%dma_wait3A, %dma_wait3A_313, %dma_wait3A_314] : memref<2x40x512xf32, #tpu.memory_space<vmem>> -> memref<1x40x512xf32, #tpu.memory_space<vmem>>
      %dma_wait3A_316 = tpu.memref_squeeze %dma_wait3A_315 : memref<1x40x512xf32, #tpu.memory_space<vmem>> -> memref<40x512xf32, #tpu.memory_space<vmem>>
      %dma_wait3A_317 = arith.constant 0 : i32
      %dma_wait3A_318 = tpu.memref_slice %arg4[%add3A_306, %dma_wait3A_317] : memref<50000x512xf32, #tpu.memory_space<hbm>> -> memref<40x512xf32, #tpu.memory_space<hbm>>
      tpu.wait_dma2 semaphore(%arg11 : memref<!tpu.dma_semaphore, #tpu.memory_space<semaphore_mem>>) src(%dma_wait3A_318 : memref<40x512xf32, #tpu.memory_space<hbm>>) dst(%dma_wait3A_316 : memref<40x512xf32, #tpu.memory_space<vmem>>)
      %mul3A_319 = arith.constant 40 : i32
      %mul3A_320 = arith.muli %mul3A_303, %mul3A_319 : i32
      %scan3A_321 = arith.constant 0 : i32
      %scan3A_322 = arith.constant 0 : i32
      %scan3A_323 = arith.constant 40 : i32
      %scan3A_324 = arith.addi %scan3A_322, %scan3A_323 : i32
      %scan3A_325 = arith.constant 1 : i32
      %scan3A_326:32 = scf.for %scan3A_368 = %scan3A_322 to %scan3A_324 step %scan3A_325 iter_args(%scan3A_369 = %scan3A_270, %scan3A_370 = %scan3A_271, %scan3A_371 = %scan3A_272, %scan3A_372 = %scan3A_273, %scan3A_373 = %scan3A_274, %scan3A_374 = %scan3A_275, %scan3A_375 = %scan3A_276, %scan3A_376 = %scan3A_277, %scan3A_377 = %scan3A_278, %scan3A_378 = %scan3A_279, %scan3A_379 = %scan3A_280, %scan3A_380 = %scan3A_281, %scan3A_381 = %scan3A_282, %scan3A_382 = %scan3A_283, %scan3A_383 = %scan3A_284, %scan3A_384 = %scan3A_285, %scan3A_385 = %scan3A_286, %scan3A_386 = %scan3A_287, %scan3A_387 = %scan3A_288, %scan3A_388 = %scan3A_289, %scan3A_389 = %scan3A_290, %scan3A_390 = %scan3A_291, %scan3A_391 = %scan3A_292, %scan3A_392 = %scan3A_293, %scan3A_393 = %scan3A_294, %scan3A_394 = %scan3A_295, %scan3A_395 = %scan3A_296, %scan3A_396 = %scan3A_297, %scan3A_397 = %scan3A_298, %scan3A_398 = %scan3A_299, %scan3A_399 = %scan3A_300, %scan3A_400 = %scan3A_301) -> (vector<16xf32>, vector<16xf32>, vector<16xf32>, vector<16xf32>, vector<16xf32>, vector<16xf32>, vector<16xf32>, vector<16xf32>, vector<16xf32>, vector<16xf32>, vector<16xf32>, vector<16xf32>, vector<16xf32>, vector<16xf32>, vector<16xf32>, vector<16xf32>, vector<16xf32>, vector<16xf32>, vector<16xf32>, vector<16xf32>, vector<16xf32>, vector<16xf32>, vector<16xf32>, vector<16xf32>, vector<16xf32>, vector<16xf32>, vector<16xf32>, vector<16xf32>, vector<16xf32>, vector<16xf32>, vector<16xf32>, vector<16xf32>)  : i32 {
        %add3A_401 = arith.addi %mul3A_320, %scan3A_368 : i32
        %mul3A_402 = arith.constant 16 : i32
        %mul3A_403 = arith.muli %add3A_401, %mul3A_402 : i32
        %get3A_404 = arith.index_cast %mul3A_403 : i32 to index
        %get3A_405 = tpu.vector_load %arg7[%get3A_404] {strides = array<i32>} : memref<8960xf32, #tpu.memory_space<vmem>>, vector<16xf32>,
        %get3A_406 = vector.shape_cast %get3A_405 : vector<16xf32> to vector<16xf32>
        %get3A_407 = arith.constant 0 : i32
        %get3A_408 = arith.constant 0 : i32
        %get3A_409 = tpu.memref_slice %arg8[%scan3A_321, %get3A_407, %get3A_408] : memref<2x40x512xf32, #tpu.memory_space<vmem>> -> memref<1x40x512xf32, #tpu.memory_space<vmem>>
        %get3A_410 = tpu.memref_squeeze %get3A_409 : memref<1x40x512xf32, #tpu.memory_space<vmem>> -> memref<40x512xf32, #tpu.memory_space<vmem>>
        %get3A_411 = arith.index_cast %scan3A_368 : i32 to index
        %get3A_412 = arith.constant 0 : index
        %get3A_413 = tpu.vector_load %get3A_410[%get3A_411, %get3A_412] {strides = array<i32>} : memref<40x512xf32, #tpu.memory_space<vmem>>, vector<1x16xf32>,
        %get3A_414 = vector.shape_cast %get3A_413 : vector<1x16xf32> to vector<16xf32>
        %mul3A_415 = arith.mulf %get3A_406, %get3A_414 : vector<16xf32>
        %add3A_416 = arith.addf %scan3A_369, %mul3A_415 : vector<16xf32>
        %get3A_417 = arith.constant 0 : i32
        %get3A_418 = arith.constant 0 : i32
        %get3A_419 = tpu.memref_slice %arg8[%scan3A_321, %get3A_417, %get3A_418] : memref<2x40x512xf32, #tpu.memory_space<vmem>> -> memref<1x40x512xf32, #tpu.memory_space<vmem>>
        %get3A_420 = tpu.memref_squeeze %get3A_419 : memref<1x40x512xf32, #tpu.memory_space<vmem>> -> memref<40x512xf32, #tpu.memory_space<vmem>>
        %get3A_421 = arith.index_cast %scan3A_368 : i32 to index
        %get3A_422 = arith.constant 16 : index
        %get3A_423 = tpu.vector_load %get3A_420[%get3A_421, %get3A_422] {strides = array<i32>} : memref<40x512xf32, #tpu.memory_space<vmem>>, vector<1x16xf32>,
        %get3A_424 = vector.shape_cast %get3A_423 : vector<1x16xf32> to vector<16xf32>
        %mul3A_425 = arith.mulf %get3A_406, %get3A_424 : vector<16xf32>
        %add3A_426 = arith.addf %scan3A_370, %mul3A_425 : vector<16xf32>
        %get3A_427 = arith.constant 0 : i32
        %get3A_428 = arith.constant 0 : i32
        %get3A_429 = tpu.memref_slice %arg8[%scan3A_321, %get3A_427, %get3A_428] : memref<2x40x512xf32, #tpu.memory_space<vmem>> -> memref<1x40x512xf32, #tpu.memory_space<vmem>>
        %get3A_430 = tpu.memref_squeeze %get3A_429 : memref<1x40x512xf32, #tpu.memory_space<vmem>> -> memref<40x512xf32, #tpu.memory_space<vmem>>
        %get3A_431 = arith.index_cast %scan3A_368 : i32 to index
        %get3A_432 = arith.constant 32 : index
        %get3A_433 = tpu.vector_load %get3A_430[%get3A_431, %get3A_432] {strides = array<i32>} : memref<40x512xf32, #tpu.memory_space<vmem>>, vector<1x16xf32>,
        %get3A_434 = vector.shape_cast %get3A_433 : vector<1x16xf32> to vector<16xf32>
        %mul3A_435 = arith.mulf %get3A_406, %get3A_434 : vector<16xf32>
        %add3A_436 = arith.addf %scan3A_371, %mul3A_435 : vector<16xf32>
        %get3A_437 = arith.constant 0 : i32
        %get3A_438 = arith.constant 0 : i32
        %get3A_439 = tpu.memref_slice %arg8[%scan3A_321, %get3A_437, %get3A_438] : memref<2x40x512xf32, #tpu.memory_space<vmem>> -> memref<1x40x512xf32, #tpu.memory_space<vmem>>
        %get3A_440 = tpu.memref_squeeze %get3A_439 : memref<1x40x512xf32, #tpu.memory_space<vmem>> -> memref<40x512xf32, #tpu.memory_space<vmem>>
        %get3A_441 = arith.index_cast %scan3A_368 : i32 to index
        %get3A_442 = arith.constant 48 : index
        %get3A_443 = tpu.vector_load %get3A_440[%get3A_441, %get3A_442] {strides = array<i32>} : memref<40x512xf32, #tpu.memory_space<vmem>>, vector<1x16xf32>,
        %get3A_444 = vector.shape_cast %get3A_443 : vector<1x16xf32> to vector<16xf32>
        %mul3A_445 = arith.mulf %get3A_406, %get3A_444 : vector<16xf32>
        %add3A_446 = arith.addf %scan3A_372, %mul3A_445 : vector<16xf32>
        %get3A_447 = arith.constant 0 : i32
        %get3A_448 = arith.constant 0 : i32
        %get3A_449 = tpu.memref_slice %arg8[%scan3A_321, %get3A_447, %get3A_448] : memref<2x40x512xf32, #tpu.memory_space<vmem>> -> memref<1x40x512xf32, #tpu.memory_space<vmem>>
        %get3A_450 = tpu.memref_squeeze %get3A_449 : memref<1x40x512xf32, #tpu.memory_space<vmem>> -> memref<40x512xf32, #tpu.memory_space<vmem>>
        %get3A_451 = arith.index_cast %scan3A_368 : i32 to index
        %get3A_452 = arith.constant 64 : index
        %get3A_453 = tpu.vector_load %get3A_450[%get3A_451, %get3A_452] {strides = array<i32>} : memref<40x512xf32, #tpu.memory_space<vmem>>, vector<1x16xf32>,
        %get3A_454 = vector.shape_cast %get3A_453 : vector<1x16xf32> to vector<16xf32>
        %mul3A_455 = arith.mulf %get3A_406, %get3A_454 : vector<16xf32>
        %add3A_456 = arith.addf %scan3A_373, %mul3A_455 : vector<16xf32>
        %get3A_457 = arith.constant 0 : i32
        %get3A_458 = arith.constant 0 : i32
        %get3A_459 = tpu.memref_slice %arg8[%scan3A_321, %get3A_457, %get3A_458] : memref<2x40x512xf32, #tpu.memory_space<vmem>> -> memref<1x40x512xf32, #tpu.memory_space<vmem>>
        %get3A_460 = tpu.memref_squeeze %get3A_459 : memref<1x40x512xf32, #tpu.memory_space<vmem>> -> memref<40x512xf32, #tpu.memory_space<vmem>>
        %get3A_461 = arith.index_cast %scan3A_368 : i32 to index
        %get3A_462 = arith.constant 80 : index
        %get3A_463 = tpu.vector_load %get3A_460[%get3A_461, %get3A_462] {strides = array<i32>} : memref<40x512xf32, #tpu.memory_space<vmem>>, vector<1x16xf32>,
        %get3A_464 = vector.shape_cast %get3A_463 : vector<1x16xf32> to vector<16xf32>
        %mul3A_465 = arith.mulf %get3A_406, %get3A_464 : vector<16xf32>
        %add3A_466 = arith.addf %scan3A_374, %mul3A_465 : vector<16xf32>
        %get3A_467 = arith.constant 0 : i32
        %get3A_468 = arith.constant 0 : i32
        %get3A_469 = tpu.memref_slice %arg8[%scan3A_321, %get3A_467, %get3A_468] : memref<2x40x512xf32, #tpu.memory_space<vmem>> -> memref<1x40x512xf32, #tpu.memory_space<vmem>>
        %get3A_470 = tpu.memref_squeeze %get3A_469 : memref<1x40x512xf32, #tpu.memory_space<vmem>> -> memref<40x512xf32, #tpu.memory_space<vmem>>
        %get3A_471 = arith.index_cast %scan3A_368 : i32 to index
        %get3A_472 = arith.constant 96 : index
        %get3A_473 = tpu.vector_load %get3A_470[%get3A_471, %get3A_472] {strides = array<i32>} : memref<40x512xf32, #tpu.memory_space<vmem>>, vector<1x16xf32>,
        %get3A_474 = vector.shape_cast %get3A_473 : vector<1x16xf32> to vector<16xf32>
        %mul3A_475 = arith.mulf %get3A_406, %get3A_474 : vector<16xf32>
        %add3A_476 = arith.addf %scan3A_375, %mul3A_475 : vector<16xf32>
        %get3A_477 = arith.constant 0 : i32
        %get3A_478 = arith.constant 0 : i32
        %get3A_479 = tpu.memref_slice %arg8[%scan3A_321, %get3A_477, %get3A_478] : memref<2x40x512xf32, #tpu.memory_space<vmem>> -> memref<1x40x512xf32, #tpu.memory_space<vmem>>
        %get3A_480 = tpu.memref_squeeze %get3A_479 : memref<1x40x512xf32, #tpu.memory_space<vmem>> -> memref<40x512xf32, #tpu.memory_space<vmem>>
        %get3A_481 = arith.index_cast %scan3A_368 : i32 to index
        %get3A_482 = arith.constant 112 : index
        %get3A_483 = tpu.vector_load %get3A_480[%get3A_481, %get3A_482] {strides = array<i32>} : memref<40x512xf32, #tpu.memory_space<vmem>>, vector<1x16xf32>,
        %get3A_484 = vector.shape_cast %get3A_483 : vector<1x16xf32> to vector<16xf32>
        %mul3A_485 = arith.mulf %get3A_406, %get3A_484 : vector<16xf32>
        %add3A_486 = arith.addf %scan3A_376, %mul3A_485 : vector<16xf32>
        %get3A_487 = arith.constant 0 : i32
        %get3A_488 = arith.constant 0 : i32
        %get3A_489 = tpu.memref_slice %arg8[%scan3A_321, %get3A_487, %get3A_488] : memref<2x40x512xf32, #tpu.memory_space<vmem>> -> memref<1x40x512xf32, #tpu.memory_space<vmem>>
        %get3A_490 = tpu.memref_squeeze %get3A_489 : memref<1x40x512xf32, #tpu.memory_space<vmem>> -> memref<40x512xf32, #tpu.memory_space<vmem>>
        %get3A_491 = arith.index_cast %scan3A_368 : i32 to index
        %get3A_492 = arith.constant 128 : index
        %get3A_493 = tpu.vector_load %get3A_490[%get3A_491, %get3A_492] {strides = array<i32>} : memref<40x512xf32, #tpu.memory_space<vmem>>, vector<1x16xf32>,
        %get3A_494 = vector.shape_cast %get3A_493 : vector<1x16xf32> to vector<16xf32>
        %mul3A_495 = arith.mulf %get3A_406, %get3A_494 : vector<16xf32>
        %add3A_496 = arith.addf %scan3A_377, %mul3A_495 : vector<16xf32>
        %get3A_497 = arith.constant 0 : i32
        %get3A_498 = arith.constant 0 : i32
        %get3A_499 = tpu.memref_slice %arg8[%scan3A_321, %get3A_497, %get3A_498] : memref<2x40x512xf32, #tpu.memory_space<vmem>> -> memref<1x40x512xf32, #tpu.memory_space<vmem>>
        %get3A_500 = tpu.memref_squeeze %get3A_499 : memref<1x40x512xf32, #tpu.memory_space<vmem>> -> memref<40x512xf32, #tpu.memory_space<vmem>>
        %get3A_501 = arith.index_cast %scan3A_368 : i32 to index
        %get3A_502 = arith.constant 144 : index
        %get3A_503 = tpu.vector_load %get3A_500[%get3A_501, %get3A_502] {strides = array<i32>} : memref<40x512xf32, #tpu.memory_space<vmem>>, vector<1x16xf32>,
        %get3A_504 = vector.shape_cast %get3A_503 : vector<1x16xf32> to vector<16xf32>
        %mul3A_505 = arith.mulf %get3A_406, %get3A_504 : vector<16xf32>
        %add3A_506 = arith.addf %scan3A_378, %mul3A_505 : vector<16xf32>
        %get3A_507 = arith.constant 0 : i32
        %get3A_508 = arith.constant 0 : i32
        %get3A_509 = tpu.memref_slice %arg8[%scan3A_321, %get3A_507, %get3A_508] : memref<2x40x512xf32, #tpu.memory_space<vmem>> -> memref<1x40x512xf32, #tpu.memory_space<vmem>>
        %get3A_510 = tpu.memref_squeeze %get3A_509 : memref<1x40x512xf32, #tpu.memory_space<vmem>> -> memref<40x512xf32, #tpu.memory_space<vmem>>
        %get3A_511 = arith.index_cast %scan3A_368 : i32 to index
        %get3A_512 = arith.constant 160 : index
        %get3A_513 = tpu.vector_load %get3A_510[%get3A_511, %get3A_512] {strides = array<i32>} : memref<40x512xf32, #tpu.memory_space<vmem>>, vector<1x16xf32>,
        %get3A_514 = vector.shape_cast %get3A_513 : vector<1x16xf32> to vector<16xf32>
        %mul3A_515 = arith.mulf %get3A_406, %get3A_514 : vector<16xf32>
        %add3A_516 = arith.addf %scan3A_379, %mul3A_515 : vector<16xf32>
        %get3A_517 = arith.constant 0 : i32
        %get3A_518 = arith.constant 0 : i32
        %get3A_519 = tpu.memref_slice %arg8[%scan3A_321, %get3A_517, %get3A_518] : memref<2x40x512xf32, #tpu.memory_space<vmem>> -> memref<1x40x512xf32, #tpu.memory_space<vmem>>
        %get3A_520 = tpu.memref_squeeze %get3A_519 : memref<1x40x512xf32, #tpu.memory_space<vmem>> -> memref<40x512xf32, #tpu.memory_space<vmem>>
        %get3A_521 = arith.index_cast %scan3A_368 : i32 to index
        %get3A_522 = arith.constant 176 : index
        %get3A_523 = tpu.vector_load %get3A_520[%get3A_521, %get3A_522] {strides = array<i32>} : memref<40x512xf32, #tpu.memory_space<vmem>>, vector<1x16xf32>,
        %get3A_524 = vector.shape_cast %get3A_523 : vector<1x16xf32> to vector<16xf32>
        %mul3A_525 = arith.mulf %get3A_406, %get3A_524 : vector<16xf32>
        %add3A_526 = arith.addf %scan3A_380, %mul3A_525 : vector<16xf32>
        %get3A_527 = arith.constant 0 : i32
        %get3A_528 = arith.constant 0 : i32
        %get3A_529 = tpu.memref_slice %arg8[%scan3A_321, %get3A_527, %get3A_528] : memref<2x40x512xf32, #tpu.memory_space<vmem>> -> memref<1x40x512xf32, #tpu.memory_space<vmem>>
        %get3A_530 = tpu.memref_squeeze %get3A_529 : memref<1x40x512xf32, #tpu.memory_space<vmem>> -> memref<40x512xf32, #tpu.memory_space<vmem>>
        %get3A_531 = arith.index_cast %scan3A_368 : i32 to index
        %get3A_532 = arith.constant 192 : index
        %get3A_533 = tpu.vector_load %get3A_530[%get3A_531, %get3A_532] {strides = array<i32>} : memref<40x512xf32, #tpu.memory_space<vmem>>, vector<1x16xf32>,
        %get3A_534 = vector.shape_cast %get3A_533 : vector<1x16xf32> to vector<16xf32>
        %mul3A_535 = arith.mulf %get3A_406, %get3A_534 : vector<16xf32>
        %add3A_536 = arith.addf %scan3A_381, %mul3A_535 : vector<16xf32>
        %get3A_537 = arith.constant 0 : i32
        %get3A_538 = arith.constant 0 : i32
        %get3A_539 = tpu.memref_slice %arg8[%scan3A_321, %get3A_537, %get3A_538] : memref<2x40x512xf32, #tpu.memory_space<vmem>> -> memref<1x40x512xf32, #tpu.memory_space<vmem>>
        %get3A_540 = tpu.memref_squeeze %get3A_539 : memref<1x40x512xf32, #tpu.memory_space<vmem>> -> memref<40x512xf32, #tpu.memory_space<vmem>>
        %get3A_541 = arith.index_cast %scan3A_368 : i32 to index
        %get3A_542 = arith.constant 208 : index
        %get3A_543 = tpu.vector_load %get3A_540[%get3A_541, %get3A_542] {strides = array<i32>} : memref<40x512xf32, #tpu.memory_space<vmem>>, vector<1x16xf32>,
        %get3A_544 = vector.shape_cast %get3A_543 : vector<1x16xf32> to vector<16xf32>
        %mul3A_545 = arith.mulf %get3A_406, %get3A_544 : vector<16xf32>
        %add3A_546 = arith.addf %scan3A_382, %mul3A_545 : vector<16xf32>
        %get3A_547 = arith.constant 0 : i32
        %get3A_548 = arith.constant 0 : i32
        %get3A_549 = tpu.memref_slice %arg8[%scan3A_321, %get3A_547, %get3A_548] : memref<2x40x512xf32, #tpu.memory_space<vmem>> -> memref<1x40x512xf32, #tpu.memory_space<vmem>>
        %get3A_550 = tpu.memref_squeeze %get3A_549 : memref<1x40x512xf32, #tpu.memory_space<vmem>> -> memref<40x512xf32, #tpu.memory_space<vmem>>
        %get3A_551 = arith.index_cast %scan3A_368 : i32 to index
        %get3A_552 = arith.constant 224 : index
        %get3A_553 = tpu.vector_load %get3A_550[%get3A_551, %get3A_552] {strides = array<i32>} : memref<40x512xf32, #tpu.memory_space<vmem>>, vector<1x16xf32>,
        %get3A_554 = vector.shape_cast %get3A_553 : vector<1x16xf32> to vector<16xf32>
        %mul3A_555 = arith.mulf %get3A_406, %get3A_554 : vector<16xf32>
        %add3A_556 = arith.addf %scan3A_383, %mul3A_555 : vector<16xf32>
        %get3A_557 = arith.constant 0 : i32
        %get3A_558 = arith.constant 0 : i32
        %get3A_559 = tpu.memref_slice %arg8[%scan3A_321, %get3A_557, %get3A_558] : memref<2x40x512xf32, #tpu.memory_space<vmem>> -> memref<1x40x512xf32, #tpu.memory_space<vmem>>
        %get3A_560 = tpu.memref_squeeze %get3A_559 : memref<1x40x512xf32, #tpu.memory_space<vmem>> -> memref<40x512xf32, #tpu.memory_space<vmem>>
        %get3A_561 = arith.index_cast %scan3A_368 : i32 to index
        %get3A_562 = arith.constant 240 : index
        %get3A_563 = tpu.vector_load %get3A_560[%get3A_561, %get3A_562] {strides = array<i32>} : memref<40x512xf32, #tpu.memory_space<vmem>>, vector<1x16xf32>,
        %get3A_564 = vector.shape_cast %get3A_563 : vector<1x16xf32> to vector<16xf32>
        %mul3A_565 = arith.mulf %get3A_406, %get3A_564 : vector<16xf32>
        %add3A_566 = arith.addf %scan3A_384, %mul3A_565 : vector<16xf32>
        %get3A_567 = arith.constant 0 : i32
        %get3A_568 = arith.constant 0 : i32
        %get3A_569 = tpu.memref_slice %arg8[%scan3A_321, %get3A_567, %get3A_568] : memref<2x40x512xf32, #tpu.memory_space<vmem>> -> memref<1x40x512xf32, #tpu.memory_space<vmem>>
        %get3A_570 = tpu.memref_squeeze %get3A_569 : memref<1x40x512xf32, #tpu.memory_space<vmem>> -> memref<40x512xf32, #tpu.memory_space<vmem>>
        %get3A_571 = arith.index_cast %scan3A_368 : i32 to index
        %get3A_572 = arith.constant 256 : index
        %get3A_573 = tpu.vector_load %get3A_570[%get3A_571, %get3A_572] {strides = array<i32>} : memref<40x512xf32, #tpu.memory_space<vmem>>, vector<1x16xf32>,
        %get3A_574 = vector.shape_cast %get3A_573 : vector<1x16xf32> to vector<16xf32>
        %mul3A_575 = arith.mulf %get3A_406, %get3A_574 : vector<16xf32>
        %add3A_576 = arith.addf %scan3A_385, %mul3A_575 : vector<16xf32>
        %get3A_577 = arith.constant 0 : i32
        %get3A_578 = arith.constant 0 : i32
        %get3A_579 = tpu.memref_slice %arg8[%scan3A_321, %get3A_577, %get3A_578] : memref<2x40x512xf32, #tpu.memory_space<vmem>> -> memref<1x40x512xf32, #tpu.memory_space<vmem>>
        %get3A_580 = tpu.memref_squeeze %get3A_579 : memref<1x40x512xf32, #tpu.memory_space<vmem>> -> memref<40x512xf32, #tpu.memory_space<vmem>>
        %get3A_581 = arith.index_cast %scan3A_368 : i32 to index
        %get3A_582 = arith.constant 272 : index
        %get3A_583 = tpu.vector_load %get3A_580[%get3A_581, %get3A_582] {strides = array<i32>} : memref<40x512xf32, #tpu.memory_space<vmem>>, vector<1x16xf32>,
        %get3A_584 = vector.shape_cast %get3A_583 : vector<1x16xf32> to vector<16xf32>
        %mul3A_585 = arith.mulf %get3A_406, %get3A_584 : vector<16xf32>
        %add3A_586 = arith.addf %scan3A_386, %mul3A_585 : vector<16xf32>
        %get3A_587 = arith.constant 0 : i32
        %get3A_588 = arith.constant 0 : i32
        %get3A_589 = tpu.memref_slice %arg8[%scan3A_321, %get3A_587, %get3A_588] : memref<2x40x512xf32, #tpu.memory_space<vmem>> -> memref<1x40x512xf32, #tpu.memory_space<vmem>>
        %get3A_590 = tpu.memref_squeeze %get3A_589 : memref<1x40x512xf32, #tpu.memory_space<vmem>> -> memref<40x512xf32, #tpu.memory_space<vmem>>
        %get3A_591 = arith.index_cast %scan3A_368 : i32 to index
        %get3A_592 = arith.constant 288 : index
        %get3A_593 = tpu.vector_load %get3A_590[%get3A_591, %get3A_592] {strides = array<i32>} : memref<40x512xf32, #tpu.memory_space<vmem>>, vector<1x16xf32>,
        %get3A_594 = vector.shape_cast %get3A_593 : vector<1x16xf32> to vector<16xf32>
        %mul3A_595 = arith.mulf %get3A_406, %get3A_594 : vector<16xf32>
        %add3A_596 = arith.addf %scan3A_387, %mul3A_595 : vector<16xf32>
        %get3A_597 = arith.constant 0 : i32
        %get3A_598 = arith.constant 0 : i32
        %get3A_599 = tpu.memref_slice %arg8[%scan3A_321, %get3A_597, %get3A_598] : memref<2x40x512xf32, #tpu.memory_space<vmem>> -> memref<1x40x512xf32, #tpu.memory_space<vmem>>
        %get3A_600 = tpu.memref_squeeze %get3A_599 : memref<1x40x512xf32, #tpu.memory_space<vmem>> -> memref<40x512xf32, #tpu.memory_space<vmem>>
        %get3A_601 = arith.index_cast %scan3A_368 : i32 to index
        %get3A_602 = arith.constant 304 : index
        %get3A_603 = tpu.vector_load %get3A_600[%get3A_601, %get3A_602] {strides = array<i32>} : memref<40x512xf32, #tpu.memory_space<vmem>>, vector<1x16xf32>,
        %get3A_604 = vector.shape_cast %get3A_603 : vector<1x16xf32> to vector<16xf32>
        %mul3A_605 = arith.mulf %get3A_406, %get3A_604 : vector<16xf32>
        %add3A_606 = arith.addf %scan3A_388, %mul3A_605 : vector<16xf32>
        %get3A_607 = arith.constant 0 : i32
        %get3A_608 = arith.constant 0 : i32
        %get3A_609 = tpu.memref_slice %arg8[%scan3A_321, %get3A_607, %get3A_608] : memref<2x40x512xf32, #tpu.memory_space<vmem>> -> memref<1x40x512xf32, #tpu.memory_space<vmem>>
        %get3A_610 = tpu.memref_squeeze %get3A_609 : memref<1x40x512xf32, #tpu.memory_space<vmem>> -> memref<40x512xf32, #tpu.memory_space<vmem>>
        %get3A_611 = arith.index_cast %scan3A_368 : i32 to index
        %get3A_612 = arith.constant 320 : index
        %get3A_613 = tpu.vector_load %get3A_610[%get3A_611, %get3A_612] {strides = array<i32>} : memref<40x512xf32, #tpu.memory_space<vmem>>, vector<1x16xf32>,
        %get3A_614 = vector.shape_cast %get3A_613 : vector<1x16xf32> to vector<16xf32>
        %mul3A_615 = arith.mulf %get3A_406, %get3A_614 : vector<16xf32>
        %add3A_616 = arith.addf %scan3A_389, %mul3A_615 : vector<16xf32>
        %get3A_617 = arith.constant 0 : i32
        %get3A_618 = arith.constant 0 : i32
        %get3A_619 = tpu.memref_slice %arg8[%scan3A_321, %get3A_617, %get3A_618] : memref<2x40x512xf32, #tpu.memory_space<vmem>> -> memref<1x40x512xf32, #tpu.memory_space<vmem>>
        %get3A_620 = tpu.memref_squeeze %get3A_619 : memref<1x40x512xf32, #tpu.memory_space<vmem>> -> memref<40x512xf32, #tpu.memory_space<vmem>>
        %get3A_621 = arith.index_cast %scan3A_368 : i32 to index
        %get3A_622 = arith.constant 336 : index
        %get3A_623 = tpu.vector_load %get3A_620[%get3A_621, %get3A_622] {strides = array<i32>} : memref<40x512xf32, #tpu.memory_space<vmem>>, vector<1x16xf32>,
        %get3A_624 = vector.shape_cast %get3A_623 : vector<1x16xf32> to vector<16xf32>
        %mul3A_625 = arith.mulf %get3A_406, %get3A_624 : vector<16xf32>
        %add3A_626 = arith.addf %scan3A_390, %mul3A_625 : vector<16xf32>
        %get3A_627 = arith.constant 0 : i32
        %get3A_628 = arith.constant 0 : i32
        %get3A_629 = tpu.memref_slice %arg8[%scan3A_321, %get3A_627, %get3A_628] : memref<2x40x512xf32, #tpu.memory_space<vmem>> -> memref<1x40x512xf32, #tpu.memory_space<vmem>>
        %get3A_630 = tpu.memref_squeeze %get3A_629 : memref<1x40x512xf32, #tpu.memory_space<vmem>> -> memref<40x512xf32, #tpu.memory_space<vmem>>
        %get3A_631 = arith.index_cast %scan3A_368 : i32 to index
        %get3A_632 = arith.constant 352 : index
        %get3A_633 = tpu.vector_load %get3A_630[%get3A_631, %get3A_632] {strides = array<i32>} : memref<40x512xf32, #tpu.memory_space<vmem>>, vector<1x16xf32>,
        %get3A_634 = vector.shape_cast %get3A_633 : vector<1x16xf32> to vector<16xf32>
        %mul3A_635 = arith.mulf %get3A_406, %get3A_634 : vector<16xf32>
        %add3A_636 = arith.addf %scan3A_391, %mul3A_635 : vector<16xf32>
        %get3A_637 = arith.constant 0 : i32
        %get3A_638 = arith.constant 0 : i32
        %get3A_639 = tpu.memref_slice %arg8[%scan3A_321, %get3A_637, %get3A_638] : memref<2x40x512xf32, #tpu.memory_space<vmem>> -> memref<1x40x512xf32, #tpu.memory_space<vmem>>
        %get3A_640 = tpu.memref_squeeze %get3A_639 : memref<1x40x512xf32, #tpu.memory_space<vmem>> -> memref<40x512xf32, #tpu.memory_space<vmem>>
        %get3A_641 = arith.index_cast %scan3A_368 : i32 to index
        %get3A_642 = arith.constant 368 : index
        %get3A_643 = tpu.vector_load %get3A_640[%get3A_641, %get3A_642] {strides = array<i32>} : memref<40x512xf32, #tpu.memory_space<vmem>>, vector<1x16xf32>,
        %get3A_644 = vector.shape_cast %get3A_643 : vector<1x16xf32> to vector<16xf32>
        %mul3A_645 = arith.mulf %get3A_406, %get3A_644 : vector<16xf32>
        %add3A_646 = arith.addf %scan3A_392, %mul3A_645 : vector<16xf32>
        %get3A_647 = arith.constant 0 : i32
        %get3A_648 = arith.constant 0 : i32
        %get3A_649 = tpu.memref_slice %arg8[%scan3A_321, %get3A_647, %get3A_648] : memref<2x40x512xf32, #tpu.memory_space<vmem>> -> memref<1x40x512xf32, #tpu.memory_space<vmem>>
        %get3A_650 = tpu.memref_squeeze %get3A_649 : memref<1x40x512xf32, #tpu.memory_space<vmem>> -> memref<40x512xf32, #tpu.memory_space<vmem>>
        %get3A_651 = arith.index_cast %scan3A_368 : i32 to index
        %get3A_652 = arith.constant 384 : index
        %get3A_653 = tpu.vector_load %get3A_650[%get3A_651, %get3A_652] {strides = array<i32>} : memref<40x512xf32, #tpu.memory_space<vmem>>, vector<1x16xf32>,
        %get3A_654 = vector.shape_cast %get3A_653 : vector<1x16xf32> to vector<16xf32>
        %mul3A_655 = arith.mulf %get3A_406, %get3A_654 : vector<16xf32>
        %add3A_656 = arith.addf %scan3A_393, %mul3A_655 : vector<16xf32>
        %get3A_657 = arith.constant 0 : i32
        %get3A_658 = arith.constant 0 : i32
        %get3A_659 = tpu.memref_slice %arg8[%scan3A_321, %get3A_657, %get3A_658] : memref<2x40x512xf32, #tpu.memory_space<vmem>> -> memref<1x40x512xf32, #tpu.memory_space<vmem>>
        %get3A_660 = tpu.memref_squeeze %get3A_659 : memref<1x40x512xf32, #tpu.memory_space<vmem>> -> memref<40x512xf32, #tpu.memory_space<vmem>>
        %get3A_661 = arith.index_cast %scan3A_368 : i32 to index
        %get3A_662 = arith.constant 400 : index
        %get3A_663 = tpu.vector_load %get3A_660[%get3A_661, %get3A_662] {strides = array<i32>} : memref<40x512xf32, #tpu.memory_space<vmem>>, vector<1x16xf32>,
        %get3A_664 = vector.shape_cast %get3A_663 : vector<1x16xf32> to vector<16xf32>
        %mul3A_665 = arith.mulf %get3A_406, %get3A_664 : vector<16xf32>
        %add3A_666 = arith.addf %scan3A_394, %mul3A_665 : vector<16xf32>
        %get3A_667 = arith.constant 0 : i32
        %get3A_668 = arith.constant 0 : i32
        %get3A_669 = tpu.memref_slice %arg8[%scan3A_321, %get3A_667, %get3A_668] : memref<2x40x512xf32, #tpu.memory_space<vmem>> -> memref<1x40x512xf32, #tpu.memory_space<vmem>>
        %get3A_670 = tpu.memref_squeeze %get3A_669 : memref<1x40x512xf32, #tpu.memory_space<vmem>> -> memref<40x512xf32, #tpu.memory_space<vmem>>
        %get3A_671 = arith.index_cast %scan3A_368 : i32 to index
        %get3A_672 = arith.constant 416 : index
        %get3A_673 = tpu.vector_load %get3A_670[%get3A_671, %get3A_672] {strides = array<i32>} : memref<40x512xf32, #tpu.memory_space<vmem>>, vector<1x16xf32>,
        %get3A_674 = vector.shape_cast %get3A_673 : vector<1x16xf32> to vector<16xf32>
        %mul3A_675 = arith.mulf %get3A_406, %get3A_674 : vector<16xf32>
        %add3A_676 = arith.addf %scan3A_395, %mul3A_675 : vector<16xf32>
        %get3A_677 = arith.constant 0 : i32
        %get3A_678 = arith.constant 0 : i32
        %get3A_679 = tpu.memref_slice %arg8[%scan3A_321, %get3A_677, %get3A_678] : memref<2x40x512xf32, #tpu.memory_space<vmem>> -> memref<1x40x512xf32, #tpu.memory_space<vmem>>
        %get3A_680 = tpu.memref_squeeze %get3A_679 : memref<1x40x512xf32, #tpu.memory_space<vmem>> -> memref<40x512xf32, #tpu.memory_space<vmem>>
        %get3A_681 = arith.index_cast %scan3A_368 : i32 to index
        %get3A_682 = arith.constant 432 : index
        %get3A_683 = tpu.vector_load %get3A_680[%get3A_681, %get3A_682] {strides = array<i32>} : memref<40x512xf32, #tpu.memory_space<vmem>>, vector<1x16xf32>,
        %get3A_684 = vector.shape_cast %get3A_683 : vector<1x16xf32> to vector<16xf32>
        %mul3A_685 = arith.mulf %get3A_406, %get3A_684 : vector<16xf32>
        %add3A_686 = arith.addf %scan3A_396, %mul3A_685 : vector<16xf32>
        %get3A_687 = arith.constant 0 : i32
        %get3A_688 = arith.constant 0 : i32
        %get3A_689 = tpu.memref_slice %arg8[%scan3A_321, %get3A_687, %get3A_688] : memref<2x40x512xf32, #tpu.memory_space<vmem>> -> memref<1x40x512xf32, #tpu.memory_space<vmem>>
        %get3A_690 = tpu.memref_squeeze %get3A_689 : memref<1x40x512xf32, #tpu.memory_space<vmem>> -> memref<40x512xf32, #tpu.memory_space<vmem>>
        %get3A_691 = arith.index_cast %scan3A_368 : i32 to index
        %get3A_692 = arith.constant 448 : index
        %get3A_693 = tpu.vector_load %get3A_690[%get3A_691, %get3A_692] {strides = array<i32>} : memref<40x512xf32, #tpu.memory_space<vmem>>, vector<1x16xf32>,
        %get3A_694 = vector.shape_cast %get3A_693 : vector<1x16xf32> to vector<16xf32>
        %mul3A_695 = arith.mulf %get3A_406, %get3A_694 : vector<16xf32>
        %add3A_696 = arith.addf %scan3A_397, %mul3A_695 : vector<16xf32>
        %get3A_697 = arith.constant 0 : i32
        %get3A_698 = arith.constant 0 : i32
        %get3A_699 = tpu.memref_slice %arg8[%scan3A_321, %get3A_697, %get3A_698] : memref<2x40x512xf32, #tpu.memory_space<vmem>> -> memref<1x40x512xf32, #tpu.memory_space<vmem>>
        %get3A_700 = tpu.memref_squeeze %get3A_699 : memref<1x40x512xf32, #tpu.memory_space<vmem>> -> memref<40x512xf32, #tpu.memory_space<vmem>>
        %get3A_701 = arith.index_cast %scan3A_368 : i32 to index
        %get3A_702 = arith.constant 464 : index
        %get3A_703 = tpu.vector_load %get3A_700[%get3A_701, %get3A_702] {strides = array<i32>} : memref<40x512xf32, #tpu.memory_space<vmem>>, vector<1x16xf32>,
        %get3A_704 = vector.shape_cast %get3A_703 : vector<1x16xf32> to vector<16xf32>
        %mul3A_705 = arith.mulf %get3A_406, %get3A_704 : vector<16xf32>
        %add3A_706 = arith.addf %scan3A_398, %mul3A_705 : vector<16xf32>
        %get3A_707 = arith.constant 0 : i32
        %get3A_708 = arith.constant 0 : i32
        %get3A_709 = tpu.memref_slice %arg8[%scan3A_321, %get3A_707, %get3A_708] : memref<2x40x512xf32, #tpu.memory_space<vmem>> -> memref<1x40x512xf32, #tpu.memory_space<vmem>>
        %get3A_710 = tpu.memref_squeeze %get3A_709 : memref<1x40x512xf32, #tpu.memory_space<vmem>> -> memref<40x512xf32, #tpu.memory_space<vmem>>
        %get3A_711 = arith.index_cast %scan3A_368 : i32 to index
        %get3A_712 = arith.constant 480 : index
        %get3A_713 = tpu.vector_load %get3A_710[%get3A_711, %get3A_712] {strides = array<i32>} : memref<40x512xf32, #tpu.memory_space<vmem>>, vector<1x16xf32>,
        %get3A_714 = vector.shape_cast %get3A_713 : vector<1x16xf32> to vector<16xf32>
        %mul3A_715 = arith.mulf %get3A_406, %get3A_714 : vector<16xf32>
        %add3A_716 = arith.addf %scan3A_399, %mul3A_715 : vector<16xf32>
        %get3A_717 = arith.constant 0 : i32
        %get3A_718 = arith.constant 0 : i32
        %get3A_719 = tpu.memref_slice %arg8[%scan3A_321, %get3A_717, %get3A_718] : memref<2x40x512xf32, #tpu.memory_space<vmem>> -> memref<1x40x512xf32, #tpu.memory_space<vmem>>
        %get3A_720 = tpu.memref_squeeze %get3A_719 : memref<1x40x512xf32, #tpu.memory_space<vmem>> -> memref<40x512xf32, #tpu.memory_space<vmem>>
        %get3A_721 = arith.index_cast %scan3A_368 : i32 to index
        %get3A_722 = arith.constant 496 : index
        %get3A_723 = tpu.vector_load %get3A_720[%get3A_721, %get3A_722] {strides = array<i32>} : memref<40x512xf32, #tpu.memory_space<vmem>>, vector<1x16xf32>,
        %get3A_724 = vector.shape_cast %get3A_723 : vector<1x16xf32> to vector<16xf32>
        %mul3A_725 = arith.mulf %get3A_406, %get3A_724 : vector<16xf32>
        %add3A_726 = arith.addf %scan3A_400, %mul3A_725 : vector<16xf32>
        scf.yield %add3A_416, %add3A_426, %add3A_436, %add3A_446, %add3A_456, %add3A_466, %add3A_476, %add3A_486, %add3A_496, %add3A_506, %add3A_516, %add3A_526, %add3A_536, %add3A_546, %add3A_556, %add3A_566, %add3A_576, %add3A_586, %add3A_596, %add3A_606, %add3A_616, %add3A_626, %add3A_636, %add3A_646, %add3A_656, %add3A_666, %add3A_676, %add3A_686, %add3A_696, %add3A_706, %add3A_716, %add3A_726 : vector<16xf32>, vector<16xf32>, vector<16xf32>, vector<16xf32>, vector<16xf32>, vector<16xf32>, vector<16xf32>, vector<16xf32>, vector<16xf32>, vector<16xf32>, vector<16xf32>, vector<16xf32>, vector<16xf32>, vector<16xf32>, vector<16xf32>, vector<16xf32>, vector<16xf32>, vector<16xf32>, vector<16xf32>, vector<16xf32>, vector<16xf32>, vector<16xf32>, vector<16xf32>, vector<16xf32>, vector<16xf32>, vector<16xf32>, vector<16xf32>, vector<16xf32>, vector<16xf32>, vector<16xf32>, vector<16xf32>, vector<16xf32>
      }
      %scan3A_327 = arith.constant 40 : i32
      %add3A_328 = arith.constant 1 : i32
      %add3A_329 = arith.addi %scan3A_269, %add3A_328 : i32
      %lt3A = arith.constant 7 : i32
      %lt3A_330 = arith.cmpi slt, %add3A_329, %lt3A : i32
      %convert_element_type3A = arith.extui %lt3A_330 : i1 to i32
      %cond3A = arith.constant 0 : i32
      %cond3A_331 = arith.cmpi ne, %convert_element_type3A, %cond3A : i32
      scf.if %cond3A_331 {
        %add3A_368 = arith.constant 2 : i32
        %add3A_369 = arith.addi %mul3A_303, %add3A_368 : i32
        %mul3A_370 = arith.constant 40 : i32
        %mul3A_371 = arith.muli %add3A_369, %mul3A_370 : i32
        %add3A_372 = arith.addi %add3A_4, %mul3A_371 : i32
        %dma_start3A_373 = arith.constant 0 : i32
        %dma_start3A_374 = arith.constant 0 : i32
        %dma_start3A_375 = arith.constant 0 : i32
        %dma_start3A_376 = tpu.memref_slice %arg8[%dma_start3A_373, %dma_start3A_374, %dma_start3A_375] : memref<2x40x512xf32, #tpu.memory_space<vmem>> -> memref<1x40x512xf32, #tpu.memory_space<vmem>>
        %dma_start3A_377 = tpu.memref_squeeze %dma_start3A_376 : memref<1x40x512xf32, #tpu.memory_space<vmem>> -> memref<40x512xf32, #tpu.memory_space<vmem>>
        %dma_start3A_378 = arith.constant 0 : i32
        %dma_start3A_379 = tpu.memref_slice %arg4[%add3A_372, %dma_start3A_378] : memref<50000x512xf32, #tpu.memory_space<hbm>> -> memref<40x512xf32, #tpu.memory_space<hbm>>
        %dma_start3A_380 = arith.constant 0 : i32
        %dma_start3A_381 = arith.constant 0 : i32
        %dma_start3A_382 = tpu.memref_slice %arg8[%dma_start3A_373, %dma_start3A_380, %dma_start3A_381] : memref<2x40x512xf32, #tpu.memory_space<vmem>> -> memref<1x40x512xf32, #tpu.memory_space<vmem>>
        %dma_start3A_383 = tpu.memref_squeeze %dma_start3A_382 : memref<1x40x512xf32, #tpu.memory_space<vmem>> -> memref<40x512xf32, #tpu.memory_space<vmem>>
        %dma_start3A_384 = arith.constant 0 : i32
        %dma_start3A_385 = tpu.memref_slice %arg4[%add3A_372, %dma_start3A_384] : memref<50000x512xf32, #tpu.memory_space<hbm>> -> memref<40x512xf32, #tpu.memory_space<hbm>>
        tpu.enqueue_dma source(%dma_start3A_385 : memref<40x512xf32, #tpu.memory_space<hbm>>) target(%dma_start3A_383 : memref<40x512xf32, #tpu.memory_space<vmem>>) target_semaphore(%arg11 : memref<!tpu.dma_semaphore, #tpu.memory_space<semaphore_mem>>)
      } else {
      }
      %add3A_332 = arith.constant 1 : i32
      %add3A_333 = arith.addi %mul3A_303, %add3A_332 : i32
      %mul3A_334 = arith.constant 40 : i32
      %mul3A_335 = arith.muli %add3A_333, %mul3A_334 : i32
      %add3A_336 = arith.addi %add3A_4, %mul3A_335 : i32
      %dma_wait3A_337 = arith.constant 1 : i32
      %dma_wait3A_338 = arith.constant 0 : i32
      %dma_wait3A_339 = arith.constant 0 : i32
      %dma_wait3A_340 = tpu.memref_slice %arg8[%dma_wait3A_337, %dma_wait3A_338, %dma_wait3A_339] : memref<2x40x512xf32, #tpu.memory_space<vmem>> -> memref<1x40x512xf32, #tpu.memory_space<vmem>>
      %dma_wait3A_341 = tpu.memref_squeeze %dma_wait3A_340 : memref<1x40x512xf32, #tpu.memory_space<vmem>> -> memref<40x512xf32, #tpu.memory_space<vmem>>
      %dma_wait3A_342 = arith.constant 0 : i32
      %dma_wait3A_343 = tpu.memref_slice %arg4[%add3A_336, %dma_wait3A_342] : memref<50000x512xf32, #tpu.memory_space<hbm>> -> memref<40x512xf32, #tpu.memory_space<hbm>>
      %dma_wait3A_344 = arith.constant 0 : i32
      %dma_wait3A_345 = arith.constant 0 : i32
      %dma_wait3A_346 = tpu.memref_slice %arg8[%dma_wait3A_337, %dma_wait3A_344, %dma_wait3A_345] : memref<2x40x512xf32, #tpu.memory_space<vmem>> -> memref<1x40x512xf32, #tpu.memory_space<vmem>>
      %dma_wait3A_347 = tpu.memref_squeeze %dma_wait3A_346 : memref<1x40x512xf32, #tpu.memory_space<vmem>> -> memref<40x512xf32, #tpu.memory_space<vmem>>
      %dma_wait3A_348 = arith.constant 0 : i32
      %dma_wait3A_349 = tpu.memref_slice %arg4[%add3A_336, %dma_wait3A_348] : memref<50000x512xf32, #tpu.memory_space<hbm>> -> memref<40x512xf32, #tpu.memory_space<hbm>>
      tpu.wait_dma2 semaphore(%arg12 : memref<!tpu.dma_semaphore, #tpu.memory_space<semaphore_mem>>) src(%dma_wait3A_349 : memref<40x512xf32, #tpu.memory_space<hbm>>) dst(%dma_wait3A_347 : memref<40x512xf32, #tpu.memory_space<vmem>>)
      %add3A_350 = arith.constant 1 : i32
      %add3A_351 = arith.addi %mul3A_303, %add3A_350 : i32
      %mul3A_352 = arith.constant 40 : i32
      %mul3A_353 = arith.muli %add3A_351, %mul3A_352 : i32
      %scan3A_354 = arith.constant 1 : i32
      %scan3A_355 = arith.constant 0 : i32
      %scan3A_356 = arith.constant 40 : i32
      %scan3A_357 = arith.addi %scan3A_355, %scan3A_356 : i32
      %scan3A_358 = arith.constant 1 : i32
      %scan3A_359:32 = scf.for %scan3A_368 = %scan3A_355 to %scan3A_357 step %scan3A_358 iter_args(%scan3A_369 = %scan3A_326#0, %scan3A_370 = %scan3A_326#1, %scan3A_371 = %scan3A_326#2, %scan3A_372 = %scan3A_326#3, %scan3A_373 = %scan3A_326#4, %scan3A_374 = %scan3A_326#5, %scan3A_375 = %scan3A_326#6, %scan3A_376 = %scan3A_326#7, %scan3A_377 = %scan3A_326#8, %scan3A_378 = %scan3A_326#9, %scan3A_379 = %scan3A_326#10, %scan3A_380 = %scan3A_326#11, %scan3A_381 = %scan3A_326#12, %scan3A_382 = %scan3A_326#13, %scan3A_383 = %scan3A_326#14, %scan3A_384 = %scan3A_326#15, %scan3A_385 = %scan3A_326#16, %scan3A_386 = %scan3A_326#17, %scan3A_387 = %scan3A_326#18, %scan3A_388 = %scan3A_326#19, %scan3A_389 = %scan3A_326#20, %scan3A_390 = %scan3A_326#21, %scan3A_391 = %scan3A_326#22, %scan3A_392 = %scan3A_326#23, %scan3A_393 = %scan3A_326#24, %scan3A_394 = %scan3A_326#25, %scan3A_395 = %scan3A_326#26, %scan3A_396 = %scan3A_326#27, %scan3A_397 = %scan3A_326#28, %scan3A_398 = %scan3A_326#29, %scan3A_399 = %scan3A_326#30, %scan3A_400 = %scan3A_326#31) -> (vector<16xf32>, vector<16xf32>, vector<16xf32>, vector<16xf32>, vector<16xf32>, vector<16xf32>, vector<16xf32>, vector<16xf32>, vector<16xf32>, vector<16xf32>, vector<16xf32>, vector<16xf32>, vector<16xf32>, vector<16xf32>, vector<16xf32>, vector<16xf32>, vector<16xf32>, vector<16xf32>, vector<16xf32>, vector<16xf32>, vector<16xf32>, vector<16xf32>, vector<16xf32>, vector<16xf32>, vector<16xf32>, vector<16xf32>, vector<16xf32>, vector<16xf32>, vector<16xf32>, vector<16xf32>, vector<16xf32>, vector<16xf32>)  : i32 {
        %add3A_401 = arith.addi %mul3A_353, %scan3A_368 : i32
        %mul3A_402 = arith.constant 16 : i32
        %mul3A_403 = arith.muli %add3A_401, %mul3A_402 : i32
        %get3A_404 = arith.index_cast %mul3A_403 : i32 to index
        %get3A_405 = tpu.vector_load %arg7[%get3A_404] {strides = array<i32>} : memref<8960xf32, #tpu.memory_space<vmem>>, vector<16xf32>,
        %get3A_406 = vector.shape_cast %get3A_405 : vector<16xf32> to vector<16xf32>
        %get3A_407 = arith.constant 0 : i32
        %get3A_408 = arith.constant 0 : i32
        %get3A_409 = tpu.memref_slice %arg8[%scan3A_354, %get3A_407, %get3A_408] : memref<2x40x512xf32, #tpu.memory_space<vmem>> -> memref<1x40x512xf32, #tpu.memory_space<vmem>>
        %get3A_410 = tpu.memref_squeeze %get3A_409 : memref<1x40x512xf32, #tpu.memory_space<vmem>> -> memref<40x512xf32, #tpu.memory_space<vmem>>
        %get3A_411 = arith.index_cast %scan3A_368 : i32 to index
        %get3A_412 = arith.constant 0 : index
        %get3A_413 = tpu.vector_load %get3A_410[%get3A_411, %get3A_412] {strides = array<i32>} : memref<40x512xf32, #tpu.memory_space<vmem>>, vector<1x16xf32>,
        %get3A_414 = vector.shape_cast %get3A_413 : vector<1x16xf32> to vector<16xf32>
        %mul3A_415 = arith.mulf %get3A_406, %get3A_414 : vector<16xf32>
        %add3A_416 = arith.addf %scan3A_369, %mul3A_415 : vector<16xf32>
        %get3A_417 = arith.constant 0 : i32
        %get3A_418 = arith.constant 0 : i32
        %get3A_419 = tpu.memref_slice %arg8[%scan3A_354, %get3A_417, %get3A_418] : memref<2x40x512xf32, #tpu.memory_space<vmem>> -> memref<1x40x512xf32, #tpu.memory_space<vmem>>
        %get3A_420 = tpu.memref_squeeze %get3A_419 : memref<1x40x512xf32, #tpu.memory_space<vmem>> -> memref<40x512xf32, #tpu.memory_space<vmem>>
        %get3A_421 = arith.index_cast %scan3A_368 : i32 to index
        %get3A_422 = arith.constant 16 : index
        %get3A_423 = tpu.vector_load %get3A_420[%get3A_421, %get3A_422] {strides = array<i32>} : memref<40x512xf32, #tpu.memory_space<vmem>>, vector<1x16xf32>,
        %get3A_424 = vector.shape_cast %get3A_423 : vector<1x16xf32> to vector<16xf32>
        %mul3A_425 = arith.mulf %get3A_406, %get3A_424 : vector<16xf32>
        %add3A_426 = arith.addf %scan3A_370, %mul3A_425 : vector<16xf32>
        %get3A_427 = arith.constant 0 : i32
        %get3A_428 = arith.constant 0 : i32
        %get3A_429 = tpu.memref_slice %arg8[%scan3A_354, %get3A_427, %get3A_428] : memref<2x40x512xf32, #tpu.memory_space<vmem>> -> memref<1x40x512xf32, #tpu.memory_space<vmem>>
        %get3A_430 = tpu.memref_squeeze %get3A_429 : memref<1x40x512xf32, #tpu.memory_space<vmem>> -> memref<40x512xf32, #tpu.memory_space<vmem>>
        %get3A_431 = arith.index_cast %scan3A_368 : i32 to index
        %get3A_432 = arith.constant 32 : index
        %get3A_433 = tpu.vector_load %get3A_430[%get3A_431, %get3A_432] {strides = array<i32>} : memref<40x512xf32, #tpu.memory_space<vmem>>, vector<1x16xf32>,
        %get3A_434 = vector.shape_cast %get3A_433 : vector<1x16xf32> to vector<16xf32>
        %mul3A_435 = arith.mulf %get3A_406, %get3A_434 : vector<16xf32>
        %add3A_436 = arith.addf %scan3A_371, %mul3A_435 : vector<16xf32>
        %get3A_437 = arith.constant 0 : i32
        %get3A_438 = arith.constant 0 : i32
        %get3A_439 = tpu.memref_slice %arg8[%scan3A_354, %get3A_437, %get3A_438] : memref<2x40x512xf32, #tpu.memory_space<vmem>> -> memref<1x40x512xf32, #tpu.memory_space<vmem>>
        %get3A_440 = tpu.memref_squeeze %get3A_439 : memref<1x40x512xf32, #tpu.memory_space<vmem>> -> memref<40x512xf32, #tpu.memory_space<vmem>>
        %get3A_441 = arith.index_cast %scan3A_368 : i32 to index
        %get3A_442 = arith.constant 48 : index
        %get3A_443 = tpu.vector_load %get3A_440[%get3A_441, %get3A_442] {strides = array<i32>} : memref<40x512xf32, #tpu.memory_space<vmem>>, vector<1x16xf32>,
        %get3A_444 = vector.shape_cast %get3A_443 : vector<1x16xf32> to vector<16xf32>
        %mul3A_445 = arith.mulf %get3A_406, %get3A_444 : vector<16xf32>
        %add3A_446 = arith.addf %scan3A_372, %mul3A_445 : vector<16xf32>
        %get3A_447 = arith.constant 0 : i32
        %get3A_448 = arith.constant 0 : i32
        %get3A_449 = tpu.memref_slice %arg8[%scan3A_354, %get3A_447, %get3A_448] : memref<2x40x512xf32, #tpu.memory_space<vmem>> -> memref<1x40x512xf32, #tpu.memory_space<vmem>>
        %get3A_450 = tpu.memref_squeeze %get3A_449 : memref<1x40x512xf32, #tpu.memory_space<vmem>> -> memref<40x512xf32, #tpu.memory_space<vmem>>
        %get3A_451 = arith.index_cast %scan3A_368 : i32 to index
        %get3A_452 = arith.constant 64 : index
        %get3A_453 = tpu.vector_load %get3A_450[%get3A_451, %get3A_452] {strides = array<i32>} : memref<40x512xf32, #tpu.memory_space<vmem>>, vector<1x16xf32>,
        %get3A_454 = vector.shape_cast %get3A_453 : vector<1x16xf32> to vector<16xf32>
        %mul3A_455 = arith.mulf %get3A_406, %get3A_454 : vector<16xf32>
        %add3A_456 = arith.addf %scan3A_373, %mul3A_455 : vector<16xf32>
        %get3A_457 = arith.constant 0 : i32
        %get3A_458 = arith.constant 0 : i32
        %get3A_459 = tpu.memref_slice %arg8[%scan3A_354, %get3A_457, %get3A_458] : memref<2x40x512xf32, #tpu.memory_space<vmem>> -> memref<1x40x512xf32, #tpu.memory_space<vmem>>
        %get3A_460 = tpu.memref_squeeze %get3A_459 : memref<1x40x512xf32, #tpu.memory_space<vmem>> -> memref<40x512xf32, #tpu.memory_space<vmem>>
        %get3A_461 = arith.index_cast %scan3A_368 : i32 to index
        %get3A_462 = arith.constant 80 : index
        %get3A_463 = tpu.vector_load %get3A_460[%get3A_461, %get3A_462] {strides = array<i32>} : memref<40x512xf32, #tpu.memory_space<vmem>>, vector<1x16xf32>,
        %get3A_464 = vector.shape_cast %get3A_463 : vector<1x16xf32> to vector<16xf32>
        %mul3A_465 = arith.mulf %get3A_406, %get3A_464 : vector<16xf32>
        %add3A_466 = arith.addf %scan3A_374, %mul3A_465 : vector<16xf32>
        %get3A_467 = arith.constant 0 : i32
        %get3A_468 = arith.constant 0 : i32
        %get3A_469 = tpu.memref_slice %arg8[%scan3A_354, %get3A_467, %get3A_468] : memref<2x40x512xf32, #tpu.memory_space<vmem>> -> memref<1x40x512xf32, #tpu.memory_space<vmem>>
        %get3A_470 = tpu.memref_squeeze %get3A_469 : memref<1x40x512xf32, #tpu.memory_space<vmem>> -> memref<40x512xf32, #tpu.memory_space<vmem>>
        %get3A_471 = arith.index_cast %scan3A_368 : i32 to index
        %get3A_472 = arith.constant 96 : index
        %get3A_473 = tpu.vector_load %get3A_470[%get3A_471, %get3A_472] {strides = array<i32>} : memref<40x512xf32, #tpu.memory_space<vmem>>, vector<1x16xf32>,
        %get3A_474 = vector.shape_cast %get3A_473 : vector<1x16xf32> to vector<16xf32>
        %mul3A_475 = arith.mulf %get3A_406, %get3A_474 : vector<16xf32>
        %add3A_476 = arith.addf %scan3A_375, %mul3A_475 : vector<16xf32>
        %get3A_477 = arith.constant 0 : i32
        %get3A_478 = arith.constant 0 : i32
        %get3A_479 = tpu.memref_slice %arg8[%scan3A_354, %get3A_477, %get3A_478] : memref<2x40x512xf32, #tpu.memory_space<vmem>> -> memref<1x40x512xf32, #tpu.memory_space<vmem>>
        %get3A_480 = tpu.memref_squeeze %get3A_479 : memref<1x40x512xf32, #tpu.memory_space<vmem>> -> memref<40x512xf32, #tpu.memory_space<vmem>>
        %get3A_481 = arith.index_cast %scan3A_368 : i32 to index
        %get3A_482 = arith.constant 112 : index
        %get3A_483 = tpu.vector_load %get3A_480[%get3A_481, %get3A_482] {strides = array<i32>} : memref<40x512xf32, #tpu.memory_space<vmem>>, vector<1x16xf32>,
        %get3A_484 = vector.shape_cast %get3A_483 : vector<1x16xf32> to vector<16xf32>
        %mul3A_485 = arith.mulf %get3A_406, %get3A_484 : vector<16xf32>
        %add3A_486 = arith.addf %scan3A_376, %mul3A_485 : vector<16xf32>
        %get3A_487 = arith.constant 0 : i32
        %get3A_488 = arith.constant 0 : i32
        %get3A_489 = tpu.memref_slice %arg8[%scan3A_354, %get3A_487, %get3A_488] : memref<2x40x512xf32, #tpu.memory_space<vmem>> -> memref<1x40x512xf32, #tpu.memory_space<vmem>>
        %get3A_490 = tpu.memref_squeeze %get3A_489 : memref<1x40x512xf32, #tpu.memory_space<vmem>> -> memref<40x512xf32, #tpu.memory_space<vmem>>
        %get3A_491 = arith.index_cast %scan3A_368 : i32 to index
        %get3A_492 = arith.constant 128 : index
        %get3A_493 = tpu.vector_load %get3A_490[%get3A_491, %get3A_492] {strides = array<i32>} : memref<40x512xf32, #tpu.memory_space<vmem>>, vector<1x16xf32>,
        %get3A_494 = vector.shape_cast %get3A_493 : vector<1x16xf32> to vector<16xf32>
        %mul3A_495 = arith.mulf %get3A_406, %get3A_494 : vector<16xf32>
        %add3A_496 = arith.addf %scan3A_377, %mul3A_495 : vector<16xf32>
        %get3A_497 = arith.constant 0 : i32
        %get3A_498 = arith.constant 0 : i32
        %get3A_499 = tpu.memref_slice %arg8[%scan3A_354, %get3A_497, %get3A_498] : memref<2x40x512xf32, #tpu.memory_space<vmem>> -> memref<1x40x512xf32, #tpu.memory_space<vmem>>
        %get3A_500 = tpu.memref_squeeze %get3A_499 : memref<1x40x512xf32, #tpu.memory_space<vmem>> -> memref<40x512xf32, #tpu.memory_space<vmem>>
        %get3A_501 = arith.index_cast %scan3A_368 : i32 to index
        %get3A_502 = arith.constant 144 : index
        %get3A_503 = tpu.vector_load %get3A_500[%get3A_501, %get3A_502] {strides = array<i32>} : memref<40x512xf32, #tpu.memory_space<vmem>>, vector<1x16xf32>,
        %get3A_504 = vector.shape_cast %get3A_503 : vector<1x16xf32> to vector<16xf32>
        %mul3A_505 = arith.mulf %get3A_406, %get3A_504 : vector<16xf32>
        %add3A_506 = arith.addf %scan3A_378, %mul3A_505 : vector<16xf32>
        %get3A_507 = arith.constant 0 : i32
        %get3A_508 = arith.constant 0 : i32
        %get3A_509 = tpu.memref_slice %arg8[%scan3A_354, %get3A_507, %get3A_508] : memref<2x40x512xf32, #tpu.memory_space<vmem>> -> memref<1x40x512xf32, #tpu.memory_space<vmem>>
        %get3A_510 = tpu.memref_squeeze %get3A_509 : memref<1x40x512xf32, #tpu.memory_space<vmem>> -> memref<40x512xf32, #tpu.memory_space<vmem>>
        %get3A_511 = arith.index_cast %scan3A_368 : i32 to index
        %get3A_512 = arith.constant 160 : index
        %get3A_513 = tpu.vector_load %get3A_510[%get3A_511, %get3A_512] {strides = array<i32>} : memref<40x512xf32, #tpu.memory_space<vmem>>, vector<1x16xf32>,
        %get3A_514 = vector.shape_cast %get3A_513 : vector<1x16xf32> to vector<16xf32>
        %mul3A_515 = arith.mulf %get3A_406, %get3A_514 : vector<16xf32>
        %add3A_516 = arith.addf %scan3A_379, %mul3A_515 : vector<16xf32>
        %get3A_517 = arith.constant 0 : i32
        %get3A_518 = arith.constant 0 : i32
        %get3A_519 = tpu.memref_slice %arg8[%scan3A_354, %get3A_517, %get3A_518] : memref<2x40x512xf32, #tpu.memory_space<vmem>> -> memref<1x40x512xf32, #tpu.memory_space<vmem>>
        %get3A_520 = tpu.memref_squeeze %get3A_519 : memref<1x40x512xf32, #tpu.memory_space<vmem>> -> memref<40x512xf32, #tpu.memory_space<vmem>>
        %get3A_521 = arith.index_cast %scan3A_368 : i32 to index
        %get3A_522 = arith.constant 176 : index
        %get3A_523 = tpu.vector_load %get3A_520[%get3A_521, %get3A_522] {strides = array<i32>} : memref<40x512xf32, #tpu.memory_space<vmem>>, vector<1x16xf32>,
        %get3A_524 = vector.shape_cast %get3A_523 : vector<1x16xf32> to vector<16xf32>
        %mul3A_525 = arith.mulf %get3A_406, %get3A_524 : vector<16xf32>
        %add3A_526 = arith.addf %scan3A_380, %mul3A_525 : vector<16xf32>
        %get3A_527 = arith.constant 0 : i32
        %get3A_528 = arith.constant 0 : i32
        %get3A_529 = tpu.memref_slice %arg8[%scan3A_354, %get3A_527, %get3A_528] : memref<2x40x512xf32, #tpu.memory_space<vmem>> -> memref<1x40x512xf32, #tpu.memory_space<vmem>>
        %get3A_530 = tpu.memref_squeeze %get3A_529 : memref<1x40x512xf32, #tpu.memory_space<vmem>> -> memref<40x512xf32, #tpu.memory_space<vmem>>
        %get3A_531 = arith.index_cast %scan3A_368 : i32 to index
        %get3A_532 = arith.constant 192 : index
        %get3A_533 = tpu.vector_load %get3A_530[%get3A_531, %get3A_532] {strides = array<i32>} : memref<40x512xf32, #tpu.memory_space<vmem>>, vector<1x16xf32>,
        %get3A_534 = vector.shape_cast %get3A_533 : vector<1x16xf32> to vector<16xf32>
        %mul3A_535 = arith.mulf %get3A_406, %get3A_534 : vector<16xf32>
        %add3A_536 = arith.addf %scan3A_381, %mul3A_535 : vector<16xf32>
        %get3A_537 = arith.constant 0 : i32
        %get3A_538 = arith.constant 0 : i32
        %get3A_539 = tpu.memref_slice %arg8[%scan3A_354, %get3A_537, %get3A_538] : memref<2x40x512xf32, #tpu.memory_space<vmem>> -> memref<1x40x512xf32, #tpu.memory_space<vmem>>
        %get3A_540 = tpu.memref_squeeze %get3A_539 : memref<1x40x512xf32, #tpu.memory_space<vmem>> -> memref<40x512xf32, #tpu.memory_space<vmem>>
        %get3A_541 = arith.index_cast %scan3A_368 : i32 to index
        %get3A_542 = arith.constant 208 : index
        %get3A_543 = tpu.vector_load %get3A_540[%get3A_541, %get3A_542] {strides = array<i32>} : memref<40x512xf32, #tpu.memory_space<vmem>>, vector<1x16xf32>,
        %get3A_544 = vector.shape_cast %get3A_543 : vector<1x16xf32> to vector<16xf32>
        %mul3A_545 = arith.mulf %get3A_406, %get3A_544 : vector<16xf32>
        %add3A_546 = arith.addf %scan3A_382, %mul3A_545 : vector<16xf32>
        %get3A_547 = arith.constant 0 : i32
        %get3A_548 = arith.constant 0 : i32
        %get3A_549 = tpu.memref_slice %arg8[%scan3A_354, %get3A_547, %get3A_548] : memref<2x40x512xf32, #tpu.memory_space<vmem>> -> memref<1x40x512xf32, #tpu.memory_space<vmem>>
        %get3A_550 = tpu.memref_squeeze %get3A_549 : memref<1x40x512xf32, #tpu.memory_space<vmem>> -> memref<40x512xf32, #tpu.memory_space<vmem>>
        %get3A_551 = arith.index_cast %scan3A_368 : i32 to index
        %get3A_552 = arith.constant 224 : index
        %get3A_553 = tpu.vector_load %get3A_550[%get3A_551, %get3A_552] {strides = array<i32>} : memref<40x512xf32, #tpu.memory_space<vmem>>, vector<1x16xf32>,
        %get3A_554 = vector.shape_cast %get3A_553 : vector<1x16xf32> to vector<16xf32>
        %mul3A_555 = arith.mulf %get3A_406, %get3A_554 : vector<16xf32>
        %add3A_556 = arith.addf %scan3A_383, %mul3A_555 : vector<16xf32>
        %get3A_557 = arith.constant 0 : i32
        %get3A_558 = arith.constant 0 : i32
        %get3A_559 = tpu.memref_slice %arg8[%scan3A_354, %get3A_557, %get3A_558] : memref<2x40x512xf32, #tpu.memory_space<vmem>> -> memref<1x40x512xf32, #tpu.memory_space<vmem>>
        %get3A_560 = tpu.memref_squeeze %get3A_559 : memref<1x40x512xf32, #tpu.memory_space<vmem>> -> memref<40x512xf32, #tpu.memory_space<vmem>>
        %get3A_561 = arith.index_cast %scan3A_368 : i32 to index
        %get3A_562 = arith.constant 240 : index
        %get3A_563 = tpu.vector_load %get3A_560[%get3A_561, %get3A_562] {strides = array<i32>} : memref<40x512xf32, #tpu.memory_space<vmem>>, vector<1x16xf32>,
        %get3A_564 = vector.shape_cast %get3A_563 : vector<1x16xf32> to vector<16xf32>
        %mul3A_565 = arith.mulf %get3A_406, %get3A_564 : vector<16xf32>
        %add3A_566 = arith.addf %scan3A_384, %mul3A_565 : vector<16xf32>
        %get3A_567 = arith.constant 0 : i32
        %get3A_568 = arith.constant 0 : i32
        %get3A_569 = tpu.memref_slice %arg8[%scan3A_354, %get3A_567, %get3A_568] : memref<2x40x512xf32, #tpu.memory_space<vmem>> -> memref<1x40x512xf32, #tpu.memory_space<vmem>>
        %get3A_570 = tpu.memref_squeeze %get3A_569 : memref<1x40x512xf32, #tpu.memory_space<vmem>> -> memref<40x512xf32, #tpu.memory_space<vmem>>
        %get3A_571 = arith.index_cast %scan3A_368 : i32 to index
        %get3A_572 = arith.constant 256 : index
        %get3A_573 = tpu.vector_load %get3A_570[%get3A_571, %get3A_572] {strides = array<i32>} : memref<40x512xf32, #tpu.memory_space<vmem>>, vector<1x16xf32>,
        %get3A_574 = vector.shape_cast %get3A_573 : vector<1x16xf32> to vector<16xf32>
        %mul3A_575 = arith.mulf %get3A_406, %get3A_574 : vector<16xf32>
        %add3A_576 = arith.addf %scan3A_385, %mul3A_575 : vector<16xf32>
        %get3A_577 = arith.constant 0 : i32
        %get3A_578 = arith.constant 0 : i32
        %get3A_579 = tpu.memref_slice %arg8[%scan3A_354, %get3A_577, %get3A_578] : memref<2x40x512xf32, #tpu.memory_space<vmem>> -> memref<1x40x512xf32, #tpu.memory_space<vmem>>
        %get3A_580 = tpu.memref_squeeze %get3A_579 : memref<1x40x512xf32, #tpu.memory_space<vmem>> -> memref<40x512xf32, #tpu.memory_space<vmem>>
        %get3A_581 = arith.index_cast %scan3A_368 : i32 to index
        %get3A_582 = arith.constant 272 : index
        %get3A_583 = tpu.vector_load %get3A_580[%get3A_581, %get3A_582] {strides = array<i32>} : memref<40x512xf32, #tpu.memory_space<vmem>>, vector<1x16xf32>,
        %get3A_584 = vector.shape_cast %get3A_583 : vector<1x16xf32> to vector<16xf32>
        %mul3A_585 = arith.mulf %get3A_406, %get3A_584 : vector<16xf32>
        %add3A_586 = arith.addf %scan3A_386, %mul3A_585 : vector<16xf32>
        %get3A_587 = arith.constant 0 : i32
        %get3A_588 = arith.constant 0 : i32
        %get3A_589 = tpu.memref_slice %arg8[%scan3A_354, %get3A_587, %get3A_588] : memref<2x40x512xf32, #tpu.memory_space<vmem>> -> memref<1x40x512xf32, #tpu.memory_space<vmem>>
        %get3A_590 = tpu.memref_squeeze %get3A_589 : memref<1x40x512xf32, #tpu.memory_space<vmem>> -> memref<40x512xf32, #tpu.memory_space<vmem>>
        %get3A_591 = arith.index_cast %scan3A_368 : i32 to index
        %get3A_592 = arith.constant 288 : index
        %get3A_593 = tpu.vector_load %get3A_590[%get3A_591, %get3A_592] {strides = array<i32>} : memref<40x512xf32, #tpu.memory_space<vmem>>, vector<1x16xf32>,
        %get3A_594 = vector.shape_cast %get3A_593 : vector<1x16xf32> to vector<16xf32>
        %mul3A_595 = arith.mulf %get3A_406, %get3A_594 : vector<16xf32>
        %add3A_596 = arith.addf %scan3A_387, %mul3A_595 : vector<16xf32>
        %get3A_597 = arith.constant 0 : i32
        %get3A_598 = arith.constant 0 : i32
        %get3A_599 = tpu.memref_slice %arg8[%scan3A_354, %get3A_597, %get3A_598] : memref<2x40x512xf32, #tpu.memory_space<vmem>> -> memref<1x40x512xf32, #tpu.memory_space<vmem>>
        %get3A_600 = tpu.memref_squeeze %get3A_599 : memref<1x40x512xf32, #tpu.memory_space<vmem>> -> memref<40x512xf32, #tpu.memory_space<vmem>>
        %get3A_601 = arith.index_cast %scan3A_368 : i32 to index
        %get3A_602 = arith.constant 304 : index
        %get3A_603 = tpu.vector_load %get3A_600[%get3A_601, %get3A_602] {strides = array<i32>} : memref<40x512xf32, #tpu.memory_space<vmem>>, vector<1x16xf32>,
        %get3A_604 = vector.shape_cast %get3A_603 : vector<1x16xf32> to vector<16xf32>
        %mul3A_605 = arith.mulf %get3A_406, %get3A_604 : vector<16xf32>
        %add3A_606 = arith.addf %scan3A_388, %mul3A_605 : vector<16xf32>
        %get3A_607 = arith.constant 0 : i32
        %get3A_608 = arith.constant 0 : i32
        %get3A_609 = tpu.memref_slice %arg8[%scan3A_354, %get3A_607, %get3A_608] : memref<2x40x512xf32, #tpu.memory_space<vmem>> -> memref<1x40x512xf32, #tpu.memory_space<vmem>>
        %get3A_610 = tpu.memref_squeeze %get3A_609 : memref<1x40x512xf32, #tpu.memory_space<vmem>> -> memref<40x512xf32, #tpu.memory_space<vmem>>
        %get3A_611 = arith.index_cast %scan3A_368 : i32 to index
        %get3A_612 = arith.constant 320 : index
        %get3A_613 = tpu.vector_load %get3A_610[%get3A_611, %get3A_612] {strides = array<i32>} : memref<40x512xf32, #tpu.memory_space<vmem>>, vector<1x16xf32>,
        %get3A_614 = vector.shape_cast %get3A_613 : vector<1x16xf32> to vector<16xf32>
        %mul3A_615 = arith.mulf %get3A_406, %get3A_614 : vector<16xf32>
        %add3A_616 = arith.addf %scan3A_389, %mul3A_615 : vector<16xf32>
        %get3A_617 = arith.constant 0 : i32
        %get3A_618 = arith.constant 0 : i32
        %get3A_619 = tpu.memref_slice %arg8[%scan3A_354, %get3A_617, %get3A_618] : memref<2x40x512xf32, #tpu.memory_space<vmem>> -> memref<1x40x512xf32, #tpu.memory_space<vmem>>
        %get3A_620 = tpu.memref_squeeze %get3A_619 : memref<1x40x512xf32, #tpu.memory_space<vmem>> -> memref<40x512xf32, #tpu.memory_space<vmem>>
        %get3A_621 = arith.index_cast %scan3A_368 : i32 to index
        %get3A_622 = arith.constant 336 : index
        %get3A_623 = tpu.vector_load %get3A_620[%get3A_621, %get3A_622] {strides = array<i32>} : memref<40x512xf32, #tpu.memory_space<vmem>>, vector<1x16xf32>,
        %get3A_624 = vector.shape_cast %get3A_623 : vector<1x16xf32> to vector<16xf32>
        %mul3A_625 = arith.mulf %get3A_406, %get3A_624 : vector<16xf32>
        %add3A_626 = arith.addf %scan3A_390, %mul3A_625 : vector<16xf32>
        %get3A_627 = arith.constant 0 : i32
        %get3A_628 = arith.constant 0 : i32
        %get3A_629 = tpu.memref_slice %arg8[%scan3A_354, %get3A_627, %get3A_628] : memref<2x40x512xf32, #tpu.memory_space<vmem>> -> memref<1x40x512xf32, #tpu.memory_space<vmem>>
        %get3A_630 = tpu.memref_squeeze %get3A_629 : memref<1x40x512xf32, #tpu.memory_space<vmem>> -> memref<40x512xf32, #tpu.memory_space<vmem>>
        %get3A_631 = arith.index_cast %scan3A_368 : i32 to index
        %get3A_632 = arith.constant 352 : index
        %get3A_633 = tpu.vector_load %get3A_630[%get3A_631, %get3A_632] {strides = array<i32>} : memref<40x512xf32, #tpu.memory_space<vmem>>, vector<1x16xf32>,
        %get3A_634 = vector.shape_cast %get3A_633 : vector<1x16xf32> to vector<16xf32>
        %mul3A_635 = arith.mulf %get3A_406, %get3A_634 : vector<16xf32>
        %add3A_636 = arith.addf %scan3A_391, %mul3A_635 : vector<16xf32>
        %get3A_637 = arith.constant 0 : i32
        %get3A_638 = arith.constant 0 : i32
        %get3A_639 = tpu.memref_slice %arg8[%scan3A_354, %get3A_637, %get3A_638] : memref<2x40x512xf32, #tpu.memory_space<vmem>> -> memref<1x40x512xf32, #tpu.memory_space<vmem>>
        %get3A_640 = tpu.memref_squeeze %get3A_639 : memref<1x40x512xf32, #tpu.memory_space<vmem>> -> memref<40x512xf32, #tpu.memory_space<vmem>>
        %get3A_641 = arith.index_cast %scan3A_368 : i32 to index
        %get3A_642 = arith.constant 368 : index
        %get3A_643 = tpu.vector_load %get3A_640[%get3A_641, %get3A_642] {strides = array<i32>} : memref<40x512xf32, #tpu.memory_space<vmem>>, vector<1x16xf32>,
        %get3A_644 = vector.shape_cast %get3A_643 : vector<1x16xf32> to vector<16xf32>
        %mul3A_645 = arith.mulf %get3A_406, %get3A_644 : vector<16xf32>
        %add3A_646 = arith.addf %scan3A_392, %mul3A_645 : vector<16xf32>
        %get3A_647 = arith.constant 0 : i32
        %get3A_648 = arith.constant 0 : i32
        %get3A_649 = tpu.memref_slice %arg8[%scan3A_354, %get3A_647, %get3A_648] : memref<2x40x512xf32, #tpu.memory_space<vmem>> -> memref<1x40x512xf32, #tpu.memory_space<vmem>>
        %get3A_650 = tpu.memref_squeeze %get3A_649 : memref<1x40x512xf32, #tpu.memory_space<vmem>> -> memref<40x512xf32, #tpu.memory_space<vmem>>
        %get3A_651 = arith.index_cast %scan3A_368 : i32 to index
        %get3A_652 = arith.constant 384 : index
        %get3A_653 = tpu.vector_load %get3A_650[%get3A_651, %get3A_652] {strides = array<i32>} : memref<40x512xf32, #tpu.memory_space<vmem>>, vector<1x16xf32>,
        %get3A_654 = vector.shape_cast %get3A_653 : vector<1x16xf32> to vector<16xf32>
        %mul3A_655 = arith.mulf %get3A_406, %get3A_654 : vector<16xf32>
        %add3A_656 = arith.addf %scan3A_393, %mul3A_655 : vector<16xf32>
        %get3A_657 = arith.constant 0 : i32
        %get3A_658 = arith.constant 0 : i32
        %get3A_659 = tpu.memref_slice %arg8[%scan3A_354, %get3A_657, %get3A_658] : memref<2x40x512xf32, #tpu.memory_space<vmem>> -> memref<1x40x512xf32, #tpu.memory_space<vmem>>
        %get3A_660 = tpu.memref_squeeze %get3A_659 : memref<1x40x512xf32, #tpu.memory_space<vmem>> -> memref<40x512xf32, #tpu.memory_space<vmem>>
        %get3A_661 = arith.index_cast %scan3A_368 : i32 to index
        %get3A_662 = arith.constant 400 : index
        %get3A_663 = tpu.vector_load %get3A_660[%get3A_661, %get3A_662] {strides = array<i32>} : memref<40x512xf32, #tpu.memory_space<vmem>>, vector<1x16xf32>,
        %get3A_664 = vector.shape_cast %get3A_663 : vector<1x16xf32> to vector<16xf32>
        %mul3A_665 = arith.mulf %get3A_406, %get3A_664 : vector<16xf32>
        %add3A_666 = arith.addf %scan3A_394, %mul3A_665 : vector<16xf32>
        %get3A_667 = arith.constant 0 : i32
        %get3A_668 = arith.constant 0 : i32
        %get3A_669 = tpu.memref_slice %arg8[%scan3A_354, %get3A_667, %get3A_668] : memref<2x40x512xf32, #tpu.memory_space<vmem>> -> memref<1x40x512xf32, #tpu.memory_space<vmem>>
        %get3A_670 = tpu.memref_squeeze %get3A_669 : memref<1x40x512xf32, #tpu.memory_space<vmem>> -> memref<40x512xf32, #tpu.memory_space<vmem>>
        %get3A_671 = arith.index_cast %scan3A_368 : i32 to index
        %get3A_672 = arith.constant 416 : index
        %get3A_673 = tpu.vector_load %get3A_670[%get3A_671, %get3A_672] {strides = array<i32>} : memref<40x512xf32, #tpu.memory_space<vmem>>, vector<1x16xf32>,
        %get3A_674 = vector.shape_cast %get3A_673 : vector<1x16xf32> to vector<16xf32>
        %mul3A_675 = arith.mulf %get3A_406, %get3A_674 : vector<16xf32>
        %add3A_676 = arith.addf %scan3A_395, %mul3A_675 : vector<16xf32>
        %get3A_677 = arith.constant 0 : i32
        %get3A_678 = arith.constant 0 : i32
        %get3A_679 = tpu.memref_slice %arg8[%scan3A_354, %get3A_677, %get3A_678] : memref<2x40x512xf32, #tpu.memory_space<vmem>> -> memref<1x40x512xf32, #tpu.memory_space<vmem>>
        %get3A_680 = tpu.memref_squeeze %get3A_679 : memref<1x40x512xf32, #tpu.memory_space<vmem>> -> memref<40x512xf32, #tpu.memory_space<vmem>>
        %get3A_681 = arith.index_cast %scan3A_368 : i32 to index
        %get3A_682 = arith.constant 432 : index
        %get3A_683 = tpu.vector_load %get3A_680[%get3A_681, %get3A_682] {strides = array<i32>} : memref<40x512xf32, #tpu.memory_space<vmem>>, vector<1x16xf32>,
        %get3A_684 = vector.shape_cast %get3A_683 : vector<1x16xf32> to vector<16xf32>
        %mul3A_685 = arith.mulf %get3A_406, %get3A_684 : vector<16xf32>
        %add3A_686 = arith.addf %scan3A_396, %mul3A_685 : vector<16xf32>
        %get3A_687 = arith.constant 0 : i32
        %get3A_688 = arith.constant 0 : i32
        %get3A_689 = tpu.memref_slice %arg8[%scan3A_354, %get3A_687, %get3A_688] : memref<2x40x512xf32, #tpu.memory_space<vmem>> -> memref<1x40x512xf32, #tpu.memory_space<vmem>>
        %get3A_690 = tpu.memref_squeeze %get3A_689 : memref<1x40x512xf32, #tpu.memory_space<vmem>> -> memref<40x512xf32, #tpu.memory_space<vmem>>
        %get3A_691 = arith.index_cast %scan3A_368 : i32 to index
        %get3A_692 = arith.constant 448 : index
        %get3A_693 = tpu.vector_load %get3A_690[%get3A_691, %get3A_692] {strides = array<i32>} : memref<40x512xf32, #tpu.memory_space<vmem>>, vector<1x16xf32>,
        %get3A_694 = vector.shape_cast %get3A_693 : vector<1x16xf32> to vector<16xf32>
        %mul3A_695 = arith.mulf %get3A_406, %get3A_694 : vector<16xf32>
        %add3A_696 = arith.addf %scan3A_397, %mul3A_695 : vector<16xf32>
        %get3A_697 = arith.constant 0 : i32
        %get3A_698 = arith.constant 0 : i32
        %get3A_699 = tpu.memref_slice %arg8[%scan3A_354, %get3A_697, %get3A_698] : memref<2x40x512xf32, #tpu.memory_space<vmem>> -> memref<1x40x512xf32, #tpu.memory_space<vmem>>
        %get3A_700 = tpu.memref_squeeze %get3A_699 : memref<1x40x512xf32, #tpu.memory_space<vmem>> -> memref<40x512xf32, #tpu.memory_space<vmem>>
        %get3A_701 = arith.index_cast %scan3A_368 : i32 to index
        %get3A_702 = arith.constant 464 : index
        %get3A_703 = tpu.vector_load %get3A_700[%get3A_701, %get3A_702] {strides = array<i32>} : memref<40x512xf32, #tpu.memory_space<vmem>>, vector<1x16xf32>,
        %get3A_704 = vector.shape_cast %get3A_703 : vector<1x16xf32> to vector<16xf32>
        %mul3A_705 = arith.mulf %get3A_406, %get3A_704 : vector<16xf32>
        %add3A_706 = arith.addf %scan3A_398, %mul3A_705 : vector<16xf32>
        %get3A_707 = arith.constant 0 : i32
        %get3A_708 = arith.constant 0 : i32
        %get3A_709 = tpu.memref_slice %arg8[%scan3A_354, %get3A_707, %get3A_708] : memref<2x40x512xf32, #tpu.memory_space<vmem>> -> memref<1x40x512xf32, #tpu.memory_space<vmem>>
        %get3A_710 = tpu.memref_squeeze %get3A_709 : memref<1x40x512xf32, #tpu.memory_space<vmem>> -> memref<40x512xf32, #tpu.memory_space<vmem>>
        %get3A_711 = arith.index_cast %scan3A_368 : i32 to index
        %get3A_712 = arith.constant 480 : index
        %get3A_713 = tpu.vector_load %get3A_710[%get3A_711, %get3A_712] {strides = array<i32>} : memref<40x512xf32, #tpu.memory_space<vmem>>, vector<1x16xf32>,
        %get3A_714 = vector.shape_cast %get3A_713 : vector<1x16xf32> to vector<16xf32>
        %mul3A_715 = arith.mulf %get3A_406, %get3A_714 : vector<16xf32>
        %add3A_716 = arith.addf %scan3A_399, %mul3A_715 : vector<16xf32>
        %get3A_717 = arith.constant 0 : i32
        %get3A_718 = arith.constant 0 : i32
        %get3A_719 = tpu.memref_slice %arg8[%scan3A_354, %get3A_717, %get3A_718] : memref<2x40x512xf32, #tpu.memory_space<vmem>> -> memref<1x40x512xf32, #tpu.memory_space<vmem>>
        %get3A_720 = tpu.memref_squeeze %get3A_719 : memref<1x40x512xf32, #tpu.memory_space<vmem>> -> memref<40x512xf32, #tpu.memory_space<vmem>>
        %get3A_721 = arith.index_cast %scan3A_368 : i32 to index
        %get3A_722 = arith.constant 496 : index
        %get3A_723 = tpu.vector_load %get3A_720[%get3A_721, %get3A_722] {strides = array<i32>} : memref<40x512xf32, #tpu.memory_space<vmem>>, vector<1x16xf32>,
        %get3A_724 = vector.shape_cast %get3A_723 : vector<1x16xf32> to vector<16xf32>
        %mul3A_725 = arith.mulf %get3A_406, %get3A_724 : vector<16xf32>
        %add3A_726 = arith.addf %scan3A_400, %mul3A_725 : vector<16xf32>
        scf.yield %add3A_416, %add3A_426, %add3A_436, %add3A_446, %add3A_456, %add3A_466, %add3A_476, %add3A_486, %add3A_496, %add3A_506, %add3A_516, %add3A_526, %add3A_536, %add3A_546, %add3A_556, %add3A_566, %add3A_576, %add3A_586, %add3A_596, %add3A_606, %add3A_616, %add3A_626, %add3A_636, %add3A_646, %add3A_656, %add3A_666, %add3A_676, %add3A_686, %add3A_696, %add3A_706, %add3A_716, %add3A_726 : vector<16xf32>, vector<16xf32>, vector<16xf32>, vector<16xf32>, vector<16xf32>, vector<16xf32>, vector<16xf32>, vector<16xf32>, vector<16xf32>, vector<16xf32>, vector<16xf32>, vector<16xf32>, vector<16xf32>, vector<16xf32>, vector<16xf32>, vector<16xf32>, vector<16xf32>, vector<16xf32>, vector<16xf32>, vector<16xf32>, vector<16xf32>, vector<16xf32>, vector<16xf32>, vector<16xf32>, vector<16xf32>, vector<16xf32>, vector<16xf32>, vector<16xf32>, vector<16xf32>, vector<16xf32>, vector<16xf32>, vector<16xf32>
      }
      %scan3A_360 = arith.constant 40 : i32
      %add3A_361 = arith.constant 1 : i32
      %add3A_362 = arith.addi %scan3A_269, %add3A_361 : i32
      %lt3A_363 = arith.constant 7 : i32
      %lt3A_364 = arith.cmpi slt, %add3A_362, %lt3A_363 : i32
      %convert_element_type3A_365 = arith.extui %lt3A_364 : i1 to i32
      %cond3A_366 = arith.constant 0 : i32
      %cond3A_367 = arith.cmpi ne, %convert_element_type3A_365, %cond3A_366 : i32
      scf.if %cond3A_367 {
        %add3A_368 = arith.constant 3 : i32
        %add3A_369 = arith.addi %mul3A_303, %add3A_368 : i32
        %mul3A_370 = arith.constant 40 : i32
        %mul3A_371 = arith.muli %add3A_369, %mul3A_370 : i32
        %add3A_372 = arith.addi %add3A_4, %mul3A_371 : i32
        %dma_start3A_373 = arith.constant 1 : i32
        %dma_start3A_374 = arith.constant 0 : i32
        %dma_start3A_375 = arith.constant 0 : i32
        %dma_start3A_376 = tpu.memref_slice %arg8[%dma_start3A_373, %dma_start3A_374, %dma_start3A_375] : memref<2x40x512xf32, #tpu.memory_space<vmem>> -> memref<1x40x512xf32, #tpu.memory_space<vmem>>
        %dma_start3A_377 = tpu.memref_squeeze %dma_start3A_376 : memref<1x40x512xf32, #tpu.memory_space<vmem>> -> memref<40x512xf32, #tpu.memory_space<vmem>>
        %dma_start3A_378 = arith.constant 0 : i32
        %dma_start3A_379 = tpu.memref_slice %arg4[%add3A_372, %dma_start3A_378] : memref<50000x512xf32, #tpu.memory_space<hbm>> -> memref<40x512xf32, #tpu.memory_space<hbm>>
        %dma_start3A_380 = arith.constant 0 : i32
        %dma_start3A_381 = arith.constant 0 : i32
        %dma_start3A_382 = tpu.memref_slice %arg8[%dma_start3A_373, %dma_start3A_380, %dma_start3A_381] : memref<2x40x512xf32, #tpu.memory_space<vmem>> -> memref<1x40x512xf32, #tpu.memory_space<vmem>>
        %dma_start3A_383 = tpu.memref_squeeze %dma_start3A_382 : memref<1x40x512xf32, #tpu.memory_space<vmem>> -> memref<40x512xf32, #tpu.memory_space<vmem>>
        %dma_start3A_384 = arith.constant 0 : i32
        %dma_start3A_385 = tpu.memref_slice %arg4[%add3A_372, %dma_start3A_384] : memref<50000x512xf32, #tpu.memory_space<hbm>> -> memref<40x512xf32, #tpu.memory_space<hbm>>
        tpu.enqueue_dma source(%dma_start3A_385 : memref<40x512xf32, #tpu.memory_space<hbm>>) target(%dma_start3A_383 : memref<40x512xf32, #tpu.memory_space<vmem>>) target_semaphore(%arg12 : memref<!tpu.dma_semaphore, #tpu.memory_space<semaphore_mem>>)
      } else {
      }
      scf.yield %scan3A_359#0, %scan3A_359#1, %scan3A_359#2, %scan3A_359#3, %scan3A_359#4, %scan3A_359#5, %scan3A_359#6, %scan3A_359#7, %scan3A_359#8, %scan3A_359#9, %scan3A_359#10, %scan3A_359#11, %scan3A_359#12, %scan3A_359#13, %scan3A_359#14, %scan3A_359#15, %scan3A_359#16, %scan3A_359#17, %scan3A_359#18, %scan3A_359#19, %scan3A_359#20, %scan3A_359#21, %scan3A_359#22, %scan3A_359#23, %scan3A_359#24, %scan3A_359#25, %scan3A_359#26, %scan3A_359#27, %scan3A_359#28, %scan3A_359#29, %scan3A_359#30, %scan3A_359#31 : vector<16xf32>, vector<16xf32>, vector<16xf32>, vector<16xf32>, vector<16xf32>, vector<16xf32>, vector<16xf32>, vector<16xf32>, vector<16xf32>, vector<16xf32>, vector<16xf32>, vector<16xf32>, vector<16xf32>, vector<16xf32>, vector<16xf32>, vector<16xf32>, vector<16xf32>, vector<16xf32>, vector<16xf32>, vector<16xf32>, vector<16xf32>, vector<16xf32>, vector<16xf32>, vector<16xf32>, vector<16xf32>, vector<16xf32>, vector<16xf32>, vector<16xf32>, vector<16xf32>, vector<16xf32>, vector<16xf32>, vector<16xf32>
    }
    %scan3A_141 = arith.constant 7 : i32
    %swap3A = arith.constant 0 : index
    %swap3A_142 = tpu.vector_load %arg9[%swap3A] {strides = array<i32>} : memref<512xf32, #tpu.memory_space<vmem>>, vector<16xf32>,
    %swap3A_143 = vector.shape_cast %swap3A_142 : vector<16xf32> to vector<16xf32>
    %swap3A_144 = vector.shape_cast %scan3A_140#0 : vector<16xf32> to vector<16xf32>
    tpu.vector_store %arg9[%swap3A], %swap3A_144 {strides = array<i32>} : memref<512xf32, #tpu.memory_space<vmem>>, vector<16xf32>,
    %swap3A_145 = arith.constant 16 : index
    %swap3A_146 = tpu.vector_load %arg9[%swap3A_145] {strides = array<i32>} : memref<512xf32, #tpu.memory_space<vmem>>, vector<16xf32>,
    %swap3A_147 = vector.shape_cast %swap3A_146 : vector<16xf32> to vector<16xf32>
    %swap3A_148 = vector.shape_cast %scan3A_140#1 : vector<16xf32> to vector<16xf32>
    tpu.vector_store %arg9[%swap3A_145], %swap3A_148 {strides = array<i32>} : memref<512xf32, #tpu.memory_space<vmem>>, vector<16xf32>,
    %swap3A_149 = arith.constant 32 : index
    %swap3A_150 = tpu.vector_load %arg9[%swap3A_149] {strides = array<i32>} : memref<512xf32, #tpu.memory_space<vmem>>, vector<16xf32>,
    %swap3A_151 = vector.shape_cast %swap3A_150 : vector<16xf32> to vector<16xf32>
    %swap3A_152 = vector.shape_cast %scan3A_140#2 : vector<16xf32> to vector<16xf32>
    tpu.vector_store %arg9[%swap3A_149], %swap3A_152 {strides = array<i32>} : memref<512xf32, #tpu.memory_space<vmem>>, vector<16xf32>,
    %swap3A_153 = arith.constant 48 : index
    %swap3A_154 = tpu.vector_load %arg9[%swap3A_153] {strides = array<i32>} : memref<512xf32, #tpu.memory_space<vmem>>, vector<16xf32>,
    %swap3A_155 = vector.shape_cast %swap3A_154 : vector<16xf32> to vector<16xf32>
    %swap3A_156 = vector.shape_cast %scan3A_140#3 : vector<16xf32> to vector<16xf32>
    tpu.vector_store %arg9[%swap3A_153], %swap3A_156 {strides = array<i32>} : memref<512xf32, #tpu.memory_space<vmem>>, vector<16xf32>,
    %swap3A_157 = arith.constant 64 : index
    %swap3A_158 = tpu.vector_load %arg9[%swap3A_157] {strides = array<i32>} : memref<512xf32, #tpu.memory_space<vmem>>, vector<16xf32>,
    %swap3A_159 = vector.shape_cast %swap3A_158 : vector<16xf32> to vector<16xf32>
    %swap3A_160 = vector.shape_cast %scan3A_140#4 : vector<16xf32> to vector<16xf32>
    tpu.vector_store %arg9[%swap3A_157], %swap3A_160 {strides = array<i32>} : memref<512xf32, #tpu.memory_space<vmem>>, vector<16xf32>,
    %swap3A_161 = arith.constant 80 : index
    %swap3A_162 = tpu.vector_load %arg9[%swap3A_161] {strides = array<i32>} : memref<512xf32, #tpu.memory_space<vmem>>, vector<16xf32>,
    %swap3A_163 = vector.shape_cast %swap3A_162 : vector<16xf32> to vector<16xf32>
    %swap3A_164 = vector.shape_cast %scan3A_140#5 : vector<16xf32> to vector<16xf32>
    tpu.vector_store %arg9[%swap3A_161], %swap3A_164 {strides = array<i32>} : memref<512xf32, #tpu.memory_space<vmem>>, vector<16xf32>,
    %swap3A_165 = arith.constant 96 : index
    %swap3A_166 = tpu.vector_load %arg9[%swap3A_165] {strides = array<i32>} : memref<512xf32, #tpu.memory_space<vmem>>, vector<16xf32>,
    %swap3A_167 = vector.shape_cast %swap3A_166 : vector<16xf32> to vector<16xf32>
    %swap3A_168 = vector.shape_cast %scan3A_140#6 : vector<16xf32> to vector<16xf32>
    tpu.vector_store %arg9[%swap3A_165], %swap3A_168 {strides = array<i32>} : memref<512xf32, #tpu.memory_space<vmem>>, vector<16xf32>,
    %swap3A_169 = arith.constant 112 : index
    %swap3A_170 = tpu.vector_load %arg9[%swap3A_169] {strides = array<i32>} : memref<512xf32, #tpu.memory_space<vmem>>, vector<16xf32>,
    %swap3A_171 = vector.shape_cast %swap3A_170 : vector<16xf32> to vector<16xf32>
    %swap3A_172 = vector.shape_cast %scan3A_140#7 : vector<16xf32> to vector<16xf32>
    tpu.vector_store %arg9[%swap3A_169], %swap3A_172 {strides = array<i32>} : memref<512xf32, #tpu.memory_space<vmem>>, vector<16xf32>,
    %swap3A_173 = arith.constant 128 : index
    %swap3A_174 = tpu.vector_load %arg9[%swap3A_173] {strides = array<i32>} : memref<512xf32, #tpu.memory_space<vmem>>, vector<16xf32>,
    %swap3A_175 = vector.shape_cast %swap3A_174 : vector<16xf32> to vector<16xf32>
    %swap3A_176 = vector.shape_cast %scan3A_140#8 : vector<16xf32> to vector<16xf32>
    tpu.vector_store %arg9[%swap3A_173], %swap3A_176 {strides = array<i32>} : memref<512xf32, #tpu.memory_space<vmem>>, vector<16xf32>,
    %swap3A_177 = arith.constant 144 : index
    %swap3A_178 = tpu.vector_load %arg9[%swap3A_177] {strides = array<i32>} : memref<512xf32, #tpu.memory_space<vmem>>, vector<16xf32>,
    %swap3A_179 = vector.shape_cast %swap3A_178 : vector<16xf32> to vector<16xf32>
    %swap3A_180 = vector.shape_cast %scan3A_140#9 : vector<16xf32> to vector<16xf32>
    tpu.vector_store %arg9[%swap3A_177], %swap3A_180 {strides = array<i32>} : memref<512xf32, #tpu.memory_space<vmem>>, vector<16xf32>,
    %swap3A_181 = arith.constant 160 : index
    %swap3A_182 = tpu.vector_load %arg9[%swap3A_181] {strides = array<i32>} : memref<512xf32, #tpu.memory_space<vmem>>, vector<16xf32>,
    %swap3A_183 = vector.shape_cast %swap3A_182 : vector<16xf32> to vector<16xf32>
    %swap3A_184 = vector.shape_cast %scan3A_140#10 : vector<16xf32> to vector<16xf32>
    tpu.vector_store %arg9[%swap3A_181], %swap3A_184 {strides = array<i32>} : memref<512xf32, #tpu.memory_space<vmem>>, vector<16xf32>,
    %swap3A_185 = arith.constant 176 : index
    %swap3A_186 = tpu.vector_load %arg9[%swap3A_185] {strides = array<i32>} : memref<512xf32, #tpu.memory_space<vmem>>, vector<16xf32>,
    %swap3A_187 = vector.shape_cast %swap3A_186 : vector<16xf32> to vector<16xf32>
    %swap3A_188 = vector.shape_cast %scan3A_140#11 : vector<16xf32> to vector<16xf32>
    tpu.vector_store %arg9[%swap3A_185], %swap3A_188 {strides = array<i32>} : memref<512xf32, #tpu.memory_space<vmem>>, vector<16xf32>,
    %swap3A_189 = arith.constant 192 : index
    %swap3A_190 = tpu.vector_load %arg9[%swap3A_189] {strides = array<i32>} : memref<512xf32, #tpu.memory_space<vmem>>, vector<16xf32>,
    %swap3A_191 = vector.shape_cast %swap3A_190 : vector<16xf32> to vector<16xf32>
    %swap3A_192 = vector.shape_cast %scan3A_140#12 : vector<16xf32> to vector<16xf32>
    tpu.vector_store %arg9[%swap3A_189], %swap3A_192 {strides = array<i32>} : memref<512xf32, #tpu.memory_space<vmem>>, vector<16xf32>,
    %swap3A_193 = arith.constant 208 : index
    %swap3A_194 = tpu.vector_load %arg9[%swap3A_193] {strides = array<i32>} : memref<512xf32, #tpu.memory_space<vmem>>, vector<16xf32>,
    %swap3A_195 = vector.shape_cast %swap3A_194 : vector<16xf32> to vector<16xf32>
    %swap3A_196 = vector.shape_cast %scan3A_140#13 : vector<16xf32> to vector<16xf32>
    tpu.vector_store %arg9[%swap3A_193], %swap3A_196 {strides = array<i32>} : memref<512xf32, #tpu.memory_space<vmem>>, vector<16xf32>,
    %swap3A_197 = arith.constant 224 : index
    %swap3A_198 = tpu.vector_load %arg9[%swap3A_197] {strides = array<i32>} : memref<512xf32, #tpu.memory_space<vmem>>, vector<16xf32>,
    %swap3A_199 = vector.shape_cast %swap3A_198 : vector<16xf32> to vector<16xf32>
    %swap3A_200 = vector.shape_cast %scan3A_140#14 : vector<16xf32> to vector<16xf32>
    tpu.vector_store %arg9[%swap3A_197], %swap3A_200 {strides = array<i32>} : memref<512xf32, #tpu.memory_space<vmem>>, vector<16xf32>,
    %swap3A_201 = arith.constant 240 : index
    %swap3A_202 = tpu.vector_load %arg9[%swap3A_201] {strides = array<i32>} : memref<512xf32, #tpu.memory_space<vmem>>, vector<16xf32>,
    %swap3A_203 = vector.shape_cast %swap3A_202 : vector<16xf32> to vector<16xf32>
    %swap3A_204 = vector.shape_cast %scan3A_140#15 : vector<16xf32> to vector<16xf32>
    tpu.vector_store %arg9[%swap3A_201], %swap3A_204 {strides = array<i32>} : memref<512xf32, #tpu.memory_space<vmem>>, vector<16xf32>,
    %swap3A_205 = arith.constant 256 : index
    %swap3A_206 = tpu.vector_load %arg9[%swap3A_205] {strides = array<i32>} : memref<512xf32, #tpu.memory_space<vmem>>, vector<16xf32>,
    %swap3A_207 = vector.shape_cast %swap3A_206 : vector<16xf32> to vector<16xf32>
    %swap3A_208 = vector.shape_cast %scan3A_140#16 : vector<16xf32> to vector<16xf32>
    tpu.vector_store %arg9[%swap3A_205], %swap3A_208 {strides = array<i32>} : memref<512xf32, #tpu.memory_space<vmem>>, vector<16xf32>,
    %swap3A_209 = arith.constant 272 : index
    %swap3A_210 = tpu.vector_load %arg9[%swap3A_209] {strides = array<i32>} : memref<512xf32, #tpu.memory_space<vmem>>, vector<16xf32>,
    %swap3A_211 = vector.shape_cast %swap3A_210 : vector<16xf32> to vector<16xf32>
    %swap3A_212 = vector.shape_cast %scan3A_140#17 : vector<16xf32> to vector<16xf32>
    tpu.vector_store %arg9[%swap3A_209], %swap3A_212 {strides = array<i32>} : memref<512xf32, #tpu.memory_space<vmem>>, vector<16xf32>,
    %swap3A_213 = arith.constant 288 : index
    %swap3A_214 = tpu.vector_load %arg9[%swap3A_213] {strides = array<i32>} : memref<512xf32, #tpu.memory_space<vmem>>, vector<16xf32>,
    %swap3A_215 = vector.shape_cast %swap3A_214 : vector<16xf32> to vector<16xf32>
    %swap3A_216 = vector.shape_cast %scan3A_140#18 : vector<16xf32> to vector<16xf32>
    tpu.vector_store %arg9[%swap3A_213], %swap3A_216 {strides = array<i32>} : memref<512xf32, #tpu.memory_space<vmem>>, vector<16xf32>,
    %swap3A_217 = arith.constant 304 : index
    %swap3A_218 = tpu.vector_load %arg9[%swap3A_217] {strides = array<i32>} : memref<512xf32, #tpu.memory_space<vmem>>, vector<16xf32>,
    %swap3A_219 = vector.shape_cast %swap3A_218 : vector<16xf32> to vector<16xf32>
    %swap3A_220 = vector.shape_cast %scan3A_140#19 : vector<16xf32> to vector<16xf32>
    tpu.vector_store %arg9[%swap3A_217], %swap3A_220 {strides = array<i32>} : memref<512xf32, #tpu.memory_space<vmem>>, vector<16xf32>,
    %swap3A_221 = arith.constant 320 : index
    %swap3A_222 = tpu.vector_load %arg9[%swap3A_221] {strides = array<i32>} : memref<512xf32, #tpu.memory_space<vmem>>, vector<16xf32>,
    %swap3A_223 = vector.shape_cast %swap3A_222 : vector<16xf32> to vector<16xf32>
    %swap3A_224 = vector.shape_cast %scan3A_140#20 : vector<16xf32> to vector<16xf32>
    tpu.vector_store %arg9[%swap3A_221], %swap3A_224 {strides = array<i32>} : memref<512xf32, #tpu.memory_space<vmem>>, vector<16xf32>,
    %swap3A_225 = arith.constant 336 : index
    %swap3A_226 = tpu.vector_load %arg9[%swap3A_225] {strides = array<i32>} : memref<512xf32, #tpu.memory_space<vmem>>, vector<16xf32>,
    %swap3A_227 = vector.shape_cast %swap3A_226 : vector<16xf32> to vector<16xf32>
    %swap3A_228 = vector.shape_cast %scan3A_140#21 : vector<16xf32> to vector<16xf32>
    tpu.vector_store %arg9[%swap3A_225], %swap3A_228 {strides = array<i32>} : memref<512xf32, #tpu.memory_space<vmem>>, vector<16xf32>,
    %swap3A_229 = arith.constant 352 : index
    %swap3A_230 = tpu.vector_load %arg9[%swap3A_229] {strides = array<i32>} : memref<512xf32, #tpu.memory_space<vmem>>, vector<16xf32>,
    %swap3A_231 = vector.shape_cast %swap3A_230 : vector<16xf32> to vector<16xf32>
    %swap3A_232 = vector.shape_cast %scan3A_140#22 : vector<16xf32> to vector<16xf32>
    tpu.vector_store %arg9[%swap3A_229], %swap3A_232 {strides = array<i32>} : memref<512xf32, #tpu.memory_space<vmem>>, vector<16xf32>,
    %swap3A_233 = arith.constant 368 : index
    %swap3A_234 = tpu.vector_load %arg9[%swap3A_233] {strides = array<i32>} : memref<512xf32, #tpu.memory_space<vmem>>, vector<16xf32>,
    %swap3A_235 = vector.shape_cast %swap3A_234 : vector<16xf32> to vector<16xf32>
    %swap3A_236 = vector.shape_cast %scan3A_140#23 : vector<16xf32> to vector<16xf32>
    tpu.vector_store %arg9[%swap3A_233], %swap3A_236 {strides = array<i32>} : memref<512xf32, #tpu.memory_space<vmem>>, vector<16xf32>,
    %swap3A_237 = arith.constant 384 : index
    %swap3A_238 = tpu.vector_load %arg9[%swap3A_237] {strides = array<i32>} : memref<512xf32, #tpu.memory_space<vmem>>, vector<16xf32>,
    %swap3A_239 = vector.shape_cast %swap3A_238 : vector<16xf32> to vector<16xf32>
    %swap3A_240 = vector.shape_cast %scan3A_140#24 : vector<16xf32> to vector<16xf32>
    tpu.vector_store %arg9[%swap3A_237], %swap3A_240 {strides = array<i32>} : memref<512xf32, #tpu.memory_space<vmem>>, vector<16xf32>,
    %swap3A_241 = arith.constant 400 : index
    %swap3A_242 = tpu.vector_load %arg9[%swap3A_241] {strides = array<i32>} : memref<512xf32, #tpu.memory_space<vmem>>, vector<16xf32>,
    %swap3A_243 = vector.shape_cast %swap3A_242 : vector<16xf32> to vector<16xf32>
    %swap3A_244 = vector.shape_cast %scan3A_140#25 : vector<16xf32> to vector<16xf32>
    tpu.vector_store %arg9[%swap3A_241], %swap3A_244 {strides = array<i32>} : memref<512xf32, #tpu.memory_space<vmem>>, vector<16xf32>,
    %swap3A_245 = arith.constant 416 : index
    %swap3A_246 = tpu.vector_load %arg9[%swap3A_245] {strides = array<i32>} : memref<512xf32, #tpu.memory_space<vmem>>, vector<16xf32>,
    %swap3A_247 = vector.shape_cast %swap3A_246 : vector<16xf32> to vector<16xf32>
    %swap3A_248 = vector.shape_cast %scan3A_140#26 : vector<16xf32> to vector<16xf32>
    tpu.vector_store %arg9[%swap3A_245], %swap3A_248 {strides = array<i32>} : memref<512xf32, #tpu.memory_space<vmem>>, vector<16xf32>,
    %swap3A_249 = arith.constant 432 : index
    %swap3A_250 = tpu.vector_load %arg9[%swap3A_249] {strides = array<i32>} : memref<512xf32, #tpu.memory_space<vmem>>, vector<16xf32>,
    %swap3A_251 = vector.shape_cast %swap3A_250 : vector<16xf32> to vector<16xf32>
    %swap3A_252 = vector.shape_cast %scan3A_140#27 : vector<16xf32> to vector<16xf32>
    tpu.vector_store %arg9[%swap3A_249], %swap3A_252 {strides = array<i32>} : memref<512xf32, #tpu.memory_space<vmem>>, vector<16xf32>,
    %swap3A_253 = arith.constant 448 : index
    %swap3A_254 = tpu.vector_load %arg9[%swap3A_253] {strides = array<i32>} : memref<512xf32, #tpu.memory_space<vmem>>, vector<16xf32>,
    %swap3A_255 = vector.shape_cast %swap3A_254 : vector<16xf32> to vector<16xf32>
    %swap3A_256 = vector.shape_cast %scan3A_140#28 : vector<16xf32> to vector<16xf32>
    tpu.vector_store %arg9[%swap3A_253], %swap3A_256 {strides = array<i32>} : memref<512xf32, #tpu.memory_space<vmem>>, vector<16xf32>,
    %swap3A_257 = arith.constant 464 : index
    %swap3A_258 = tpu.vector_load %arg9[%swap3A_257] {strides = array<i32>} : memref<512xf32, #tpu.memory_space<vmem>>, vector<16xf32>,
    %swap3A_259 = vector.shape_cast %swap3A_258 : vector<16xf32> to vector<16xf32>
    %swap3A_260 = vector.shape_cast %scan3A_140#29 : vector<16xf32> to vector<16xf32>
    tpu.vector_store %arg9[%swap3A_257], %swap3A_260 {strides = array<i32>} : memref<512xf32, #tpu.memory_space<vmem>>, vector<16xf32>,
    %swap3A_261 = arith.constant 480 : index
    %swap3A_262 = tpu.vector_load %arg9[%swap3A_261] {strides = array<i32>} : memref<512xf32, #tpu.memory_space<vmem>>, vector<16xf32>,
    %swap3A_263 = vector.shape_cast %swap3A_262 : vector<16xf32> to vector<16xf32>
    %swap3A_264 = vector.shape_cast %scan3A_140#30 : vector<16xf32> to vector<16xf32>
    tpu.vector_store %arg9[%swap3A_261], %swap3A_264 {strides = array<i32>} : memref<512xf32, #tpu.memory_space<vmem>>, vector<16xf32>,
    %swap3A_265 = arith.constant 496 : index
    %swap3A_266 = tpu.vector_load %arg9[%swap3A_265] {strides = array<i32>} : memref<512xf32, #tpu.memory_space<vmem>>, vector<16xf32>,
    %swap3A_267 = vector.shape_cast %swap3A_266 : vector<16xf32> to vector<16xf32>
    %swap3A_268 = vector.shape_cast %scan3A_140#31 : vector<16xf32> to vector<16xf32>
    tpu.vector_store %arg9[%swap3A_265], %swap3A_268 {strides = array<i32>} : memref<512xf32, #tpu.memory_space<vmem>>, vector<16xf32>,
    "tpu.region"() ({
      %run_scoped3A = tpu.sem_alloc : memref<!tpu.dma_semaphore, #tpu.memory_space<semaphore_mem>>
      %dma_start3A_269 = arith.constant 0 : i32
      %dma_start3A_270 = tpu.memref_slice %arg5[%add3A, %dma_start3A_269] : memref<32x512xf32, #tpu.memory_space<hbm>> -> memref<1x512xf32, #tpu.memory_space<hbm>>
      %dma_start3A_271 = tpu.memref_squeeze %dma_start3A_270 : memref<1x512xf32, #tpu.memory_space<hbm>> -> memref<512xf32, #tpu.memory_space<hbm>>
      %dma_start3A_272 = arith.constant 0 : i32
      %dma_start3A_273 = tpu.memref_slice %arg5[%add3A, %dma_start3A_272] : memref<32x512xf32, #tpu.memory_space<hbm>> -> memref<1x512xf32, #tpu.memory_space<hbm>>
      %dma_start3A_274 = tpu.memref_squeeze %dma_start3A_273 : memref<1x512xf32, #tpu.memory_space<hbm>> -> memref<512xf32, #tpu.memory_space<hbm>>
      tpu.enqueue_dma source(%arg9 : memref<512xf32, #tpu.memory_space<vmem>>) target(%dma_start3A_274 : memref<512xf32, #tpu.memory_space<hbm>>) target_semaphore(%run_scoped3A : memref<!tpu.dma_semaphore, #tpu.memory_space<semaphore_mem>>)
      %dma_wait3A = arith.constant 0 : i32
      %dma_wait3A_275 = tpu.memref_slice %arg5[%add3A, %dma_wait3A] : memref<32x512xf32, #tpu.memory_space<hbm>> -> memref<1x512xf32, #tpu.memory_space<hbm>>
      %dma_wait3A_276 = tpu.memref_squeeze %dma_wait3A_275 : memref<1x512xf32, #tpu.memory_space<hbm>> -> memref<512xf32, #tpu.memory_space<hbm>>
      %dma_wait3A_277 = arith.constant 0 : i32
      %dma_wait3A_278 = tpu.memref_slice %arg5[%add3A, %dma_wait3A_277] : memref<32x512xf32, #tpu.memory_space<hbm>> -> memref<1x512xf32, #tpu.memory_space<hbm>>
      %dma_wait3A_279 = tpu.memref_squeeze %dma_wait3A_278 : memref<1x512xf32, #tpu.memory_space<hbm>> -> memref<512xf32, #tpu.memory_space<hbm>>
      tpu.wait_dma2 semaphore(%run_scoped3A : memref<!tpu.dma_semaphore, #tpu.memory_space<semaphore_mem>>) src(%arg9 : memref<512xf32, #tpu.memory_space<vmem>>) dst(%dma_wait3A_279 : memref<512xf32, #tpu.memory_space<hbm>>)
      tpu.yield
    }) : () -> ()
    return
  }
}

module attributes {stable_mosaic.version = 14 : i64} {
  func.func @_dist_body(%arg0: i32, %arg1: memref<1x64xf32, #tpu.memory_space<vmem>>, %arg2: memref<5000x64xf32, #tpu.memory_space<vmem>>, %arg3: memref<100x64xf32, #tpu.memory_space<vmem>>, %arg4: memref<100x1xf32, #tpu.memory_space<vmem>>, %arg5: memref<1x100xf32, #tpu.memory_space<vmem>>, %arg6: memref<59x100xf32, #tpu.memory_space<vmem>>, %arg7: memref<59x1xf32, #tpu.memory_space<vmem>>, %arg8: memref<1x59xf32, #tpu.memory_space<vmem>>, %arg9: memref<60x59xf32, #tpu.memory_space<vmem>>, %arg10: memref<60x1xf32, #tpu.memory_space<vmem>>, %arg11: memref<1x60xf32, #tpu.memory_space<vmem>>, %arg12: memref<3x60xf32, #tpu.memory_space<vmem>>, %arg13: memref<3x1xf32, #tpu.memory_space<vmem>>, %arg14: memref<1x3xf32, #tpu.memory_space<vmem>>, %arg15: memref<1x1x5000xf32, #tpu.memory_space<vmem>>, %arg16: memref<1x128xf32, #tpu.memory_space<vmem>>, %arg17: memref<1x128xf32, #tpu.memory_space<vmem>>, %arg18: memref<8x128xf32, #tpu.memory_space<vmem>>, %arg19: memref<1xf32, #tpu.memory_space<smem>>, %arg20: memref<1xf32, #tpu.memory_space<smem>>, %arg21: memref<1xf32, #tpu.memory_space<smem>>) attributes {dimension_semantics = [#tpu.dimension_semantics<arbitrary>], iteration_bounds = array<i64: 10>, scalar_prefetch = 0 : i64, scratch_operands = 4 : i64, tpu.core_type = #tpu.core_type<tc>, window_params = [{pipeline_mode = #tpu.pipeline_mode<synchronous>, transform_indices = @transform_0, window_bounds = array<i64: 1, 64>}, {transform_indices = @transform_1, window_bounds = array<i64: 5000, 64>}, {pipeline_mode = #tpu.pipeline_mode<synchronous>, transform_indices = @transform_2, window_bounds = array<i64: 100, 64>}, {pipeline_mode = #tpu.pipeline_mode<synchronous>, transform_indices = @transform_3, window_bounds = array<i64: 100, 1>}, {pipeline_mode = #tpu.pipeline_mode<synchronous>, transform_indices = @transform_4, window_bounds = array<i64: 1, 100>}, {pipeline_mode = #tpu.pipeline_mode<synchronous>, transform_indices = @transform_5, window_bounds = array<i64: 59, 100>}, {pipeline_mode = #tpu.pipeline_mode<synchronous>, transform_indices = @transform_6, window_bounds = array<i64: 59, 1>}, {pipeline_mode = #tpu.pipeline_mode<synchronous>, transform_indices = @transform_7, window_bounds = array<i64: 1, 59>}, {pipeline_mode = #tpu.pipeline_mode<synchronous>, transform_indices = @transform_8, window_bounds = array<i64: 60, 59>}, {pipeline_mode = #tpu.pipeline_mode<synchronous>, transform_indices = @transform_9, window_bounds = array<i64: 60, 1>}, {pipeline_mode = #tpu.pipeline_mode<synchronous>, transform_indices = @transform_10, window_bounds = array<i64: 1, 60>}, {pipeline_mode = #tpu.pipeline_mode<synchronous>, transform_indices = @transform_11, window_bounds = array<i64: 3, 60>}, {pipeline_mode = #tpu.pipeline_mode<synchronous>, transform_indices = @transform_12, window_bounds = array<i64: 3, 1>}, {pipeline_mode = #tpu.pipeline_mode<synchronous>, transform_indices = @transform_13, window_bounds = array<i64: 1, 3>}, {transform_indices = @transform_14, window_bounds = array<i64: 1, 1, 5000>}, {pipeline_mode = #tpu.pipeline_mode<synchronous>, transform_indices = @transform_15, window_bounds = array<i64: 1, 128>}, {pipeline_mode = #tpu.pipeline_mode<synchronous>, transform_indices = @transform_16, window_bounds = array<i64: 1, 128>}]} {
    %get3A = arith.constant 0 : index
    %get3A_0 = arith.constant 0 : index
    %get3A_1 = vector.load %arg3[%get3A, %get3A_0] : memref<100x64xf32, #tpu.memory_space<vmem>>, vector<100x64xf32>
    %get3A_2 = arith.constant 0 : index
    %get3A_3 = arith.constant 0 : index
    %get3A_4 = vector.load %arg4[%get3A_2, %get3A_3] : memref<100x1xf32, #tpu.memory_space<vmem>>, vector<100x1xf32>
    %get3A_5 = arith.constant 0 : index
    %get3A_6 = arith.constant 0 : index
    %get3A_7 = vector.load %arg6[%get3A_5, %get3A_6] : memref<59x100xf32, #tpu.memory_space<vmem>>, vector<59x100xf32>
    %get3A_8 = arith.constant 0 : index
    %get3A_9 = arith.constant 0 : index
    %get3A_10 = vector.load %arg7[%get3A_8, %get3A_9] : memref<59x1xf32, #tpu.memory_space<vmem>>, vector<59x1xf32>
    %get3A_11 = arith.constant 0 : index
    %get3A_12 = arith.constant 0 : index
    %get3A_13 = vector.load %arg9[%get3A_11, %get3A_12] : memref<60x59xf32, #tpu.memory_space<vmem>>, vector<60x59xf32>
    %get3A_14 = arith.constant 0 : index
    %get3A_15 = arith.constant 0 : index
    %get3A_16 = vector.load %arg10[%get3A_14, %get3A_15] : memref<60x1xf32, #tpu.memory_space<vmem>>, vector<60x1xf32>
    %get3A_17 = arith.constant 0 : index
    %get3A_18 = arith.constant 0 : index
    %get3A_19 = vector.load %arg12[%get3A_17, %get3A_18] : memref<3x60xf32, #tpu.memory_space<vmem>>, vector<3x60xf32>
    %get3A_20 = arith.constant 0 : index
    %get3A_21 = arith.constant 0 : index
    %get3A_22 = vector.load %arg13[%get3A_20, %get3A_21] : memref<3x1xf32, #tpu.memory_space<vmem>>, vector<3x1xf32>
    %eq3A = arith.constant 0 : i32
    %eq3A_23 = arith.cmpi eq, %arg0, %eq3A : i32
    %convert_element_type3A = arith.extui %eq3A_23 : i1 to i32
    %cond3A = arith.constant 0 : i32
    %cond3A_24 = arith.cmpi ne, %convert_element_type3A, %cond3A : i32
    scf.if %cond3A_24 {
      %get3A_104 = arith.constant 0 : index
      %get3A_105 = arith.constant 0 : index
      %get3A_106 = vector.load %arg1[%get3A_104, %get3A_105] : memref<1x64xf32, #tpu.memory_space<vmem>>, vector<1x64xf32>
      %get3A_107 = arith.constant 0 : index
      %get3A_108 = arith.constant 0 : index
      %get3A_109 = vector.load %arg3[%get3A_107, %get3A_108] : memref<100x64xf32, #tpu.memory_space<vmem>>, vector<100x64xf32>
      %dot_general3A_110 = arith.constant dense<0.000000e+00> : vector<1x100xf32>
      %dot_general3A_111 = tpu.matmul %get3A_106, %get3A_109, %dot_general3A_110 {dimension_numbers = #tpu.dot_dimension_numbers<[1], [1], [0], [0], [0, 0, 1, 0], [], []>, transpose_lhs_hint = false} : vector<1x64xf32>, vector<100x64xf32>, vector<1x100xf32> -> vector<1x100xf32>
      %get3A_112 = arith.constant 0 : index
      %get3A_113 = arith.constant 0 : index
      %get3A_114 = vector.load %arg5[%get3A_112, %get3A_113] : memref<1x100xf32, #tpu.memory_space<vmem>>, vector<1x100xf32>
      %add3A_115 = arith.addf %dot_general3A_111, %get3A_114 : vector<1x100xf32>
      %max3A_116 = arith.constant 0.000000e+00 : f32
      %max3A_117 = vector.broadcast %max3A_116 : f32 to vector<1x100xf32>
      %max3A_118 = arith.maximumf %add3A_115, %max3A_117 : vector<1x100xf32>
      %get3A_119 = arith.constant 0 : index
      %get3A_120 = arith.constant 0 : index
      %get3A_121 = vector.load %arg6[%get3A_119, %get3A_120] : memref<59x100xf32, #tpu.memory_space<vmem>>, vector<59x100xf32>
      %dot_general3A_122 = arith.constant dense<0.000000e+00> : vector<1x59xf32>
      %dot_general3A_123 = tpu.matmul %max3A_118, %get3A_121, %dot_general3A_122 {dimension_numbers = #tpu.dot_dimension_numbers<[1], [1], [0], [0], [0, 0, 1, 0], [], []>, transpose_lhs_hint = false} : vector<1x100xf32>, vector<59x100xf32>, vector<1x59xf32> -> vector<1x59xf32>
      %get3A_124 = arith.constant 0 : index
      %get3A_125 = arith.constant 0 : index
      %get3A_126 = vector.load %arg8[%get3A_124, %get3A_125] : memref<1x59xf32, #tpu.memory_space<vmem>>, vector<1x59xf32>
      %add3A_127 = arith.addf %dot_general3A_123, %get3A_126 : vector<1x59xf32>
      %max3A_128 = arith.constant 0.000000e+00 : f32
      %max3A_129 = vector.broadcast %max3A_128 : f32 to vector<1x59xf32>
      %max3A_130 = arith.maximumf %add3A_127, %max3A_129 : vector<1x59xf32>
      %get3A_131 = arith.constant 0 : index
      %get3A_132 = arith.constant 0 : index
      %get3A_133 = vector.load %arg9[%get3A_131, %get3A_132] : memref<60x59xf32, #tpu.memory_space<vmem>>, vector<60x59xf32>
      %dot_general3A_134 = arith.constant dense<0.000000e+00> : vector<1x60xf32>
      %dot_general3A_135 = tpu.matmul %max3A_130, %get3A_133, %dot_general3A_134 {dimension_numbers = #tpu.dot_dimension_numbers<[1], [1], [0], [0], [0, 0, 1, 0], [], []>, transpose_lhs_hint = false} : vector<1x59xf32>, vector<60x59xf32>, vector<1x60xf32> -> vector<1x60xf32>
      %get3A_136 = arith.constant 0 : index
      %get3A_137 = arith.constant 0 : index
      %get3A_138 = vector.load %arg11[%get3A_136, %get3A_137] : memref<1x60xf32, #tpu.memory_space<vmem>>, vector<1x60xf32>
      %add3A_139 = arith.addf %dot_general3A_135, %get3A_138 : vector<1x60xf32>
      %max3A_140 = arith.constant 0.000000e+00 : f32
      %max3A_141 = vector.broadcast %max3A_140 : f32 to vector<1x60xf32>
      %max3A_142 = arith.maximumf %add3A_139, %max3A_141 : vector<1x60xf32>
      %get3A_143 = arith.constant 0 : index
      %get3A_144 = arith.constant 0 : index
      %get3A_145 = vector.load %arg12[%get3A_143, %get3A_144] : memref<3x60xf32, #tpu.memory_space<vmem>>, vector<3x60xf32>
      %dot_general3A_146 = arith.constant dense<0.000000e+00> : vector<1x3xf32>
      %dot_general3A_147 = tpu.matmul %max3A_142, %get3A_145, %dot_general3A_146 {dimension_numbers = #tpu.dot_dimension_numbers<[1], [1], [0], [0], [0, 0, 1, 0], [], []>, transpose_lhs_hint = false} : vector<1x60xf32>, vector<3x60xf32>, vector<1x3xf32> -> vector<1x3xf32>
      %get3A_148 = arith.constant 0 : index
      %get3A_149 = arith.constant 0 : index
      %get3A_150 = vector.load %arg14[%get3A_148, %get3A_149] : memref<1x3xf32, #tpu.memory_space<vmem>>, vector<1x3xf32>
      %add3A_151 = arith.addf %dot_general3A_147, %get3A_150 : vector<1x3xf32>
      %sub3A_152 = arith.constant 9.99999997E-7 : f32
      %sub3A_153 = vector.broadcast %sub3A_152 : f32 to vector<1x3xf32>
      %sub3A_154 = arith.subf %add3A_151, %sub3A_153 : vector<1x3xf32>
      %swap3A_155 = arith.constant 0 : index
      %swap3A_156 = arith.constant 0 : index
      %swap3A_157 = vector.load %arg18[%swap3A_155, %swap3A_156] : memref<8x128xf32, #tpu.memory_space<vmem>>, vector<1x3xf32>
      tpu.vector_store %arg18[%swap3A_155, %swap3A_156], %sub3A_154 {strides = array<i32>} : memref<8x128xf32, #tpu.memory_space<vmem>>, vector<1x3xf32>,
      %mul3A_158 = arith.mulf %sub3A_154, %sub3A_154 : vector<1x3xf32>
      %reduce_sum3A_159 = vector.shape_cast %mul3A_158 : vector<1x3xf32> to vector<1x1x3xf32>
      %reduce_sum3A_160 = arith.constant dense<0.000000e+00> : vector<1xf32>
      %reduce_sum3A_161 = vector.multi_reduction <add>, %reduce_sum3A_159, %reduce_sum3A_160 [1, 2] : vector<1x1x3xf32> to vector<1xf32>
      %reduce_sum3A_162 = vector.shape_cast %reduce_sum3A_161 : vector<1xf32> to vector<1x1x1xf32>
      %reduce_sum3A_163 = vector.extract %reduce_sum3A_162[0, 0, 0] : f32 from vector<1x1x1xf32>
      %swap3A_164 = arith.constant 0 : index
      %swap3A_165 = memref.load %arg19[%swap3A_164] : memref<1xf32, #tpu.memory_space<smem>>
      memref.store %reduce_sum3A_163, %arg19[%swap3A_164] : memref<1xf32, #tpu.memory_space<smem>>
      %swap3A_166 = arith.constant 3.000000e+38 : f32
      %swap3A_167 = arith.constant 0 : index
      %swap3A_168 = memref.load %arg20[%swap3A_167] : memref<1xf32, #tpu.memory_space<smem>>
      memref.store %swap3A_166, %arg20[%swap3A_167] : memref<1xf32, #tpu.memory_space<smem>>
      %swap3A_169 = arith.constant 0.000000e+00 : f32
      %swap3A_170 = arith.constant 0 : index
      %swap3A_171 = memref.load %arg21[%swap3A_170] : memref<1xf32, #tpu.memory_space<smem>>
      memref.store %swap3A_169, %arg21[%swap3A_170] : memref<1xf32, #tpu.memory_space<smem>>
    } else {
    }
    %get3A_25 = arith.constant 0 : index
    %get3A_26 = arith.constant 0 : index
    %get3A_27 = vector.load %arg2[%get3A_25, %get3A_26] : memref<5000x64xf32, #tpu.memory_space<vmem>>, vector<5000x64xf32>
    %transpose3A = tpu.transpose %get3A_27, [1, 0] : vector<5000x64xf32> -> vector<64x5000xf32>
    %dot_general3A = arith.constant dense<0.000000e+00> : vector<100x5000xf32>
    %dot_general3A_28 = tpu.matmul %get3A_1, %transpose3A, %dot_general3A {dimension_numbers = #tpu.dot_dimension_numbers<[1], [0], [0], [1], [0, 0, 1, 1], [], []>, transpose_lhs_hint = false} : vector<100x64xf32>, vector<64x5000xf32>, vector<100x5000xf32> -> vector<100x5000xf32>
    %add3A = vector.broadcast %get3A_4 : vector<100x1xf32> to vector<100x5000xf32>
    %add3A_29 = arith.addf %dot_general3A_28, %add3A : vector<100x5000xf32>
    %max3A = arith.constant 0.000000e+00 : f32
    %max3A_30 = vector.broadcast %max3A : f32 to vector<100x5000xf32>
    %max3A_31 = arith.maximumf %add3A_29, %max3A_30 : vector<100x5000xf32>
    %dot_general3A_32 = arith.constant dense<0.000000e+00> : vector<59x5000xf32>
    %dot_general3A_33 = tpu.matmul %get3A_7, %max3A_31, %dot_general3A_32 {dimension_numbers = #tpu.dot_dimension_numbers<[1], [0], [0], [1], [0, 0, 1, 1], [], []>, transpose_lhs_hint = false} : vector<59x100xf32>, vector<100x5000xf32>, vector<59x5000xf32> -> vector<59x5000xf32>
    %add3A_34 = vector.broadcast %get3A_10 : vector<59x1xf32> to vector<59x5000xf32>
    %add3A_35 = arith.addf %dot_general3A_33, %add3A_34 : vector<59x5000xf32>
    %max3A_36 = arith.constant 0.000000e+00 : f32
    %max3A_37 = vector.broadcast %max3A_36 : f32 to vector<59x5000xf32>
    %max3A_38 = arith.maximumf %add3A_35, %max3A_37 : vector<59x5000xf32>
    %dot_general3A_39 = arith.constant dense<0.000000e+00> : vector<60x5000xf32>
    %dot_general3A_40 = tpu.matmul %get3A_13, %max3A_38, %dot_general3A_39 {dimension_numbers = #tpu.dot_dimension_numbers<[1], [0], [0], [1], [0, 0, 1, 1], [], []>, transpose_lhs_hint = false} : vector<60x59xf32>, vector<59x5000xf32>, vector<60x5000xf32> -> vector<60x5000xf32>
    %add3A_41 = vector.broadcast %get3A_16 : vector<60x1xf32> to vector<60x5000xf32>
    %add3A_42 = arith.addf %dot_general3A_40, %add3A_41 : vector<60x5000xf32>
    %max3A_43 = arith.constant 0.000000e+00 : f32
    %max3A_44 = vector.broadcast %max3A_43 : f32 to vector<60x5000xf32>
    %max3A_45 = arith.maximumf %add3A_42, %max3A_44 : vector<60x5000xf32>
    %dot_general3A_46 = arith.constant dense<0.000000e+00> : vector<3x5000xf32>
    %dot_general3A_47 = tpu.matmul %get3A_19, %max3A_45, %dot_general3A_46 {dimension_numbers = #tpu.dot_dimension_numbers<[1], [0], [0], [1], [0, 0, 1, 1], [], []>, transpose_lhs_hint = false} : vector<3x60xf32>, vector<60x5000xf32>, vector<3x5000xf32> -> vector<3x5000xf32>
    %add3A_48 = vector.broadcast %get3A_22 : vector<3x1xf32> to vector<3x5000xf32>
    %add3A_49 = arith.addf %dot_general3A_47, %add3A_48 : vector<3x5000xf32>
    %mul3A = arith.mulf %add3A_49, %add3A_49 : vector<3x5000xf32>
    %reduce_sum3A = arith.constant dense<0.000000e+00> : vector<5000xf32>
    %reduce_sum3A_50 = vector.multi_reduction <add>, %mul3A, %reduce_sum3A [0] : vector<3x5000xf32> to vector<5000xf32>
    %broadcast_in_dim3A = vector.shape_cast %reduce_sum3A_50 : vector<5000xf32> to vector<1x5000xf32>
    %get3A_51 = arith.constant 0 : index
    %get3A_52 = arith.constant 0 : index
    %get3A_53 = vector.load %arg18[%get3A_51, %get3A_52] : memref<8x128xf32, #tpu.memory_space<vmem>>, vector<1x3xf32>
    %dot_general3A_54 = arith.constant dense<0.000000e+00> : vector<1x5000xf32>
    %dot_general3A_55 = tpu.matmul %get3A_53, %add3A_49, %dot_general3A_54 {dimension_numbers = #tpu.dot_dimension_numbers<[1], [0], [0], [1], [0, 0, 1, 1], [], []>, transpose_lhs_hint = false} : vector<1x3xf32>, vector<3x5000xf32>, vector<1x5000xf32> -> vector<1x5000xf32>
    %mul3A_56 = arith.constant 2.000000e+00 : f32
    %mul3A_57 = vector.broadcast %mul3A_56 : f32 to vector<1x5000xf32>
    %mul3A_58 = arith.mulf %mul3A_57, %dot_general3A_55 : vector<1x5000xf32>
    %sub3A = arith.subf %broadcast_in_dim3A, %mul3A_58 : vector<1x5000xf32>
    %get3A_59 = arith.constant 0 : index
    %get3A_60 = memref.load %arg19[%get3A_59] : memref<1xf32, #tpu.memory_space<smem>>
    %add3A_61 = vector.broadcast %get3A_60 : f32 to vector<1x5000xf32>
    %add3A_62 = arith.addf %sub3A, %add3A_61 : vector<1x5000xf32>
    %max3A_63 = arith.constant 0.000000e+00 : f32
    %max3A_64 = vector.broadcast %max3A_63 : f32 to vector<1x5000xf32>
    %max3A_65 = arith.maximumf %add3A_62, %max3A_64 : vector<1x5000xf32>
    %sqrt3A = math.sqrt %max3A_65 : vector<1x5000xf32>
    %reshape3A = vector.shape_cast %sqrt3A : vector<1x5000xf32> to vector<1x1x5000xf32>
    %swap3A = arith.constant 0 : index
    %swap3A_66 = arith.constant 0 : index
    %swap3A_67 = arith.constant 0 : index
    %swap3A_68 = vector.load %arg15[%swap3A, %swap3A_66, %swap3A_67] : memref<1x1x5000xf32, #tpu.memory_space<vmem>>, vector<1x1x5000xf32>
    tpu.vector_store %arg15[%swap3A, %swap3A_66, %swap3A_67], %reshape3A {strides = array<i32>} : memref<1x1x5000xf32, #tpu.memory_space<vmem>>, vector<1x1x5000xf32>,
    %get3A_69 = arith.constant 0 : index
    %get3A_70 = memref.load %arg20[%get3A_69] : memref<1xf32, #tpu.memory_space<smem>>
    %reduce_min3A = vector.shape_cast %sqrt3A : vector<1x5000xf32> to vector<1x1x5000xf32>
    %reduce_min3A_71 = arith.constant dense<0x7F800000> : vector<1xf32>
    %reduce_min3A_72 = vector.multi_reduction <minimumf>, %reduce_min3A, %reduce_min3A_71 [1, 2] : vector<1x1x5000xf32> to vector<1xf32>
    %reduce_min3A_73 = vector.shape_cast %reduce_min3A_72 : vector<1xf32> to vector<1x1x1xf32>
    %reduce_min3A_74 = vector.extract %reduce_min3A_73[0, 0, 0] : f32 from vector<1x1x1xf32>
    %min3A = arith.minimumf %get3A_70, %reduce_min3A_74 : f32
    %sub3A_75 = arith.subf %min3A, %get3A_70 : f32
    %exp3A = math.exp %sub3A_75 : f32
    %get3A_76 = arith.constant 0 : index
    %get3A_77 = memref.load %arg21[%get3A_76] : memref<1xf32, #tpu.memory_space<smem>>
    %mul3A_78 = arith.mulf %get3A_77, %exp3A : f32
    %sub3A_79 = vector.broadcast %min3A : f32 to vector<1x5000xf32>
    %sub3A_80 = arith.subf %sub3A_79, %sqrt3A : vector<1x5000xf32>
    %exp3A_81 = math.exp %sub3A_80 : vector<1x5000xf32>
    %reduce_sum3A_82 = vector.shape_cast %exp3A_81 : vector<1x5000xf32> to vector<1x1x5000xf32>
    %reduce_sum3A_83 = arith.constant dense<0.000000e+00> : vector<1xf32>
    %reduce_sum3A_84 = vector.multi_reduction <add>, %reduce_sum3A_82, %reduce_sum3A_83 [1, 2] : vector<1x1x5000xf32> to vector<1xf32>
    %reduce_sum3A_85 = vector.shape_cast %reduce_sum3A_84 : vector<1xf32> to vector<1x1x1xf32>
    %reduce_sum3A_86 = vector.extract %reduce_sum3A_85[0, 0, 0] : f32 from vector<1x1x1xf32>
    %add3A_87 = arith.addf %mul3A_78, %reduce_sum3A_86 : f32
    %swap3A_88 = arith.constant 0 : index
    %swap3A_89 = memref.load %arg21[%swap3A_88] : memref<1xf32, #tpu.memory_space<smem>>
    memref.store %add3A_87, %arg21[%swap3A_88] : memref<1xf32, #tpu.memory_space<smem>>
    %swap3A_90 = arith.constant 0 : index
    %swap3A_91 = memref.load %arg20[%swap3A_90] : memref<1xf32, #tpu.memory_space<smem>>
    memref.store %min3A, %arg20[%swap3A_90] : memref<1xf32, #tpu.memory_space<smem>>
    %get3A_92 = arith.constant 0 : index
    %get3A_93 = memref.load %arg20[%get3A_92] : memref<1xf32, #tpu.memory_space<smem>>
    %broadcast_in_dim3A_94 = vector.broadcast %get3A_93 : f32 to vector<1x128xf32>
    %swap3A_95 = arith.constant 0 : index
    %swap3A_96 = arith.constant 0 : index
    %swap3A_97 = vector.load %arg16[%swap3A_95, %swap3A_96] : memref<1x128xf32, #tpu.memory_space<vmem>>, vector<1x128xf32>
    tpu.vector_store %arg16[%swap3A_95, %swap3A_96], %broadcast_in_dim3A_94 {strides = array<i32>} : memref<1x128xf32, #tpu.memory_space<vmem>>, vector<1x128xf32>,
    %get3A_98 = arith.constant 0 : index
    %get3A_99 = memref.load %arg21[%get3A_98] : memref<1xf32, #tpu.memory_space<smem>>
    %broadcast_in_dim3A_100 = vector.broadcast %get3A_99 : f32 to vector<1x128xf32>
    %swap3A_101 = arith.constant 0 : index
    %swap3A_102 = arith.constant 0 : index
    %swap3A_103 = vector.load %arg17[%swap3A_101, %swap3A_102] : memref<1x128xf32, #tpu.memory_space<vmem>>, vector<1x128xf32>
    tpu.vector_store %arg17[%swap3A_101, %swap3A_102], %broadcast_in_dim3A_100 {strides = array<i32>} : memref<1x128xf32, #tpu.memory_space<vmem>>, vector<1x128xf32>,
    return
  }
  func.func @transform_0(%arg0: i32) -> (i32, i32) {
    %c0_i32 = arith.constant 0 : i32
    %c0_i32_0 = arith.constant 0 : i32
    %c0_i32_1 = arith.constant 0 : i32
    return %c0_i32, %c0_i32_0 : i32, i32
  }
  func.func @transform_1(%arg0: i32) -> (i32, i32) {
    %c0_i32 = arith.constant 0 : i32
    %c0_i32_0 = arith.constant 0 : i32
    return %arg0, %c0_i32 : i32, i32
  }
  func.func @transform_2(%arg0: i32) -> (i32, i32) {
    %c0_i32 = arith.constant 0 : i32
    %c0_i32_0 = arith.constant 0 : i32
    %c0_i32_1 = arith.constant 0 : i32
    return %c0_i32, %c0_i32_0 : i32, i32
  }
  func.func @transform_3(%arg0: i32) -> (i32, i32) {
    %c0_i32 = arith.constant 0 : i32
    %c0_i32_0 = arith.constant 0 : i32
    %c0_i32_1 = arith.constant 0 : i32
    return %c0_i32, %c0_i32_0 : i32, i32
  }
  func.func @transform_4(%arg0: i32) -> (i32, i32) {
    %c0_i32 = arith.constant 0 : i32
    %c0_i32_0 = arith.constant 0 : i32
    %c0_i32_1 = arith.constant 0 : i32
    return %c0_i32, %c0_i32_0 : i32, i32
  }
  func.func @transform_5(%arg0: i32) -> (i32, i32) {
    %c0_i32 = arith.constant 0 : i32
    %c0_i32_0 = arith.constant 0 : i32
    %c0_i32_1 = arith.constant 0 : i32
    return %c0_i32, %c0_i32_0 : i32, i32
  }
  func.func @transform_6(%arg0: i32) -> (i32, i32) {
    %c0_i32 = arith.constant 0 : i32
    %c0_i32_0 = arith.constant 0 : i32
    %c0_i32_1 = arith.constant 0 : i32
    return %c0_i32, %c0_i32_0 : i32, i32
  }
  func.func @transform_7(%arg0: i32) -> (i32, i32) {
    %c0_i32 = arith.constant 0 : i32
    %c0_i32_0 = arith.constant 0 : i32
    %c0_i32_1 = arith.constant 0 : i32
    return %c0_i32, %c0_i32_0 : i32, i32
  }
  func.func @transform_8(%arg0: i32) -> (i32, i32) {
    %c0_i32 = arith.constant 0 : i32
    %c0_i32_0 = arith.constant 0 : i32
    %c0_i32_1 = arith.constant 0 : i32
    return %c0_i32, %c0_i32_0 : i32, i32
  }
  func.func @transform_9(%arg0: i32) -> (i32, i32) {
    %c0_i32 = arith.constant 0 : i32
    %c0_i32_0 = arith.constant 0 : i32
    %c0_i32_1 = arith.constant 0 : i32
    return %c0_i32, %c0_i32_0 : i32, i32
  }
  func.func @transform_10(%arg0: i32) -> (i32, i32) {
    %c0_i32 = arith.constant 0 : i32
    %c0_i32_0 = arith.constant 0 : i32
    %c0_i32_1 = arith.constant 0 : i32
    return %c0_i32, %c0_i32_0 : i32, i32
  }
  func.func @transform_11(%arg0: i32) -> (i32, i32) {
    %c0_i32 = arith.constant 0 : i32
    %c0_i32_0 = arith.constant 0 : i32
    %c0_i32_1 = arith.constant 0 : i32
    return %c0_i32, %c0_i32_0 : i32, i32
  }
  func.func @transform_12(%arg0: i32) -> (i32, i32) {
    %c0_i32 = arith.constant 0 : i32
    %c0_i32_0 = arith.constant 0 : i32
    %c0_i32_1 = arith.constant 0 : i32
    return %c0_i32, %c0_i32_0 : i32, i32
  }
  func.func @transform_13(%arg0: i32) -> (i32, i32) {
    %c0_i32 = arith.constant 0 : i32
    %c0_i32_0 = arith.constant 0 : i32
    %c0_i32_1 = arith.constant 0 : i32
    return %c0_i32, %c0_i32_0 : i32, i32
  }
  func.func @transform_14(%arg0: i32) -> (i32, i32, i32) {
    %c0_i32 = arith.constant 0 : i32
    %c0_i32_0 = arith.constant 0 : i32
    %c0_i32_1 = arith.constant 0 : i32
    return %arg0, %c0_i32, %c0_i32_0 : i32, i32, i32
  }
  func.func @transform_15(%arg0: i32) -> (i32, i32) {
    %c0_i32 = arith.constant 0 : i32
    %c0_i32_0 = arith.constant 0 : i32
    %c0_i32_1 = arith.constant 0 : i32
    return %c0_i32, %c0_i32_0 : i32, i32
  }
  func.func @transform_16(%arg0: i32) -> (i32, i32) {
    %c0_i32 = arith.constant 0 : i32
    %c0_i32_0 = arith.constant 0 : i32
    %c0_i32_1 = arith.constant 0 : i32
    return %c0_i32, %c0_i32_0 : i32, i32
  }
}

module attributes {stable_mosaic.version = 14 : i64} {
  func.func @_reduce_body(%arg0: i32, %arg1: memref<1x1x3208xf32, #tpu.memory_space<vmem>>, %arg2: memref<1x128xf32, #tpu.memory_space<vmem>>, %arg3: memref<3208x512xf32, #tpu.memory_space<vmem>>, %arg4: memref<1x512xf32, #tpu.memory_space<vmem>>) attributes {dimension_semantics = [#tpu.dimension_semantics<arbitrary>], iteration_bounds = array<i64: 10>, scalar_prefetch = 0 : i64, scratch_operands = 0 : i64, tpu.core_type = #tpu.core_type<tc>, window_params = [{transform_indices = @transform_0, window_bounds = array<i64: 1, 1, 3208>}, {pipeline_mode = #tpu.pipeline_mode<synchronous>, transform_indices = @transform_1, window_bounds = array<i64: 1, 128>}, {transform_indices = @transform_2, window_bounds = array<i64: 3208, 512>}, {pipeline_mode = #tpu.pipeline_mode<synchronous>, transform_indices = @transform_3, window_bounds = array<i64: 1, 512>}]} {
    %get3A = arith.constant 0 : index
    %get3A_0 = arith.constant 0 : index
    %get3A_1 = vector.load %arg2[%get3A, %get3A_0] : memref<1x128xf32, #tpu.memory_space<vmem>>, vector<1x1xf32>
    %get3A_2 = vector.extract %get3A_1[0, 0] : f32 from vector<1x1xf32>
    %get3A_3 = arith.constant 0 : index
    %get3A_4 = arith.constant 0 : index
    %get3A_5 = arith.constant 0 : index
    %get3A_6 = vector.load %arg1[%get3A_3, %get3A_4, %get3A_5] : memref<1x1x3208xf32, #tpu.memory_space<vmem>>, vector<1x1x3208xf32>
    %reshape3A = vector.shape_cast %get3A_6 : vector<1x1x3208xf32> to vector<1x3208xf32>
    %sub3A = vector.broadcast %get3A_2 : f32 to vector<1x3208xf32>
    %sub3A_7 = arith.subf %sub3A, %reshape3A : vector<1x3208xf32>
    %exp3A = math.exp %sub3A_7 : vector<1x3208xf32>
    %get3A_8 = arith.constant 0 : index
    %get3A_9 = arith.constant 0 : index
    %get3A_10 = vector.load %arg3[%get3A_8, %get3A_9] : memref<3208x512xf32, #tpu.memory_space<vmem>>, vector<3208x512xf32>
    %dot_general3A = arith.constant dense<0.000000e+00> : vector<1x512xf32>
    %dot_general3A_11 = tpu.matmul %exp3A, %get3A_10, %dot_general3A {dimension_numbers = #tpu.dot_dimension_numbers<[1], [0], [0], [1], [0, 0, 1, 1], [], []>, transpose_lhs_hint = false} : vector<1x3208xf32>, vector<3208x512xf32>, vector<1x512xf32> -> vector<1x512xf32>
    %eq3A = arith.constant 0 : i32
    %eq3A_12 = arith.cmpi eq, %arg0, %eq3A : i32
    %convert_element_type3A = arith.extui %eq3A_12 : i1 to i32
    %cond3A = arith.constant 0 : i32
    %cond3A_13 = arith.cmpi ne, %convert_element_type3A, %cond3A : i32
    scf.if %cond3A_13 {
      %swap3A = arith.constant 0 : index
      %swap3A_18 = arith.constant 0 : index
      %swap3A_19 = vector.load %arg4[%swap3A, %swap3A_18] : memref<1x512xf32, #tpu.memory_space<vmem>>, vector<1x512xf32>
      tpu.vector_store %arg4[%swap3A, %swap3A_18], %dot_general3A_11 {strides = array<i32>} : memref<1x512xf32, #tpu.memory_space<vmem>>, vector<1x512xf32>,
    } else {
    }
    %gt3A = arith.constant 0 : i32
    %gt3A_14 = arith.cmpi sgt, %arg0, %gt3A : i32
    %convert_element_type3A_15 = arith.extui %gt3A_14 : i1 to i32
    %cond3A_16 = arith.constant 0 : i32
    %cond3A_17 = arith.cmpi ne, %convert_element_type3A_15, %cond3A_16 : i32
    scf.if %cond3A_17 {
      %get3A_18 = arith.constant 0 : index
      %get3A_19 = arith.constant 0 : index
      %get3A_20 = vector.load %arg4[%get3A_18, %get3A_19] : memref<1x512xf32, #tpu.memory_space<vmem>>, vector<1x512xf32>
      %add3A = arith.addf %get3A_20, %dot_general3A_11 : vector<1x512xf32>
      %swap3A = arith.constant 0 : index
      %swap3A_21 = arith.constant 0 : index
      %swap3A_22 = vector.load %arg4[%swap3A, %swap3A_21] : memref<1x512xf32, #tpu.memory_space<vmem>>, vector<1x512xf32>
      tpu.vector_store %arg4[%swap3A, %swap3A_21], %add3A {strides = array<i32>} : memref<1x512xf32, #tpu.memory_space<vmem>>, vector<1x512xf32>,
    } else {
    }
    return
  }
  func.func @transform_0(%arg0: i32) -> (i32, i32, i32) {
    %c0_i32 = arith.constant 0 : i32
    %c0_i32_0 = arith.constant 0 : i32
    %c0_i32_1 = arith.constant 0 : i32
    return %arg0, %c0_i32, %c0_i32_0 : i32, i32, i32
  }
  func.func @transform_1(%arg0: i32) -> (i32, i32) {
    %c0_i32 = arith.constant 0 : i32
    %c0_i32_0 = arith.constant 0 : i32
    %c0_i32_1 = arith.constant 0 : i32
    return %c0_i32, %c0_i32_0 : i32, i32
  }
  func.func @transform_2(%arg0: i32) -> (i32, i32) {
    %c0_i32 = arith.constant 0 : i32
    %c0_i32_0 = arith.constant 0 : i32
    return %arg0, %c0_i32 : i32, i32
  }
  func.func @transform_3(%arg0: i32) -> (i32, i32) {
    %c0_i32 = arith.constant 0 : i32
    %c0_i32_0 = arith.constant 0 : i32
    %c0_i32_1 = arith.constant 0 : i32
    return %c0_i32, %c0_i32_0 : i32, i32
  }
}

module attributes {stable_mosaic.version = 14 : i64} {
  func.func @_combine_body(%arg0: memref<32x512xf32, #tpu.memory_space<vmem>>, %arg1: memref<1x512xf32, #tpu.memory_space<vmem>>, %arg2: memref<1x128xf32, #tpu.memory_space<vmem>>, %arg3: memref<1x512xf32, #tpu.memory_space<vmem>>) attributes {dimension_semantics = [], scalar_prefetch = 0 : i64, scratch_operands = 0 : i64, tpu.core_type = #tpu.core_type<tc>} {
    %get3A = arith.constant 0 : index
    %get3A_0 = arith.constant 0 : index
    %get3A_1 = vector.load %arg2[%get3A, %get3A_0] : memref<1x128xf32, #tpu.memory_space<vmem>>, vector<1x1xf32>
    %get3A_2 = vector.extract %get3A_1[0, 0] : f32 from vector<1x1xf32>
    %get3A_3 = arith.constant 0 : index
    %get3A_4 = arith.constant 0 : index
    %get3A_5 = vector.load %arg0[%get3A_3, %get3A_4] : memref<32x512xf32, #tpu.memory_space<vmem>>, vector<32x512xf32>
    %reduce_sum3A = arith.constant dense<0.000000e+00> : vector<512xf32>
    %reduce_sum3A_6 = vector.multi_reduction <add>, %get3A_5, %reduce_sum3A [0] : vector<32x512xf32> to vector<512xf32>
    %broadcast_in_dim3A = vector.shape_cast %reduce_sum3A_6 : vector<512xf32> to vector<1x512xf32>
    %get3A_7 = arith.constant 0 : index
    %get3A_8 = arith.constant 0 : index
    %get3A_9 = vector.load %arg1[%get3A_7, %get3A_8] : memref<1x512xf32, #tpu.memory_space<vmem>>, vector<1x512xf32>
    %add3A = arith.addf %broadcast_in_dim3A, %get3A_9 : vector<1x512xf32>
    %div3A = vector.broadcast %get3A_2 : f32 to vector<1x512xf32>
    %div3A_10 = arith.divf %add3A, %div3A : vector<1x512xf32>
    %add3A_11 = arith.constant 9.99999974E-5 : f32
    %add3A_12 = vector.broadcast %add3A_11 : f32 to vector<1x512xf32>
    %add3A_13 = arith.addf %div3A_10, %add3A_12 : vector<1x512xf32>
    %log3A = math.log %add3A_13 : vector<1x512xf32>
    %swap3A = arith.constant 0 : index
    %swap3A_14 = arith.constant 0 : index
    %swap3A_15 = vector.load %arg3[%swap3A, %swap3A_14] : memref<1x512xf32, #tpu.memory_space<vmem>>, vector<1x512xf32>
    tpu.vector_store %arg3[%swap3A, %swap3A_14], %log3A {strides = array<i32>} : memref<1x512xf32, #tpu.memory_space<vmem>>, vector<1x512xf32>,
    return
  }
}

</mosaic_0001>

<sc_bundles>
// kernel: kernel.6.cloned.1.call-start
scs
__scs_entry_jumppad:
0x0: {  	(pc) =	sbr.rel $0x88, $3  }
0x1: {  	(tag) =	ssettag $0x0;
	lr =	simm.s32 $0x1  }
0x2: {  	[smem:$0x3F96] =	sst lr;
	_ =	strace $0xD0000000  }
0x3: {  	_ = 	snop  }
0x4: {  	_ = 	snop  }
0x5: {  	_ = 	snop  }
0x6: {  	_ = 	snop  }
0x7: {  	_ = 	snop  }
__scs_overlays_trampoline_lowered:
0x8: {  	[smem:$0x3FA5] =	sst s0  }
0x9: {  	[smem:$0x3FA6] =	sst s1  }
0xa: {  	[smem:$0x3FA7] =	sst s2  }
0xb: {  	[smem:$0x3FA8] =	sst s3  }
0xc: {  	[smem:$0x3FA9] =	sst s4  }
0xd: {  	[smem:$0x3FAA] =	sst s5  }
0xe: {  	[smem:$0x3FAB] =	sst s6  }
0xf: {  	[smem:$0x3FAC] =	sst s7  }
0x10: {  	[smem:$0x3FAD] =	sst s8  }
0x11: {  	[smem:$0x3FAE] =	sst s9;
	s0 =	simm.s32 @!p0 $0x0  }
0x12: {  	s1 =	sld [smem:$0x3F94];
	s0 =	simm.s32 @p0 $0x1  }
0x13: {  	[smem:$0x3FAF] =	sst s0;
	s0 =	simm.s32 @!p1 $0x0  }
0x14: {  	s2 =	sld [smem:$0x3F93];
	s0 =	simm.s32 @p1 $0x1  }
0x15: {  	[smem:$0x3FB0] =	sst s0;
	s0 =	simm.s32 @!p2 $0x0  }
0x16: {  	s3 =	sld [smem:$0x3FDB];
	s0 =	simm.s32 @p2 $0x1  }
0x17: {  	s4 =	simm.s32 $0x1BF5;
	[smem:$0x3FB2] =	sst s0  }
0x18: {  	s0 =	sld [smem:$0x3F95];
	_ =	swait.ge [sflag:s4], $0x0  }
0x19: {  	s7 =	sld [smem:$0x3F96]  }
0x1a: {  	s8 =	sadd.s32 $0xFFFFE003, lr  }
0x1b: {  	s9 =	sadd.s32 $0xFFFFFEF7, lr;
	s5 =	simm.s32 $0xFFFFFFFF;
	p2 =	slt.u32 s8, $0xFFFFF086  }
0x1c: {  	p1 =	slt.u32 s9, $0xF7A;
	s5 =	simm.s32 @!p2 $0x0  }
0x1d: {  	s5 =	simm.s32 @p1 $0x1;
	p0 =	seq.s32 s7, s2  }
0x1e: {  	s7 =	smul.u32 @!p0 $0xF7A, s2;
	p2 =	seq.s32 @!p0 s5, $0x0  }
0x1f: {  	s9 =	smul.u32 $0xF7A, s1;
	s8 =	simm.s32 @!p0 $0x1BF5;
	p2 =	por !p2, p0  }
0x20: {  	[sflag:s8] =	ssyncset.s32 @!p0 $0xFFFFF086;
	s6 =	sadd.s32 @!p0 s3, s7;
	s7 =	simm.s32 @!p0 $0x108  }
0x21: {  	s3 =	sadd.s32 s3, s9;
	s6 =	sadd.s32 @!p0 $0x88, s6;
	s7 =	simm.s32 @p2 $0x1082  }
0x22: {  	[simem:s7], [sflag:s8] =	dma.local @!p0 [hbm:s6], $0xF7A  }
0x23: {  	s9 =	sor.u32 $0xD0000000, s2;
	s6 =	simm.s32 $0x108;
	_ =	swait.ge @!p0 [sflag:s8], $0x0  }
0x24: {  	s3 =	sadd.s32 $0x88, s3;
	s6 =	simm.s32 @!p1 $0x1082;
	[sflag:s4] =	ssyncset.s32 $0xFFFFF086  }
0x25: {  	[simem:s6], [sflag:s4] =	dma.local [hbm:s3], $0xF7A  }
0x26: {  	[smem:$0x3F96] =	sst s1;
	(tag) =	ssettag s2;
	_ =	strace s9  }
0x27: {  	s1 =	sld [smem:$0x3FA6]  }
0x28: {  	s2 =	sld [smem:$0x3FA7]  }
0x29: {  	s4 =	sld [smem:$0x3FA9]  }
0x2a: {  	p0 =	seq.s32 s5, $0x0;
	s5 =	sld [smem:$0x3FAA]  }
0x2b: {  	s6 =	sld [smem:$0x3FAB]  }
0x2c: {  	s7 =	sld [smem:$0x3FAC]  }
0x2d: {  	s3 =	simm.s32 $0x108;
	s8 =	sld [smem:$0x3FAD]  }
0x2e: {  	s3 =	simm.s32 @!p0 $0x1082;
	s9 =	sld [smem:$0x3FAE]  }
0x2f: {  	lr =	sadd.s32 s0, s3;
	s0 =	sld [smem:$0x3FA5]  }
0x30: {  	s3 =	sld [smem:$0x3FA8]  }
0x31: {  	[smem:$0x3FB1] =	sst s10  }
0x32: {  	s10 =	sld [smem:$0x3FAF];
	_ =	sdelay $0x3  }
0x33: {  	p0 =	seq.s32 s10, $0x1;
	s10 =	sld [smem:$0x3FB1];
	_ =	sdelay $0x3  }
0x34: {  	[smem:$0x3FB1] =	sst s10  }
0x35: {  	s10 =	sld [smem:$0x3FB0];
	_ =	sdelay $0x3  }
0x36: {  	p1 =	seq.s32 s10, $0x1;
	s10 =	sld [smem:$0x3FB1];
	_ =	sdelay $0x3  }
0x37: {  	[smem:$0x3FB1] =	sst s10  }
0x38: {  	s10 =	sld [smem:$0x3FB2]  }
0x39: {  	_ = 	snop;
	(pc) =	sbr.ind lr, $3  }
0x3a: {  	_ = 	snop  }
0x3b: {  	_ = 	snop  }
0x3c: {  	p2 =	seq.s32 s10, $0x1;
	s10 =	sld [smem:$0x3FB1]  }
0x3d: {  	_ =	shalt  }
0x3e: {  	_ =	shalt  }
0x3f: {  	_ =	shalt  }
0x40: {  	_ =	shalt  }
0x41: {  	_ =	shalt  }
0x42: {  	_ =	shalt  }
0x43: {  	_ =	shalt  }
0x44: {  	_ =	shalt  }
0x45: {  	_ =	shalt  }
0x46: {  	_ =	shalt  }
0x47: {  	_ =	shalt  }
0x48: {  	_ =	shalt  }
0x49: {  	_ =	shalt  }
0x4a: {  	_ =	shalt  }
0x4b: {  	_ =	shalt  }
0x4c: {  	_ =	shalt  }
0x4d: {  	_ =	shalt  }
0x4e: {  	_ =	shalt  }
0x4f: {  	_ =	shalt  }
0x50: {  	_ =	shalt  }
0x51: {  	_ =	shalt  }
0x52: {  	_ =	shalt  }
0x53: {  	_ =	shalt  }
0x54: {  	_ =	shalt  }
0x55: {  	_ =	shalt  }
0x56: {  	_ =	shalt  }
0x57: {  	_ =	shalt  }
0x58: {  	_ =	shalt  }
0x59: {  	_ =	shalt  }
0x5a: {  	_ =	shalt  }
0x5b: {  	_ =	shalt  }
0x5c: {  	_ =	shalt  }
0x5d: {  	_ =	shalt  }
0x5e: {  	_ =	shalt  }
0x5f: {  	_ =	shalt  }
0x60: {  	_ =	shalt  }
0x61: {  	_ =	shalt  }
0x62: {  	_ =	shalt  }
0x63: {  	_ =	shalt  }
0x64: {  	_ =	shalt  }
0x65: {  	_ =	shalt  }
0x66: {  	_ =	shalt  }
0x67: {  	_ =	shalt  }
0x68: {  	_ =	shalt  }
0x69: {  	_ =	shalt  }
0x6a: {  	_ =	shalt  }
0x6b: {  	_ =	shalt  }
0x6c: {  	_ =	shalt  }
0x6d: {  	_ =	shalt  }
0x6e: {  	_ =	shalt  }
0x6f: {  	_ =	shalt  }
0x70: {  	_ =	shalt  }
0x71: {  	_ =	shalt  }
0x72: {  	_ =	shalt  }
0x73: {  	_ =	shalt  }
0x74: {  	_ =	shalt  }
0x75: {  	_ =	shalt  }
0x76: {  	_ =	shalt  }
0x77: {  	_ =	shalt  }
0x78: {  	_ =	shalt  }
0x79: {  	_ =	shalt  }
0x7a: {  	_ =	shalt  }
0x7b: {  	_ =	shalt  }
0x7c: {  	_ =	shalt  }
0x7d: {  	_ =	shalt  }
0x7e: {  	_ =	shalt  }
0x7f: {  	_ =	shalt  }
0x80: {  	_ =	shalt  }
0x81: {  	_ =	shalt  }
0x82: {  	_ =	shalt  }
0x83: {  	_ =	shalt  }
0x84: {  	_ =	shalt  }
0x85: {  	_ =	shalt  }
0x86: {  	_ =	shalt  }
0x87: {  	_ =	shalt  }
.Lfunc_end0:
.L_simem_size_0:
called_computation_lowered:
.L_overlay_start_0:
0x88: {  	s2 =	sld [smem:$0x3FD9]  }
0x89: {  	s3 =	sld [smem:$0x3FFE];
	_ =	sdelay $0x1  }
0x8a: {  	s1 =	srdreg.scid  }
0x8b: {  	s0 =	sand.u32 $0x1, s1  }
0x8c: {  	s17 =	sshll.u32 s0, $0xA;
	s2 =	sadd.s32 s3, s2  }
0x8d: {  	s2 =	sadd.s32 s2, s17  }
0x8e: {  	[smem:$0x3FBD] =	sst s2  }
0x8f: {  	_ = 	snop  }
0x90: {  	s2 =	sld [smem:$0x3FC7]  }
0x91: {  	s18 =	sld [smem:$0x3FD0];
	(tm) =	ssettm $0x1  }
0x92: {  	s4 =	sld [smem:$0x3FFB];
	_ =	sdelay $0x3  }
0x93: {  	_ =	strace s4  }
0x94: {  	s4 =	sld [smem:$0x3FFC];
	_ =	sdelay $0x3  }
0x95: {  	_ =	strace s4  }
0x96: {  	s4 =	sld [smem:$0x3FFD];
	_ =	sdelay $0x3  }
0x97: {  	_ =	strace s4  }
0x98: {  	_ =	strace $0x8FFFFFFF  }
0x99: {  	s19 =	sld [smem:$0x3FDB];
	_ =	sdelay $0x1  }
0x9a: {  	s5 =	simm.s32 $_scs_section_size  }
0x9b: {  	s6 =	simm.s32 $_size__tile_overlayer_lowered;
	s7 =	simm.s32 $_tile_overlayer_lowered  }
0x9c: {  	s22 =	simm.s32 $0x1BFF;
	s21 =	sshll.u32 s7, $0x1;
	s4 =	sadd.s32 s5, s19  }
0x9d: {  	s8 =	simm.s32 $0x0;
	s20 =	sshll.u32 s6, $0x1;
	s6 =	sadd.s32 s21, s4  }
0x9e: {  	[timem:s8], [sflag:s22] =	dma.local [hbm:s6], s20  }
0x9f: {  	_ =	swait.ge [sflag:s22], s20  }
0xa0: {  	s5 =	ssub.s32 $0x0, s20;
	[sflag:s22] =	ssyncset.done $0x0  }
0xa1: {  	[sflag:s22] =	ssyncadd.s32 s5;
	_ =	sdelay $0x1  }
0xa2: {  	s23 =	simm.s32 $0x1B8B  }
0xa3: {  	_ =	swait.ge [sflag:s23], $0x1  }
0xa4: {  	[sflag:s23] =	ssyncset.done $0x0  }
0xa5: {  	s25 =	simm.s32 $0x1B8E;
	s24 =	sld [smem:$0x3FFE];
	[sflag:s23] =	ssyncadd.s32 $0xFFFFFFFF  }
0xa6: {  	s26 =	simm.s32 $execute0_lowered;
	[smem:$0x3FD2] =	sst s25  }
0xa7: {  	s6 =	sshll.u32 s26, $0x1;
	_ =	strace $0x80000046;
	[dreg:$0x1] =	wrdreg $0xFFFFFFFF  }
0xa8: {  	s28 =	simm.s32 $_size_execute0_lowered;
	s4 =	sadd.s32 s4, s6;
	[dreg:$0x0] =	wrdreg $0x0  }
0xa9: {  	s6 =	sshll.u32 s28, $0x1;
	[dreg:$0x2] =	wrdreg s4  }
0xaa: {  	[dreg:$0x3] =	wrdreg s6  }
0xab: {  	[dreg:$0x4] =	wrdreg $0xC0  }
0xac: {  	_ =	task [dreg:s8], $0x5FFFF  }
0xad: {  	[dreg:$0x1] =	wrdreg $0xFFFFFFFF  }
0xae: {  	[dreg:$0x0] =	wrdreg $0x60  }
0xaf: {  	[dreg:$0x2] =	wrdreg s24  }
0xb0: {  	[dreg:$0x3] =	wrdreg s18  }
0xb1: {  	[dreg:$0x4] =	wrdreg s2  }
0xb2: {  	[dreg:$0x5] =	wrdreg $0x9  }
0xb3: {  	_ =	task.clear_ibuf [dreg:s8], $0x6FFFF;
	_ =	strace $0x90000046  }
0xb4: {  	s29 =	simm.s32 $0x9;
	_ =	strace $0x80000048  }
0xb5: {  	_ =	swait.ge [sflag:s29], $0x1  }
0xb6: {  	[sflag:s29] =	ssyncadd.s32 $0xFFFFFFFF  }
0xb7: {  	_ =	strace $0x90000048  }
0xb8: {  	_ =	sfence  }
0xb9: {  	s30 =	sld [smem:$0x0];
	_ =	sdelay $0x2  }
0xba: {  	s31 =	sshll.u32 s1, $0xD;
	s1 =	sshrl.u32 s1, $0x2  }
0xbb: {  	s3 =	sand.u32 $0x4000, s31;
	s1 =	sadd.s32 s1, s30  }
0xbc: {  	s0 =	sor.u32 s3, s0;
	s1 =	sshll.u32 s1, $0x11  }
0xbd: {  	s0 =	sor.u32 s1, s0  }
0xbe: {  	s0 =	sadd.s32 $0x8F2B, s0  }
0xbf: {  	[sflag:s0] =	ssyncadd.remote.s32 $0x1  }
0xc0: {  	_ =	sfence.sel $0xFFFF  }
0xc1: {  	[dreg:$0x0] =	wrdreg $0xFFFFFFFF;
	(pc) =	sbr.abs _section_cstart, $3  }
0xc2: {  	[dreg:$0x1] =	wrdreg $0xFFFFFFFF  }
0xc3: {  	_ =	task.clear_ibuf [dreg:s8], $0x2FFFF;
	_ =	strace $0x9FFFFFFF  }
0xc4: {  	(tm) =	ssettm $0x7FFFFFFF  }
0xc5: {  	_ =	shalt  }
tec
execute0_lowered:
.L_overlay_start_1:
0x0: {  	(tag) =	ssettag $0x1  }
0x1: {  	s0 =	srdreg.scid  }
0x2: {  	s1 =	rddreg [dreg:$0x0];
	s8 =	stileid.u32  }
0x3: {  	s2 =	rddreg [dreg:$0x1];
	s4 =	simm.s32 $0x0;
	s12 =	simm.s32 $0xC780  }
0x4: {  	s13 =	simm.s32 $0x3;
	s14 =	simm.s32 $0x2580;
	s15 =	simm.s32 $0x7580  }
0x5: {  	s16 =	simm.s32 $0x1;
	s17 =	simm.s32 $0x2;
	s18 =	simm.s32 $0x80  }
0x6: {  	s19 =	simm.s32 $0x400;
	s20 =	simm.s32 $0xC580;
	s0 =	sand.u32 $0x1, s0  }
0x7: {  	s21 =	simm.s32 $0x0;
	[smem:$0x7FF] =	sst s4;
	s3 =	sshll.u32 s0, $0x4  }
0x8: {  	s0 =	ssub.s32 $0x2, s0;
	s6 =	sor.u32 s8, s3;
	s3 =	rddreg [dreg:$0x2]  }
0x9: {  	_ =	strace $0x80000047;
	s8 =	sshll.u32 s8, $0x4;
	s9 =	smul.u32 $0x230, s6  }
0xa: {  	s29 =	sshrl.u32 s0, $0x1;
	s8 =	sand.u32 $0x70, s8;
	s10 =	smul.u32 $0x46000, s6  }
0xb: {  	v0 =	vimm.s32 $0x0;
	s0 =	ssub.s32 s0, s29;
	s31 =	sshll.u32 s6, $0x6;
	s7 =	sadd.s32 $0x7D50, s9  }
0xc: {  	v1 =	vimm.s32 $0x1;
	v2 =	vimm.s32 $0x2;
	v3 =	vimm.s32 $0x3;
	s11 =	smax.u32 s0, $0x1;
	s30 =	sshrl.u32 s10, $0x3;
	s5 =	sshrl.u32 s7, $0x3  }
0xd: {  	v4 =	vimm.s32 $0x4;
	v5 =	vimm.s32 $0x5;
	v6 =	vimm.s32 $0x6;
	s10 =	sand.u32 $0x600, s31;
	s7 =	sshll.u32 s7, $0x6;
	s5 =	sadd.s32 s5, s1  }
0xe: {  	v7 =	vimm.s32 $0x7;
	v8 =	vimm.s32 $0x8;
	v9 =	vimm.s32 $0x9;
	s1 =	sadd.s32 s8, s1;
	s8 =	sadd.s32 s3, s30;
	s6 =	sadd.s32 s3, s7  }
0xf: {  	v10 =	vimm.s32 $0xA;
	v11 =	vimm.s32 $0xB;
	v12 =	vimm.s32 $0xC;
	s5 =	sadd.s32 $0x1800, s5;
	s7 =	sadd.s32 $0x1F5E00, s8;
	s1 =	sadd.s32 s10, s1  }
0x10: {  	v13 =	vimm.s32 $0xD;
	v14 =	vimm.s32 $0xE;
	v15 =	vimm.s32 $0xF;
	s8 =	sadd.s32 $0x7DA0, s9;
	s9 =	sadd.s32 $0x7DC8, s9;
	s10 =	sadd.s32 $0x3200, s1  }
.LBB2_1:
0x11: {  	[tilespmem:s12], [sflag:$0x3] =	stream.linear.gather [hbm4b:s2+s4], $0x10, $0x38;
	[tilespmem:$0xC800] =	vst v63  }
0x12: {  	_ =	swait.ge [sflag:s13], $0x10  }
0x13: {  	[sflag:s13] =	ssyncset.done $0x0  }
0x14: {  	[sflag:s13] =	ssyncadd.s32 $0xFFFFFFF0  }
0x15: {  	[tilespmem:s4], [sflag:$0x3] =	stream.linear.gather [hbm4b:s5+s4], $0x230, $0x38;
	[tilespmem:$0xC800] =	vst v63  }
0x16: {  	_ =	swait.ge [sflag:s13], $0x230  }
0x17: {  	[sflag:s13] =	ssyncset.done $0x0  }
0x18: {  	[sflag:s13] =	ssyncadd.s32 $0xFFFFFDD0  }
0x19: {  	[tilespmem:s14], [sflag:$0x1] =	stream.linear.gather [hbm4b:s6+s4], $0x5000, $0x38;
	[tilespmem:$0xC800] =	vst v63  }
0x1a: {  	_ = 	snop  }
0x1b: {  	[tilespmem:s15], [sflag:$0x2] =	stream.linear.gather [hbm4b:s7+s4], $0x5000, $0x38;
	[tilespmem:$0xC800] =	vst v63  }
0x1c: {  	s0 =	simm.s32 $0x0;
	v16 =	vld [tilespmem:$0xC780]  }
0x1d: {  	v17 =	vld [tilespmem:s0+$0x0];
	_ =	sdelay $0x4  }
0x1e: {  	v17 =	vsub.f32 v16, v17;
	_ =	sdelay $0x1  }
0x1f: {  	v17 =	vmul.f32 $1.442695020e+00, v17;
	_ =	sdelay $0x1  }
0x20: {  	(erf) = vpow2.f32 v17;
	_ =	sdelay $0x8  }
0x21: {  	v17 =	vpop (erf)  }
0x22: {  	v18 =	vperm.xlane v17, v0  }
0x23: {  	s22 =	simm.s32 $0x300;
	v19 =	vperm.xlane v17, v1  }
0x24: {  	v20 =	vperm.xlane v17, v2;
	[tilespmem:s22+$0xFFFFFF80] =	vst v18  }
0x25: {  	v60 =	vperm.xlane v17, v5;
	[tilespmem:s22+$0xFFFFFF90] =	vst v19  }
0x26: {  	v61 =	vperm.xlane v17, v8;
	[tilespmem:s22+$0xFFFFFFA0] =	vst v20  }
0x27: {  	v62 =	vperm.xlane v17, v11;
	[tilespmem:s22+$0xFFFFFFD0] =	vst v60  }
0x28: {  	v63 =	vperm.xlane v17, v14;
	[tilespmem:s22+$0x0] =	vst v61  }
0x29: {  	v18 =	vperm.xlane v17, v3;
	[tilespmem:s22+$0x30] =	vst v62  }
0x2a: {  	v19 =	vperm.xlane v17, v4;
	[tilespmem:s22+$0x60] =	vst v63  }
0x2b: {  	[tilespmem:s22+$0xFFFFFFB0] =	vst v18;
	v18 =	vperm.xlane v17, v6  }
0x2c: {  	[tilespmem:s22+$0xFFFFFFC0] =	vst v19;
	v19 =	vperm.xlane v17, v7  }
0x2d: {  	[tilespmem:s22+$0xFFFFFFE0] =	vst v18;
	v18 =	vperm.xlane v17, v9  }
0x2e: {  	[tilespmem:s22+$0xFFFFFFF0] =	vst v19;
	v19 =	vperm.xlane v17, v10  }
0x2f: {  	[tilespmem:s22+$0x10] =	vst v18;
	v18 =	vperm.xlane v17, v12  }
0x30: {  	[tilespmem:s22+$0x20] =	vst v19;
	v19 =	vperm.xlane v17, v13  }
0x31: {  	v17 =	vperm.xlane v17, v15;
	[tilespmem:s22+$0x40] =	vst v18  }
0x32: {  	[tilespmem:s22+$0x50] =	vst v19  }
0x33: {  	s23 =	simm.s32 $0x80;
	s0 =	simm.s32 $0x10;
	[tilespmem:s22+$0x70] =	vst v17  }
.LBB2_2:
0x34: {  	p0 =	sne.s32 s23, $0x880;
	v17 =	vld [tilespmem:s0+$0x0];
	_ =	sdelay $0x4  }
0x35: {  	v17 =	vsub.f32 v16, v17;
	_ =	sdelay $0x1  }
0x36: {  	v17 =	vmul.f32 $1.442695020e+00, v17;
	_ =	sdelay $0x1  }
0x37: {  	(erf) = vpow2.f32 v17;
	_ =	sdelay $0x8  }
0x38: {  	v17 =	vpop (erf)  }
0x39: {  	v18 =	vperm.xlane v17, v0;
	v19 =	vperm.xlane v17, v1  }
0x3a: {  	s22 =	sadd.s32 $0x100, s22;
	v20 =	vperm.xlane v17, v2;
	v21 =	vperm.xlane v17, v3  }
0x3b: {  	v22 =	vperm.xlane v17, v5;
	[tilespmem:s22+$0xFFFFFF80] =	vst v18;
	v18 =	vperm.xlane v17, v4  }
0x3c: {  	v23 =	vperm.xlane v17, v7;
	[tilespmem:s22+$0xFFFFFF90] =	vst v19;
	v19 =	vperm.xlane v17, v6  }
0x3d: {  	v24 =	vperm.xlane v17, v9;
	[tilespmem:s22+$0xFFFFFFA0] =	vst v20;
	v20 =	vperm.xlane v17, v8  }
0x3e: {  	v25 =	vperm.xlane v17, v11;
	[tilespmem:s22+$0xFFFFFFB0] =	vst v21;
	v21 =	vperm.xlane v17, v10  }
0x3f: {  	v26 =	vperm.xlane v17, v13;
	[tilespmem:s22+$0xFFFFFFC0] =	vst v18;
	v18 =	vperm.xlane v17, v12  }
0x40: {  	[tilespmem:s22+$0xFFFFFFD0] =	vst v22;
	v22 =	vperm.xlane v17, v14;
	v17 =	vperm.xlane v17, v15  }
0x41: {  	[tilespmem:s22+$0xFFFFFFE0] =	vst v19  }
0x42: {  	[tilespmem:s22+$0xFFFFFFF0] =	vst v23  }
0x43: {  	[tilespmem:s22+$0x0] =	vst v20  }
0x44: {  	[tilespmem:s22+$0x10] =	vst v24  }
0x45: {  	[tilespmem:s22+$0x20] =	vst v21  }
.Ltmp0:
0x46: {  	[tilespmem:s22+$0x30] =	vst v25;
	(pc) =	sbr.rel @p0 .LBB2_2-.Ltmp0, $4  }
0x47: {  	[tilespmem:s22+$0x40] =	vst v18  }
0x48: {  	[tilespmem:s22+$0x50] =	vst v26  }
0x49: {  	[tilespmem:s22+$0x60] =	vst v22  }
0x4a: {  	s0 =	sshra.s32 s23, $0x2;
	s23 =	sadd.s32 $0x40, s23;
	[tilespmem:s22+$0x70] =	vst v17  }
0x4b: {  	v17 =	vld [tilespmem:s0+$0x0];
	_ =	sdelay $0x4  }
0x4c: {  	v16 =	vsub.f32 v16, v17;
	_ =	sdelay $0x1  }
0x4d: {  	v16 =	vmul.f32 $1.442695020e+00, v16;
	_ =	sdelay $0x1  }
0x4e: {  	(erf) = vpow2.f32 v16;
	_ =	sdelay $0x8  }
0x4f: {  	v16 =	vpop (erf)  }
0x50: {  	v17 =	vperm.xlane v16, v0  }
0x51: {  	s31 =	sadd.s32 $0x100, s22;
	v18 =	vperm.xlane v16, v1  }
0x52: {  	v19 =	vperm.xlane v16, v2;
	[tilespmem:s31+$0xFFFFFF80] =	vst v17  }
0x53: {  	v30 =	vimm.f32 $0.0e+00;
	v45 =	vimm.f32 $0.0e+00;
	v20 =	vperm.xlane v16, v3;
	[tilespmem:s31+$0xFFFFFF90] =	vst v18  }
0x54: {  	v33 =	vimm.f32 $0.0e+00;
	v32 =	vimm.f32 $0.0e+00;
	v21 =	vperm.xlane v16, v4;
	[tilespmem:s31+$0xFFFFFFA0] =	vst v19  }
0x55: {  	v31 =	vimm.f32 $0.0e+00;
	v40 =	vimm.f32 $0.0e+00;
	v22 =	vperm.xlane v16, v6;
	[tilespmem:s31+$0xFFFFFFB0] =	vst v20  }
0x56: {  	v49 =	vimm.f32 $0.0e+00;
	v28 =	vimm.f32 $0.0e+00;
	v23 =	vperm.xlane v16, v7;
	[tilespmem:s31+$0xFFFFFFC0] =	vst v21  }
0x57: {  	v27 =	vimm.f32 $0.0e+00;
	v50 =	vimm.f32 $0.0e+00;
	v24 =	vperm.xlane v16, v8;
	[tilespmem:s31+$0xFFFFFFE0] =	vst v22  }
0x58: {  	v39 =	vimm.f32 $0.0e+00;
	v51 =	vimm.f32 $0.0e+00;
	v25 =	vperm.xlane v16, v9;
	[tilespmem:s31+$0xFFFFFFF0] =	vst v23  }
0x59: {  	v52 =	vimm.f32 $0.0e+00;
	v43 =	vimm.f32 $0.0e+00;
	v26 =	vperm.xlane v16, v10;
	[tilespmem:s31+$0x0] =	vst v24  }
0x5a: {  	v44 =	vimm.f32 $0.0e+00;
	v53 =	vimm.f32 $0.0e+00;
	v29 =	vperm.xlane v16, v11;
	[tilespmem:s31+$0x10] =	vst v25  }
0x5b: {  	v38 =	vimm.f32 $0.0e+00;
	v54 =	vimm.f32 $0.0e+00;
	v34 =	vperm.xlane v16, v12;
	[tilespmem:s31+$0x20] =	vst v26  }
0x5c: {  	v56 =	vimm.f32 $0.0e+00;
	v55 =	vimm.f32 $0.0e+00;
	v35 =	vperm.xlane v16, v13;
	[tilespmem:s31+$0x30] =	vst v29  }
0x5d: {  	v57 =	vimm.f32 $0.0e+00;
	v36 =	vperm.xlane v16, v14;
	v37 =	vperm.xlane v16, v15;
	[tilespmem:s31+$0x40] =	vst v34  }
0x5e: {  	v17 =	vperm.xlane v16, v5;
	v16 =	vimm.f32 $0.0e+00;
	v18 =	vimm.f32 $0.0e+00;
	[tilespmem:s31+$0x50] =	vst v35  }
0x5f: {  	v19 =	vimm.f32 $0.0e+00;
	v22 =	vimm.f32 $0.0e+00;
	v21 =	vimm.f32 $0.0e+00;
	[tilespmem:s31+$0x60] =	vst v36  }
0x60: {  	s22 =	simm.s32 $0x0;
	v20 =	vimm.f32 $0.0e+00;
	v26 =	vimm.f32 $0.0e+00;
	v25 =	vimm.f32 $0.0e+00;
	[tilespmem:s31+$0x70] =	vst v37  }
0x61: {  	s23 =	simm.s32 $0x280;
	s24 =	simm.s32 $0x500;
	s26 =	simm.s32 $0x0;
	v24 =	vimm.f32 $0.0e+00;
	v23 =	vimm.f32 $0.0e+00;
	[tilespmem:s31+$0xFFFFFFD0] =	vst v17;
	v17 =	vimm.f32 $0.0e+00  }
.LBB2_4:
0x62: {  	_ =	swait.ge [sflag:s16], $0x5000  }
0x63: {  	[sflag:s16] =	ssyncset.done $0x0  }
0x64: {  	s0 =	sand.u32 $0x7000, s22;
	s1 =	sand.u32 $0x380, s22;
	[sflag:s16] =	ssyncadd.s32 $0xFFFFB000  }
0x65: {  	s31 =	sor.u32 s1, s0;
	v41 =	vld [tilespmem:s23+$0x0]  }
0x66: {  	v29 =	vld [tilespmem:s31+$0x31F0]  }
0x67: {  	v34 =	vld [tilespmem:s31+$0x2580]  }
0x68: {  	v35 =	vld [tilespmem:s31+$0x2590]  }
0x69: {  	v36 =	vld [tilespmem:s31+$0x25A0]  }
0x6a: {  	v37 =	vld [tilespmem:s31+$0x25B0]  }
0x6b: {  	v42 =	vld [tilespmem:s31+$0x25C0]  }
0x6c: {  	v58 =	vld [tilespmem:s31+$0x25D0]  }
0x6d: {  	v59 =	vld [tilespmem:s31+$0x25E0]  }
0x6e: {  	v60 =	vld [tilespmem:s31+$0x25F0]  }
0x6f: {  	v61 =	vld [tilespmem:s31+$0x2980]  }
0x70: {  	v62 =	vld [tilespmem:s31+$0x2990]  }
0x71: {  	v63 =	vld [tilespmem:s31+$0x29A0]  }
0x72: {  	v0 =	vld [tilespmem:s31+$0x29B0]  }
0x73: {  	v1 =	vld [tilespmem:s31+$0x29C0];
	v29 =	vmul.f32 v29, v41  }
0x74: {  	v2 =	vld [tilespmem:s31+$0x29D0];
	v34 =	vmul.f32 v34, v41;
	v35 =	vmul.f32 v35, v41  }
0x75: {  	v11 =	vld [tilespmem:s31+$0x29F0];
	v9 =	vmul.f32 v37, v41;
	v10 =	vmul.f32 v42, v41  }
0x76: {  	v12 =	vld [tilespmem:s31+$0x2D80];
	v13 =	vmul.f32 v59, v41;
	v62 =	vmul.f32 v62, v41  }
0x77: {  	v14 =	vld [tilespmem:s31+$0x2D90];
	v63 =	vmul.f32 v63, v41;
	v46 =	vadd.f32 v29, v30;
	v48 =	vadd.f32 v34, v57  }
0x78: {  	v4 =	vld [tilespmem:s31+$0x2DB0];
	v0 =	vmul.f32 v0, v41;
	v47 =	vadd.f32 v35, v55;
	v37 =	vadd.f32 v9, v54  }
0x79: {  	v5 =	vld [tilespmem:s31+$0x2DC0];
	v1 =	vmul.f32 v1, v41;
	v38 =	vadd.f32 v10, v38;
	v44 =	vadd.f32 v13, v44  }
0x7a: {  	v29 =	vmul.f32 v36, v41;
	v30 =	vld [tilespmem:s31+$0x29E0];
	v23 =	vadd.f32 v62, v23;
	v24 =	vadd.f32 v63, v24  }
0x7b: {  	v7 =	vmul.f32 v2, v41;
	v25 =	vadd.f32 v0, v25;
	v9 =	vld [tilespmem:s31+$0x2DE0];
	v35 =	vadd.f32 v1, v51  }
0x7c: {  	v6 =	vld [tilespmem:s31+$0x2DD0];
	v10 =	vmul.f32 v11, v41;
	v42 =	vadd.f32 v29, v56;
	v29 =	vmul.f32 v58, v41  }
0x7d: {  	v11 =	vmul.f32 v12, v41;
	v12 =	vld [tilespmem:s31+$0x2DF0];
	v39 =	vadd.f32 v7, v39;
	v13 =	vmul.f32 v14, v41  }
0x7e: {  	v34 =	vadd.f32 v29, v53;
	v29 =	vmul.f32 v60, v41;
	v60 =	vmul.f32 v61, v41;
	v61 =	vld [tilespmem:s31+$0x2DA0]  }
0x7f: {  	v14 =	vld [tilespmem:s31+$0x3180];
	v26 =	vadd.f32 v10, v26;
	v27 =	vadd.f32 v11, v27;
	v8 =	vmul.f32 v30, v41  }
0x80: {  	v59 =	vld [tilespmem:s31+$0x3190];
	v28 =	vadd.f32 v13, v28;
	v62 =	vmul.f32 v9, v41;
	v43 =	vadd.f32 v29, v43  }
0x81: {  	v29 =	vadd.f32 v60, v52;
	v52 =	vmul.f32 v5, v41;
	v30 =	vadd.f32 v8, v50;
	v50 =	vld [tilespmem:s31+$0x31A0]  }
0x82: {  	v51 =	vld [tilespmem:s31+$0x31B0];
	v63 =	vmul.f32 v12, v41;
	v60 =	vmul.f32 v4, v41;
	v33 =	vadd.f32 v62, v33  }
0x83: {  	s25 =	smul.u32 $0x50, s26;
	v31 =	vadd.f32 v52, v31;
	v52 =	vld [tilespmem:s31+$0x31C0];
	v57 =	vmul.f32 v61, v41;
	v61 =	vmul.f32 v6, v41  }
0x84: {  	s29 =	simm.s32 $0x80;
	s28 =	sadd.s32 $0x10, s23;
	s1 =	simm.s32 $0x200;
	v53 =	vld [tilespmem:s31+$0x31D0];
	v55 =	vmul.f32 v14, v41;
	v45 =	vadd.f32 v63, v45;
	v40 =	vadd.f32 v60, v40  }
0x85: {  	s30 =	simm.s32 $0x400;
	s0 =	sand.u32 $0x380, s29;
	s1 =	sand.u32 $0x7000, s1;
	v54 =	vld [tilespmem:s31+$0x31E0];
	v56 =	vmul.f32 v59, v41;
	v36 =	vadd.f32 v57, v49;
	v32 =	vadd.f32 v61, v32  }
.LBB2_5:
0x86: {  	p0 =	sne.s32 s30, $0x4E00;
	v0 =	vld [tilespmem:s28+$0x0];
	s31 =	sor.u32 s0, s1;
	v20 =	vadd.f32 v55, v20;
	v1 =	vmul.f32 v50, v41  }
0x87: {  	v2 =	vld [tilespmem:s31+$0x31F0];
	v21 =	vadd.f32 v56, v21;
	v49 =	vmul.f32 v51, v41  }
0x88: {  	v50 =	vld [tilespmem:s31+$0x2580];
	v22 =	vadd.f32 v1, v22;
	v1 =	vmul.f32 v52, v41  }
0x89: {  	v51 =	vld [tilespmem:s31+$0x2590];
	v19 =	vadd.f32 v49, v19;
	v49 =	vmul.f32 v53, v41  }
0x8a: {  	v52 =	vld [tilespmem:s31+$0x25A0];
	v18 =	vadd.f32 v1, v18;
	v1 =	vmul.f32 v54, v41  }
0x8b: {  	v53 =	vld [tilespmem:s31+$0x25B0];
	v17 =	vadd.f32 v49, v17;
	v41 =	vmov v0  }
0x8c: {  	v0 =	vld [tilespmem:s31+$0x25C0];
	v2 =	vmul.f32 v2, v41;
	v16 =	vadd.f32 v1, v16  }
0x8d: {  	v1 =	vmul.f32 v50, v41;
	v49 =	vld [tilespmem:s31+$0x25D0]  }
0x8e: {  	v50 =	vmul.f32 v51, v41;
	v51 =	vld [tilespmem:s31+$0x25E0];
	v46 =	vadd.f32 v2, v46  }
0x8f: {  	v48 =	vadd.f32 v1, v48;
	v1 =	vmul.f32 v52, v41;
	v2 =	vld [tilespmem:s31+$0x25F0]  }
0x90: {  	v47 =	vadd.f32 v50, v47;
	v50 =	vmul.f32 v53, v41;
	v52 =	vld [tilespmem:s31+$0x2980]  }
0x91: {  	v42 =	vadd.f32 v1, v42;
	v0 =	vmul.f32 v0, v41;
	v1 =	vld [tilespmem:s31+$0x2990]  }
0x92: {  	v37 =	vadd.f32 v50, v37;
	v49 =	vmul.f32 v49, v41;
	v50 =	vld [tilespmem:s31+$0x29A0]  }
0x93: {  	v38 =	vadd.f32 v0, v38;
	v0 =	vmul.f32 v51, v41;
	v51 =	vld [tilespmem:s31+$0x29B0]  }
0x94: {  	v34 =	vadd.f32 v49, v34;
	v2 =	vmul.f32 v2, v41;
	v49 =	vld [tilespmem:s31+$0x29C0]  }
0x95: {  	v44 =	vadd.f32 v0, v44;
	v0 =	vmul.f32 v52, v41;
	v52 =	vld [tilespmem:s31+$0x29D0]  }
0x96: {  	v43 =	vadd.f32 v2, v43;
	v1 =	vmul.f32 v1, v41;
	v2 =	vld [tilespmem:s31+$0x29E0]  }
0x97: {  	v29 =	vadd.f32 v0, v29;
	v0 =	vmul.f32 v50, v41;
	v50 =	vld [tilespmem:s31+$0x29F0]  }
0x98: {  	v23 =	vadd.f32 v1, v23;
	v1 =	vmul.f32 v51, v41;
	v51 =	vld [tilespmem:s31+$0x2D80]  }
0x99: {  	v24 =	vadd.f32 v0, v24;
	v0 =	vmul.f32 v49, v41;
	v49 =	vld [tilespmem:s31+$0x2D90]  }
0x9a: {  	v25 =	vadd.f32 v1, v25;
	v1 =	vmul.f32 v52, v41;
	v52 =	vld [tilespmem:s31+$0x2DA0]  }
0x9b: {  	v35 =	vadd.f32 v0, v35;
	v0 =	vmul.f32 v2, v41;
	v2 =	vld [tilespmem:s31+$0x2DB0]  }
0x9c: {  	v39 =	vadd.f32 v1, v39;
	v1 =	vmul.f32 v50, v41;
	v50 =	vld [tilespmem:s31+$0x2DC0]  }
0x9d: {  	v30 =	vadd.f32 v0, v30;
	v0 =	vmul.f32 v51, v41;
	v51 =	vld [tilespmem:s31+$0x2DD0]  }
0x9e: {  	v26 =	vadd.f32 v1, v26;
	v1 =	vmul.f32 v49, v41;
	v49 =	vld [tilespmem:s31+$0x2DE0]  }
0x9f: {  	v27 =	vadd.f32 v0, v27;
	v0 =	vmul.f32 v52, v41;
	v52 =	vld [tilespmem:s31+$0x2DF0]  }
0xa0: {  	v28 =	vadd.f32 v1, v28;
	v1 =	vmul.f32 v2, v41;
	v2 =	vld [tilespmem:s31+$0x3180]  }
0xa1: {  	v36 =	vadd.f32 v0, v36;
	v0 =	vmul.f32 v50, v41;
	v54 =	vld [tilespmem:s31+$0x3190]  }
.Ltmp1:
0xa2: {  	v40 =	vadd.f32 v1, v40;
	v1 =	vmul.f32 v51, v41;
	v50 =	vld [tilespmem:s31+$0x31A0];
	(pc) =	sbr.rel @p0 .LBB2_5-.Ltmp1, $4  }
0xa3: {  	v31 =	vadd.f32 v0, v31;
	v0 =	vmul.f32 v49, v41;
	v51 =	vld [tilespmem:s31+$0x31B0]  }
0xa4: {  	v32 =	vadd.f32 v1, v32;
	v1 =	vmul.f32 v52, v41;
	v52 =	vld [tilespmem:s31+$0x31C0]  }
0xa5: {  	s29 =	sadd.s32 $0x80, s29;
	s28 =	sadd.s32 $0x10, s28;
	v33 =	vadd.f32 v0, v33;
	v55 =	vmul.f32 v2, v41;
	v53 =	vld [tilespmem:s31+$0x31D0]  }
0xa6: {  	s1 =	sand.u32 $0x7000, s30;
	s30 =	sadd.s32 $0x200, s30;
	s0 =	sand.u32 $0x380, s29;
	v45 =	vadd.f32 v1, v45;
	v56 =	vmul.f32 v54, v41;
	v54 =	vld [tilespmem:s31+$0x31E0]  }
0xa7: {  	v49 =	vld [tilespmem:s28+$0x0];
	s0 =	sor.u32 s0, s1  }
0xa8: {  	v0 =	vld [tilespmem:s0+$0x31F0]  }
0xa9: {  	v1 =	vld [tilespmem:s0+$0x2580]  }
0xaa: {  	v2 =	vld [tilespmem:s0+$0x2590]  }
0xab: {  	v57 =	vld [tilespmem:s0+$0x25A0]  }
0xac: {  	v58 =	vld [tilespmem:s0+$0x25B0]  }
0xad: {  	v59 =	vld [tilespmem:s0+$0x25C0]  }
0xae: {  	v60 =	vld [tilespmem:s0+$0x25D0]  }
0xaf: {  	v61 =	vld [tilespmem:s0+$0x25E0]  }
0xb0: {  	v62 =	vld [tilespmem:s0+$0x25F0]  }
0xb1: {  	v63 =	vld [tilespmem:s0+$0x2980]  }
0xb2: {  	v3 =	vld [tilespmem:s0+$0x2990]  }
0xb3: {  	v4 =	vld [tilespmem:s0+$0x29A0]  }
0xb4: {  	v5 =	vld [tilespmem:s0+$0x29B0]  }
0xb5: {  	v15 =	vld [tilespmem:s0+$0x2DD0]  }
0xb6: {  	v6 =	vld [tilespmem:s0+$0x29C0]  }
0xb7: {  	v7 =	vld [tilespmem:s0+$0x29D0]  }
0xb8: {  	v8 =	vld [tilespmem:s0+$0x29E0]  }
0xb9: {  	v9 =	vld [tilespmem:s0+$0x29F0]  }
0xba: {  	[tilespmem:$0x1FFC0] =	vst v15;
	v15 =	vld [tilespmem:s0+$0x2DE0]  }
0xbb: {  	v10 =	vld [tilespmem:s0+$0x2D80]  }
0xbc: {  	v11 =	vld [tilespmem:s0+$0x2D90]  }
0xbd: {  	v12 =	vld [tilespmem:s0+$0x2DA0]  }
0xbe: {  	v13 =	vld [tilespmem:s0+$0x2DB0]  }
0xbf: {  	[tilespmem:$0x1FFD0] =	vst v15;
	v15 =	vld [tilespmem:s0+$0x2DF0]  }
0xc0: {  	v14 =	vld [tilespmem:s0+$0x2DC0]  }
0xc1: {  	v20 =	vadd.f32 v55, v20;
	v51 =	vmul.f32 v51, v41;
	v55 =	vld [tilespmem:s0+$0x3190]  }
0xc2: {  	v21 =	vadd.f32 v56, v21;
	v56 =	vmul.f32 v52, v41;
	v52 =	vld [tilespmem:s0+$0x31A0]  }
0xc3: {  	v19 =	vadd.f32 v51, v19;
	v51 =	vmul.f32 v53, v41;
	v53 =	vld [tilespmem:s0+$0x31B0]  }
0xc4: {  	v50 =	vmul.f32 v50, v41;
	p0 =	seq.s32 s26, $0x6;
	[tilespmem:$0x1FFE0] =	vst v15;
	v15 =	vld [tilespmem:s0+$0x3180]  }
0xc5: {  	s1 =	sadd.s32 @!p0 s25, s8;
	v41 =	vmul.f32 v54, v41;
	v54 =	vld [tilespmem:s0+$0x31C0];
	v0 =	vmul.f32 v0, v49  }
0xc6: {  	v22 =	vadd.f32 v50, v22;
	s1 =	sshll.u32 @!p0 s1, $0x6;
	v50 =	vadd.f32 v56, v18;
	v56 =	vld [tilespmem:s0+$0x31D0]  }
0xc7: {  	s28 =	simm.s32 @!p0 $0x2580;
	v0 =	vadd.f32 v0, v46;
	v46 =	vld [tilespmem:s0+$0x31E0];
	s0 =	sadd.s32 @!p0 s3, s1;
	s1 =	simm.s32 @!p0 $0x0  }
0xc8: {  	v51 =	vadd.f32 v51, v17;
	v17 =	vmul.f32 v58, v49;
	[tilespmem:s28], [sflag:$0x1] =	stream.linear.gather @!p0 [hbm4b:s0+s1], $0x5000, $0x38;
	[tilespmem:$0xC800] =	vst v63  }
0xc9: {  	v1 =	vmul.f32 v1, v49;
	v41 =	vadd.f32 v41, v16;
	v18 =	vmul.f32 v59, v49;
	[tilespmem:$0x1FFF0] =	vst v15  }
0xca: {  	v16 =	vmul.f32 v57, v49;
	v37 =	vadd.f32 v17, v37;
	v17 =	vmul.f32 v62, v49;
	_ =	swait.ge [sflag:s17], $0x5000  }
0xcb: {  	v1 =	vadd.f32 v1, v48;
	v48 =	vadd.f32 v18, v38;
	v18 =	vmul.f32 v63, v49;
	v15 =	vld [tilespmem:$0x1FFC0]  }
0xcc: {  	v8 =	vmul.f32 v8, v49;
	v57 =	vadd.f32 v17, v43;
	v17 =	vld [tilespmem:$0x1FFD0]  }
0xcd: {  	v42 =	vadd.f32 v16, v42;
	v16 =	vmul.f32 v60, v49;
	v29 =	vadd.f32 v18, v29;
	s1 =	simm.s32 $0x0;
	[sflag:s17] =	ssyncset.done $0x0;
	v18 =	vld [tilespmem:$0x1FFE0]  }
0xce: {  	v2 =	vmul.f32 v2, v49;
	v8 =	vadd.f32 v8, v30;
	s31 =	sand.u32 $0x7000, s1;
	s0 =	sand.u32 $0x380, s1;
	v30 =	vld [tilespmem:$0x1FFF0];
	[sflag:s17] =	ssyncadd.s32 $0xFFFFB000  }
0xcf: {  	v61 =	vmul.f32 v61, v49;
	v3 =	vmul.f32 v3, v49;
	v34 =	vadd.f32 v16, v34;
	s31 =	sor.u32 s0, s31;
	v16 =	vld [tilespmem:s24+$0x0]  }
0xd0: {  	v4 =	vmul.f32 v4, v49;
	v5 =	vmul.f32 v5, v49;
	v63 =	vld [tilespmem:s31+$0x81F0]  }
0xd1: {  	v6 =	vmul.f32 v6, v49;
	v7 =	vmul.f32 v7, v49;
	v3 =	vadd.f32 v3, v23;
	v23 =	vld [tilespmem:s31+$0x7580]  }
0xd2: {  	v9 =	vmul.f32 v9, v49;
	v10 =	vmul.f32 v10, v49;
	v4 =	vadd.f32 v4, v24;
	v24 =	vld [tilespmem:s31+$0x7590]  }
0xd3: {  	v11 =	vmul.f32 v11, v49;
	v12 =	vmul.f32 v12, v49;
	v5 =	vadd.f32 v5, v25;
	v25 =	vld [tilespmem:s31+$0x75A0]  }
0xd4: {  	v13 =	vmul.f32 v13, v49;
	v2 =	vadd.f32 v2, v47;
	v6 =	vadd.f32 v6, v35;
	v35 =	vld [tilespmem:s31+$0x75B0]  }
0xd5: {  	v14 =	vmul.f32 v14, v49;
	v47 =	vadd.f32 v61, v44;
	v9 =	vadd.f32 v9, v26;
	v26 =	vld [tilespmem:s31+$0x75C0]  }
0xd6: {  	v10 =	vadd.f32 v10, v27;
	v11 =	vadd.f32 v11, v28;
	v28 =	vld [tilespmem:s31+$0x75E0];
	v17 =	vmul.f32 v17, v49  }
0xd7: {  	v12 =	vadd.f32 v12, v36;
	v36 =	vld [tilespmem:s31+$0x75F0];
	v18 =	vmul.f32 v18, v49;
	v30 =	vmul.f32 v30, v49  }
0xd8: {  	v14 =	vadd.f32 v14, v31;
	v31 =	vmul.f32 v55, v49;
	v59 =	vld [tilespmem:s31+$0x79A0];
	v58 =	vadd.f32 v17, v33  }
0xd9: {  	v60 =	vld [tilespmem:s31+$0x79C0];
	v15 =	vmul.f32 v15, v49;
	v55 =	vadd.f32 v18, v45;
	v17 =	vadd.f32 v30, v20  }
0xda: {  	v27 =	vld [tilespmem:s31+$0x75D0];
	v20 =	vmul.f32 v52, v49;
	v18 =	vadd.f32 v31, v21;
	v21 =	vmul.f32 v53, v49  }
0xdb: {  	v7 =	vadd.f32 v7, v39;
	v61 =	vld [tilespmem:s31+$0x79D0];
	v30 =	vmul.f32 v54, v49;
	v62 =	vmul.f32 v25, v16  }
0xdc: {  	v13 =	vadd.f32 v13, v40;
	v33 =	vld [tilespmem:s31+$0x7980];
	v40 =	vmul.f32 v35, v16;
	v53 =	vmul.f32 v28, v16  }
0xdd: {  	v15 =	vadd.f32 v15, v32;
	v45 =	vld [tilespmem:s31+$0x7990];
	v54 =	vmul.f32 v36, v16;
	v25 =	vmul.f32 v59, v16  }
0xde: {  	v35 =	vld [tilespmem:s31+$0x79F0];
	v60 =	vmul.f32 v60, v16;
	v38 =	vadd.f32 v20, v22;
	v20 =	vmul.f32 v56, v49  }
0xdf: {  	v36 =	vld [tilespmem:s31+$0x7DA0];
	v22 =	vmul.f32 v46, v49;
	v43 =	vadd.f32 v21, v19;
	v30 =	vadd.f32 v30, v50  }
0xe0: {  	v59 =	vld [tilespmem:s31+$0x7DB0];
	v21 =	vmul.f32 v63, v16;
	v32 =	vadd.f32 v62, v42;
	v25 =	vadd.f32 v25, v4  }
0xe1: {  	v61 =	vmul.f32 v61, v16;
	v46 =	vld [tilespmem:s31+$0x79B0];
	v19 =	vadd.f32 v20, v51;
	v20 =	vadd.f32 v22, v41  }
0xe2: {  	v63 =	vld [tilespmem:s31+$0x79E0];
	v22 =	vmul.f32 v23, v16;
	v23 =	vmul.f32 v24, v16;
	v31 =	vadd.f32 v21, v0  }
0xe3: {  	v51 =	vmul.f32 v27, v16;
	v21 =	vadd.f32 v40, v37;
	v27 =	vld [tilespmem:s31+$0x7D90];
	v40 =	vadd.f32 v53, v47  }
0xe4: {  	v41 =	vadd.f32 v60, v6;
	v53 =	vld [tilespmem:s31+$0x7DF0];
	v24 =	vmul.f32 v33, v16;
	v56 =	vmul.f32 v45, v16  }
0xe5: {  	v45 =	vadd.f32 v54, v57;
	v52 =	vmul.f32 v35, v16;
	v44 =	vadd.f32 v23, v2;
	v2 =	vld [tilespmem:s31+$0x7D80]  }
0xe6: {  	v59 =	vmul.f32 v59, v16;
	v39 =	vadd.f32 v22, v1;
	v23 =	vadd.f32 v51, v34;
	v51 =	vld [tilespmem:s31+$0x7DC0]  }
0xe7: {  	v22 =	vmul.f32 v26, v16;
	v33 =	vadd.f32 v24, v29;
	v24 =	vadd.f32 v56, v3;
	v3 =	vld [tilespmem:s31+$0x7DD0]  }
0xe8: {  	v62 =	vmul.f32 v63, v16;
	v63 =	vld [tilespmem:s31+$0x7DE0];
	v56 =	vmul.f32 v36, v16;
	v47 =	vadd.f32 v59, v13  }
0xe9: {  	v4 =	vld [tilespmem:s31+$0x8180];
	v22 =	vadd.f32 v22, v48;
	v48 =	vmul.f32 v46, v16;
	v46 =	vadd.f32 v61, v7  }
0xea: {  	v57 =	vld [tilespmem:s31+$0x8190];
	v34 =	vadd.f32 v62, v8;
	v54 =	vmul.f32 v27, v16;
	v27 =	vadd.f32 v52, v9  }
0xeb: {  	v49 =	vld [tilespmem:s31+$0x81A0];
	v42 =	vadd.f32 v56, v12;
	v26 =	vadd.f32 v48, v5;
	v2 =	vmul.f32 v2, v16  }
0xec: {  	v50 =	vld [tilespmem:s31+$0x81B0];
	v29 =	vadd.f32 v54, v11;
	v60 =	vmul.f32 v51, v16;
	v61 =	vmul.f32 v3, v16  }
0xed: {  	s26 =	sadd.s32 $0x1, s26;
	v51 =	vld [tilespmem:s31+$0x81C0];
	v62 =	vmul.f32 v63, v16;
	v63 =	vmul.f32 v53, v16;
	v28 =	vadd.f32 v2, v10  }
0xee: {  	s29 =	simm.s32 $0x80;
	s30 =	simm.s32 $0x400;
	s1 =	simm.s32 $0x200;
	v52 =	vld [tilespmem:s31+$0x81D0];
	v54 =	vmul.f32 v4, v16;
	v35 =	vadd.f32 v60, v14;
	v36 =	vadd.f32 v61, v15  }
0xef: {  	s28 =	sadd.s32 $0x10, s24;
	s1 =	sand.u32 $0x7000, s1;
	s0 =	sand.u32 $0x380, s29;
	v53 =	vld [tilespmem:s31+$0x81E0];
	v37 =	vadd.f32 v62, v58;
	v48 =	vadd.f32 v63, v55;
	v55 =	vmul.f32 v57, v16  }
.LBB2_7:
0xf0: {  	p1 =	sne.s32 s30, $0x4E00;
	v0 =	vld [tilespmem:s28+$0x0];
	s31 =	sor.u32 s0, s1;
	v17 =	vadd.f32 v54, v17;
	v1 =	vmul.f32 v49, v16  }
0xf1: {  	v2 =	vld [tilespmem:s31+$0x81F0];
	v18 =	vadd.f32 v55, v18;
	v3 =	vmul.f32 v50, v16  }
0xf2: {  	v4 =	vld [tilespmem:s31+$0x7580];
	v38 =	vadd.f32 v1, v38;
	v1 =	vmul.f32 v51, v16  }
0xf3: {  	v5 =	vld [tilespmem:s31+$0x7590];
	v43 =	vadd.f32 v3, v43;
	v3 =	vmul.f32 v52, v16  }
0xf4: {  	v6 =	vld [tilespmem:s31+$0x75A0];
	v30 =	vadd.f32 v1, v30;
	v1 =	vmul.f32 v53, v16  }
0xf5: {  	v7 =	vld [tilespmem:s31+$0x75B0];
	v19 =	vadd.f32 v3, v19;
	v16 =	vmov v0  }
0xf6: {  	v0 =	vld [tilespmem:s31+$0x75C0];
	v2 =	vmul.f32 v2, v16;
	v20 =	vadd.f32 v1, v20  }
0xf7: {  	v1 =	vmul.f32 v4, v16;
	v3 =	vld [tilespmem:s31+$0x75D0]  }
0xf8: {  	v4 =	vmul.f32 v5, v16;
	v5 =	vld [tilespmem:s31+$0x75E0];
	v31 =	vadd.f32 v2, v31  }
0xf9: {  	v39 =	vadd.f32 v1, v39;
	v1 =	vmul.f32 v6, v16;
	v2 =	vld [tilespmem:s31+$0x75F0]  }
0xfa: {  	v44 =	vadd.f32 v4, v44;
	v4 =	vmul.f32 v7, v16;
	v6 =	vld [tilespmem:s31+$0x7980]  }
0xfb: {  	v32 =	vadd.f32 v1, v32;
	v0 =	vmul.f32 v0, v16;
	v1 =	vld [tilespmem:s31+$0x7990]  }
0xfc: {  	v21 =	vadd.f32 v4, v21;
	v3 =	vmul.f32 v3, v16;
	v4 =	vld [tilespmem:s31+$0x79A0]  }
0xfd: {  	v22 =	vadd.f32 v0, v22;
	v0 =	vmul.f32 v5, v16;
	v5 =	vld [tilespmem:s31+$0x79B0]  }
0xfe: {  	v23 =	vadd.f32 v3, v23;
	v2 =	vmul.f32 v2, v16;
	v3 =	vld [tilespmem:s31+$0x79C0]  }
0xff: {  	v40 =	vadd.f32 v0, v40;
	v0 =	vmul.f32 v6, v16;
	v6 =	vld [tilespmem:s31+$0x79D0]  }
0x100: {  	v45 =	vadd.f32 v2, v45;
	v1 =	vmul.f32 v1, v16;
	v2 =	vld [tilespmem:s31+$0x79E0]  }
0x101: {  	v33 =	vadd.f32 v0, v33;
	v0 =	vmul.f32 v4, v16;
	v4 =	vld [tilespmem:s31+$0x79F0]  }
0x102: {  	v24 =	vadd.f32 v1, v24;
	v1 =	vmul.f32 v5, v16;
	v5 =	vld [tilespmem:s31+$0x7D80]  }
0x103: {  	v25 =	vadd.f32 v0, v25;
	v0 =	vmul.f32 v3, v16;
	v3 =	vld [tilespmem:s31+$0x7D90]  }
0x104: {  	v26 =	vadd.f32 v1, v26;
	v1 =	vmul.f32 v6, v16;
	v6 =	vld [tilespmem:s31+$0x7DA0]  }
0x105: {  	v41 =	vadd.f32 v0, v41;
	v0 =	vmul.f32 v2, v16;
	v2 =	vld [tilespmem:s31+$0x7DB0]  }
0x106: {  	v46 =	vadd.f32 v1, v46;
	v1 =	vmul.f32 v4, v16;
	v4 =	vld [tilespmem:s31+$0x7DC0]  }
0x107: {  	v34 =	vadd.f32 v0, v34;
	v0 =	vmul.f32 v5, v16;
	v5 =	vld [tilespmem:s31+$0x7DD0]  }
0x108: {  	v27 =	vadd.f32 v1, v27;
	v1 =	vmul.f32 v3, v16;
	v3 =	vld [tilespmem:s31+$0x7DE0]  }
0x109: {  	v28 =	vadd.f32 v0, v28;
	v0 =	vmul.f32 v6, v16;
	v6 =	vld [tilespmem:s31+$0x7DF0]  }
0x10a: {  	v29 =	vadd.f32 v1, v29;
	v1 =	vmul.f32 v2, v16;
	v2 =	vld [tilespmem:s31+$0x8180]  }
0x10b: {  	v42 =	vadd.f32 v0, v42;
	v0 =	vmul.f32 v4, v16;
	v4 =	vld [tilespmem:s31+$0x8190]  }
.Ltmp2:
0x10c: {  	v47 =	vadd.f32 v1, v47;
	v1 =	vmul.f32 v5, v16;
	v49 =	vld [tilespmem:s31+$0x81A0];
	(pc) =	sbr.rel @p1 .LBB2_7-.Ltmp2, $4  }
0x10d: {  	v35 =	vadd.f32 v0, v35;
	v0 =	vmul.f32 v3, v16;
	v50 =	vld [tilespmem:s31+$0x81B0]  }
0x10e: {  	v36 =	vadd.f32 v1, v36;
	v1 =	vmul.f32 v6, v16;
	v51 =	vld [tilespmem:s31+$0x81C0]  }
0x10f: {  	s29 =	sadd.s32 $0x80, s29;
	s28 =	sadd.s32 $0x10, s28;
	v37 =	vadd.f32 v0, v37;
	v54 =	vmul.f32 v2, v16;
	v52 =	vld [tilespmem:s31+$0x81D0]  }
0x110: {  	s1 =	sand.u32 $0x7000, s30;
	s30 =	sadd.s32 $0x200, s30;
	s0 =	sand.u32 $0x380, s29;
	v48 =	vadd.f32 v1, v48;
	v55 =	vmul.f32 v4, v16;
	v53 =	vld [tilespmem:s31+$0x81E0]  }
0x111: {  	v0 =	vld [tilespmem:s28+$0x0];
	s31 =	sor.u32 s0, s1  }
0x112: {  	v1 =	vld [tilespmem:s31+$0x81F0]  }
0x113: {  	v2 =	vld [tilespmem:s31+$0x7580]  }
0x114: {  	v3 =	vld [tilespmem:s31+$0x7590]  }
0x115: {  	v4 =	vld [tilespmem:s31+$0x75A0]  }
0x116: {  	v5 =	vld [tilespmem:s31+$0x75B0]  }
0x117: {  	v6 =	vld [tilespmem:s31+$0x75C0]  }
0x118: {  	v7 =	vld [tilespmem:s31+$0x75D0]  }
0x119: {  	v8 =	vld [tilespmem:s31+$0x75E0]  }
0x11a: {  	v9 =	vld [tilespmem:s31+$0x75F0]  }
0x11b: {  	v10 =	vld [tilespmem:s31+$0x7980]  }
0x11c: {  	v11 =	vld [tilespmem:s31+$0x7990]  }
0x11d: {  	v12 =	vld [tilespmem:s31+$0x79A0]  }
0x11e: {  	v13 =	vmul.f32 v49, v16;
	v14 =	vld [tilespmem:s31+$0x79B0]  }
0x11f: {  	v15 =	vadd.f32 v54, v17;
	v17 =	vmul.f32 v50, v16;
	v49 =	vld [tilespmem:s31+$0x79C0];
	v54 =	vmul.f32 v51, v16  }
0x120: {  	v18 =	vadd.f32 v55, v18;
	v50 =	vld [tilespmem:s31+$0x79D0];
	v13 =	vadd.f32 v13, v38;
	v55 =	vmul.f32 v52, v16  }
0x121: {  	v58 =	vld [tilespmem:s31+$0x79E0];
	v17 =	vadd.f32 v17, v43;
	v16 =	vmul.f32 v53, v16;
	v59 =	vadd.f32 v54, v30  }
0x122: {  	v60 =	vld [tilespmem:s31+$0x79F0];
	v61 =	vadd.f32 v55, v19;
	v1 =	vmul.f32 v1, v0;
	v2 =	vmul.f32 v2, v0  }
0x123: {  	v19 =	vld [tilespmem:s31+$0x7D80];
	v16 =	vadd.f32 v16, v20;
	v3 =	vmul.f32 v3, v0;
	v43 =	vmul.f32 v4, v0  }
0x124: {  	v51 =	vmul.f32 v6, v0;
	v62 =	vmul.f32 v7, v0;
	v7 =	vld [tilespmem:s31+$0x7DB0];
	v30 =	vadd.f32 v1, v31  }
0x125: {  	v63 =	vmul.f32 v8, v0;
	v4 =	vld [tilespmem:s31+$0x7DC0];
	v57 =	vadd.f32 v2, v39;
	v55 =	vadd.f32 v3, v44  }
0x126: {  	v6 =	vld [tilespmem:s31+$0x7DD0];
	v44 =	vmul.f32 v5, v0;
	v56 =	vadd.f32 v43, v32;
	v38 =	vadd.f32 v51, v22  }
0x127: {  	v8 =	vld [tilespmem:s31+$0x8180];
	v32 =	vmul.f32 v9, v0;
	v53 =	vadd.f32 v62, v23;
	v39 =	vmul.f32 v10, v0  }
0x128: {  	v2 =	vld [tilespmem:s31+$0x7D90];
	v62 =	vmul.f32 v12, v0;
	v12 =	vmul.f32 v14, v0;
	v54 =	vadd.f32 v44, v21  }
0x129: {  	v5 =	vld [tilespmem:s31+$0x7DA0];
	v14 =	vmul.f32 v49, v0;
	v44 =	vadd.f32 v63, v40;
	v43 =	vadd.f32 v32, v45  }
0x12a: {  	v10 =	vld [tilespmem:s31+$0x8190];
	v45 =	vmul.f32 v11, v0;
	v52 =	vadd.f32 v39, v33;
	v32 =	vmul.f32 v50, v0  }
0x12b: {  	v63 =	vld [tilespmem:s31+$0x7DE0];
	v51 =	vadd.f32 v14, v41;
	v33 =	vmul.f32 v58, v0;
	v41 =	vmul.f32 v60, v0  }
0x12c: {  	v11 =	vld [tilespmem:s31+$0x7DF0];
	v58 =	vmul.f32 v7, v0;
	v60 =	vmul.f32 v4, v0;
	v23 =	vadd.f32 v45, v24  }
0x12d: {  	v14 =	vld [tilespmem:s31+$0x81A0];
	v8 =	vmul.f32 v8, v0;
	v24 =	vadd.f32 v62, v25;
	v25 =	vadd.f32 v12, v26  }
0x12e: {  	v7 =	vld [tilespmem:s31+$0x81C0];
	v39 =	vadd.f32 v32, v46;
	v45 =	vmul.f32 v19, v0;
	v50 =	vadd.f32 v33, v34  }
0x12f: {  	v26 =	vadd.f32 v41, v27;
	v62 =	vmul.f32 v6, v0;
	v12 =	vld [tilespmem:s31+$0x81E0];
	v46 =	vmul.f32 v2, v0  }
0x130: {  	v49 =	vmul.f32 v5, v0;
	v5 =	vld [tilespmem:s31+$0x81B0];
	v40 =	vadd.f32 v58, v47;
	v31 =	vadd.f32 v60, v35  }
0x131: {  	v2 =	vld [tilespmem:s31+$0x81D0];
	v20 =	vadd.f32 v8, v15;
	v27 =	vadd.f32 v45, v28  }
0x132: {  	p1 =	sne.s32 @!p0 s26, $0x7;
	v32 =	vadd.f32 v62, v36;
	v28 =	vadd.f32 v46, v29;
	v63 =	vmul.f32 v63, v0  }
0x133: {  	p1 =	por p0, !p1;
	v49 =	vadd.f32 v49, v42;
	v41 =	vmul.f32 v11, v0;
	v42 =	vmul.f32 v10, v0  }
.Ltmp3:
0x134: {  	v58 =	vmul.f32 v14, v0;
	v62 =	vmul.f32 v7, v0;
	v33 =	vadd.f32 v63, v37;
	(pc) =	sbr.rel @!p1 .LBB2_4-.Ltmp3, $4  }
0x135: {  	s0 =	sadd.s32 @!p0 s25, s9;
	v45 =	vadd.f32 v41, v48;
	v21 =	vadd.f32 v42, v18;
	v60 =	vmul.f32 v5, v0  }
0x136: {  	s1 =	simm.s32 @!p0 $0x0;
	s25 =	simm.s32 @!p0 $0x7580;
	s0 =	sshll.u32 @!p0 s0, $0x6;
	v22 =	vadd.f32 v58, v13;
	v63 =	vmul.f32 v2, v0;
	v0 =	vmul.f32 v12, v0  }
0x137: {  	s23 =	sadd.s32 @!p0 $0x500, s23;
	s24 =	sadd.s32 @!p0 $0x500, s24;
	s0 =	sadd.s32 @!p0 s3, s0;
	v18 =	vadd.f32 v62, v59;
	v19 =	vadd.f32 v60, v17  }
0x138: {  	[tilespmem:s25], [sflag:$0x2] =	stream.linear.gather @!p0 [hbm4b:s0+s1], $0x5000, $0x38;
	v17 =	vadd.f32 v63, v61;
	v16 =	vadd.f32 v0, v16;
	[tilespmem:$0xC800] =	vst v63  }
0x139: {  	[tilespmem:$0xC580] =	vst v57  }
0x13a: {  	[tilespmem:$0xC590] =	vst v55  }
0x13b: {  	[tilespmem:$0xC5A0] =	vst v56  }
0x13c: {  	[tilespmem:$0xC5B0] =	vst v54  }
0x13d: {  	[tilespmem:$0xC5C0] =	vst v38  }
0x13e: {  	[tilespmem:$0xC5D0] =	vst v53  }
0x13f: {  	[tilespmem:$0xC5E0] =	vst v44  }
0x140: {  	[tilespmem:$0xC5F0] =	vst v43  }
0x141: {  	[tilespmem:$0xC600] =	vst v52  }
0x142: {  	[tilespmem:$0xC610] =	vst v23  }
0x143: {  	[tilespmem:$0xC620] =	vst v24  }
0x144: {  	[tilespmem:$0xC630] =	vst v25  }
0x145: {  	[tilespmem:$0xC640] =	vst v51  }
0x146: {  	[tilespmem:$0xC650] =	vst v39  }
0x147: {  	[tilespmem:$0xC660] =	vst v50  }
0x148: {  	[tilespmem:$0xC670] =	vst v26  }
0x149: {  	[tilespmem:$0xC680] =	vst v27  }
0x14a: {  	[tilespmem:$0xC690] =	vst v28  }
0x14b: {  	[tilespmem:$0xC6A0] =	vst v49  }
0x14c: {  	[tilespmem:$0xC6B0] =	vst v40  }
0x14d: {  	[tilespmem:$0xC6C0] =	vst v31  }
0x14e: {  	[tilespmem:$0xC6D0] =	vst v32  }
0x14f: {  	[tilespmem:$0xC6E0] =	vst v33  }
0x150: {  	[tilespmem:$0xC6F0] =	vst v45  }
0x151: {  	[tilespmem:$0xC700] =	vst v20  }
0x152: {  	[tilespmem:$0xC710] =	vst v21  }
0x153: {  	[tilespmem:$0xC720] =	vst v22  }
0x154: {  	[tilespmem:$0xC730] =	vst v19  }
0x155: {  	[tilespmem:$0xC740] =	vst v18  }
0x156: {  	[tilespmem:$0xC770] =	vst v30;
	s21 =	sadd.s32 $0x1, s21  }
0x157: {  	v0 =	vimm.s32 $0x0;
	[tilespmem:$0xC750] =	vst v17;
	p0 =	sne.s32 s21, s11  }
.Ltmp4:
0x158: {  	v1 =	vimm.s32 $0x1;
	v2 =	vimm.s32 $0x2;
	v3 =	vimm.s32 $0x3;
	[tilespmem:$0xC760] =	vst v16;
	(pc) =	sbr.rel @p0 .LBB2_1-.Ltmp4, $4  }
0x159: {  	v4 =	vimm.s32 $0x4;
	v5 =	vimm.s32 $0x5;
	v6 =	vimm.s32 $0x6;
	[hbm4b:s10+s18] =	stream.strided.scatter [tilespmem:s20], [sflag:$0x3], $0x200, s19, s18, $0x38;
	[tilespmem:$0xC800] =	vst v63  }
0x15a: {  	v7 =	vimm.s32 $0x7;
	v8 =	vimm.s32 $0x8;
	v9 =	vimm.s32 $0x9;
	_ =	swait.ge [sflag:s13], $0x200  }
0x15b: {  	v10 =	vimm.s32 $0xA;
	v11 =	vimm.s32 $0xB;
	v12 =	vimm.s32 $0xC;
	[sflag:s13] =	ssyncset.done $0x0  }
0x15c: {  	v13 =	vimm.s32 $0xD;
	v14 =	vimm.s32 $0xE;
	v15 =	vimm.s32 $0xF;
	[sflag:s13] =	ssyncadd.s32 $0xFFFFFE00  }
0x15d: {  	_ =	sfence.sel $0x180000  }
0x15e: {  	[bflag:$0x0] =	sbarrier.arrive $0xFFFF  }
0x15f: {  	_ =	strace $0x90000047  }
0x160: {  	s0 =	stileid.u32;
	[bflag:$0x2] =	sbarrier.arrive $0xFFFF  }
0x161: {  	p0 =	sne.s32 s0, $0x0;
	s0 =	rddreg [dreg:$0x3]  }
0x162: {  	s0 =	sadd.s32 @!p0 $0x100000, s0  }
0x163: {  	[sflag:s0] =	ssyncadd.tile.s32 @!p0 $0x1;
	_ =	shalt  }
.Lfunc_end2:
_tile_overlayer_lowered:
.L_overlay_start_2:
0x164: {  	(tag) =	ssettag $0x2  }
0x165: {  	s0 =	rddreg [dreg:$0x0];
	s2 =	stileid.u32  }
0x166: {  	s1 =	rddreg [dreg:$0x1];
	p0 =	sne.s32 s2, $0x0  }
0x167: {  	s3 =	rddreg [dreg:$0x2];
	[bflag:$0x3] =	sbarrier.arrive $0xFFFF;
	s2 =	simm.s32 @!p0 $0x1C03  }
0x168: {  	[timem:s3], [sflag:s2] =	dma.local @!p0 [hbm:s0], s1  }
0x169: {  	s0 =	simm.s32 @!p0 $0x3  }
0x16a: {  	_ =	swait.ge @!p0 [sflag:s0], s1  }
0x16b: {  	s1 =	ssub.s32 @!p0 $0x0, s1;
	[sflag:s0] =	ssyncset.done @!p0 $0x0  }
0x16c: {  	[sflag:s0] =	ssyncadd.s32 @!p0 s1  }
0x16d: {  	[bflag:$0x3] =	sbarrier.arrive $0xFFFF  }
0x16e: {  	_ =	shalt  }

</sc_bundles>
